<compile_context>
chip_gen: v7x
topology: tpu7x:2x2x1
jax: 0.10.2.dev20260603
libtpu: 0.0.44.dev20260713+nightly
codegen_flags: <defaults>
</compile_context>

<pallas_src>
import functools

import jax
import jax.numpy as jnp
from jax import lax
from jax.experimental import pallas as pl
from jax.experimental.pallas import tpu as pltpu
from jax.experimental.pallas import tpu_sc as plsc

_VOCAB = 1000000
_D = 16
_N_COL = 32
_B = 16384
_NC, _NS = 2, 16
_NW = _NC * _NS
_BPW = _B // _NW
_G = 16
_NGRP = _BPW // _G


def _sc_lookup(index, table_t):
    mesh = plsc.VectorSubcoreMesh(core_axis_name="c", subcore_axis_name="s")

    @functools.partial(
        pl.kernel,
        mesh=mesh,
        out_type=jax.ShapeDtypeStruct((_B, _N_COL), jnp.float32),
        compiler_params=pltpu.CompilerParams(
            needs_layout_passes=False, use_tc_tiling_on_sc=True
        ),
        scratch_types=[
            pltpu.VMEM((_BPW,), jnp.int32),
            pltpu.VMEM((2, _G, _D, 128), jnp.float32),
            pltpu.VMEM((2, _G, _N_COL), jnp.float32),
            pltpu.SemaphoreType.DMA,
            pltpu.SemaphoreType.DMA,
            pltpu.SemaphoreType.DMA,
            pltpu.SemaphoreType.DMA,
        ],
    )
    def body(
        idx_hbm, table_hbm, out_hbm, idx_v, tiles_v, big_v, sem0, sem1, semo0, semo1
    ):
        wid = lax.axis_index("s") * _NC + lax.axis_index("c")
        base = wid * _BPW

        pltpu.sync_copy(idx_hbm.at[pl.ds(base, _BPW)], idx_v)

        lanes = lax.iota(jnp.int32, 16)
        zeros = jnp.zeros((_D,), jnp.float32)

        def fire(g, slot, sem):
            idx16 = idx_v[pl.ds(g * _G, _G)]
            for k in range(_G):
                r = idx16[k]
                r_al = pl.multiple_of((r >> 7) << 7, 128)
                pltpu.async_copy(
                    table_hbm.at[:, pl.ds(r_al, 128)], tiles_v.at[slot, k], sem
                )

        def drain(slot, sem):
            for k in range(_G):
                pltpu.make_async_copy(
                    table_hbm.at[:, pl.ds(0, 128)], tiles_v.at[slot, k], sem
                ).wait()

        def drain_out(sem):
            pltpu.make_async_copy(
                out_hbm.at[pl.ds(base, _G)], big_v.at[0], sem
            ).wait()

        def extract(g, slot, sem):
            i0 = g * _G
            idx16 = idx_v[pl.ds(i0, _G)]
            off16 = idx16 & 127
            for k in range(_G):
                roff = jnp.full((16,), off16[k], jnp.int32)
                vals = plsc.load_gather(
                    tiles_v.at[slot],
                    [jnp.full((16,), k, jnp.int32), lanes, roff],
                )
                big_v[slot, k, pl.ds(0, _D)] = vals
                big_v[slot, k, pl.ds(_D, _D)] = zeros
            pltpu.async_copy(
                big_v.at[slot], out_hbm.at[pl.ds(base + i0, _G)], sem
            )

        fire(0, 0, sem0)

        def grp_body(g, _):
            slot = lax.rem(g, 2)

            @pl.when((g + 1 < _NGRP) & (slot == 0))
            def _fire_next1():
                fire(g + 1, 1, sem1)

            @pl.when((g + 1 < _NGRP) & (slot == 1))
            def _fire_next0():
                fire(g + 1, 0, sem0)

            @pl.when((g >= 2) & (slot == 0))
            def _drain_out0():
                drain_out(semo0)

            @pl.when((g >= 2) & (slot == 1))
            def _drain_out1():
                drain_out(semo1)

            @pl.when(slot == 0)
            def _work0():
                drain(0, sem0)
                extract(g, 0, semo0)

            @pl.when(slot == 1)
            def _work1():
                drain(1, sem1)
                extract(g, 1, semo1)

            return _

        lax.fori_loop(0, _NGRP, grp_body, None)

        drain_out(semo0)
        drain_out(semo1)

    return body(index, table_t)


def kernel(index, table):
    return _sc_lookup(index.astype(jnp.int32), table.T)

# --- scband reference (transcript-rebuilt; emitter-appended) ---
"""Pipeline reference for scband-table-80504866997056 (READ-ONLY COPY).

The authoritative reference and input builder live on the scoring server;
editing this copy changes nothing except your own understanding.
"""

import jax, jax.numpy as jnp
import numpy as np

VOCAB = 1000000
D = 16
N_COL = 32
PAD_VALUE = 0.0
B = 16384


def _pad(table, n_col, pad_value):
    # Constant padding of columns (PadMode.Constant, pad_mode=0)
    cur = table.shape[1]
    if n_col is not None and n_col > cur:
        return jnp.pad(table, ((0, 0), (0, n_col - cur)), mode='constant', constant_values=pad_value)
    return table


def setup_inputs(seed: int = 0) -> dict:
    key = jax.random.key(seed)
    k1, k2 = jax.random.split(key)
    table = jax.random.normal(k1, (VOCAB, D), dtype=jnp.float32)
    index = jax.random.randint(k2, (B,), 0, VOCAB, dtype=jnp.int32)
    return {"index": index, "table": table}


def reference(index, table):
    # Faithful translation of Table.forward with _need_lookup=True
    # (n_col=32 > table.shape[1]=16 triggers padding + index_select)
    padded = _pad(table, N_COL, PAD_VALUE)
    return jnp.take(padded, index.astype(jnp.int32), axis=0)

if __name__ == "__main__":
    import jax
    _d = setup_inputs()
    print(jax.jit(kernel)(*tuple(_d.values())))

</pallas_src>

<mosaic_0001>
#map = affine_map<(d0, d1) -> (0)>
#map1 = affine_map<(d0, d1) -> (0, 0)>
module attributes {stable_mosaic.version = 14 : i64} {
  func.func @body(%arg0: i32, %arg1: i32, %arg2: memref<16384xi32, #tpu.memory_space<hbm>>, %arg3: memref<16x1000000xf32, #tpu.memory_space<hbm>>, %arg4: memref<16384x32xf32, #tpu.memory_space<hbm>>, %arg5: memref<512xi32, #tpu.memory_space<vmem>>, %arg6: memref<2x16x16x128xf32, #tpu.memory_space<vmem>>, %arg7: memref<2x16x32xf32, #tpu.memory_space<vmem>>, %arg8: memref<!tpu.dma_semaphore, #tpu.memory_space<semaphore_mem>>, %arg9: memref<!tpu.dma_semaphore, #tpu.memory_space<semaphore_mem>>, %arg10: memref<!tpu.dma_semaphore, #tpu.memory_space<semaphore_mem>>, %arg11: memref<!tpu.dma_semaphore, #tpu.memory_space<semaphore_mem>>) attributes {dimension_semantics = [#tpu.dimension_semantics<core_parallel>, #tpu.dimension_semantics<subcore_parallel>], iteration_bounds = array<i64: 2, 16>, scalar_prefetch = 0 : i64, scratch_operands = 7 : i64, tpu.core_type = #tpu.core_type<sc_vector_subcore>, window_params = [{transform_indices = #map}, {transform_indices = #map1}, {transform_indices = #map1}]} {
    %mul3A = arith.constant 2 : i32
    %mul3A_0 = arith.muli %arg1, %mul3A : i32
    %add3A = arith.addi %mul3A_0, %arg0 : i32
    %mul3A_1 = arith.constant 512 : i32
    %mul3A_2 = arith.muli %add3A, %mul3A_1 : i32
    "tpu.region"() ({
      %run_scoped3A = tpu.sem_alloc : memref<!tpu.dma_semaphore, #tpu.memory_space<semaphore_mem>>
      %dma_start3A_364 = tpu.memref_slice %arg2[%mul3A_2] : memref<16384xi32, #tpu.memory_space<hbm>> -> memref<512xi32, #tpu.memory_space<hbm>>
      %dma_start3A_365 = tpu.memref_slice %arg2[%mul3A_2] : memref<16384xi32, #tpu.memory_space<hbm>> -> memref<512xi32, #tpu.memory_space<hbm>>
      tpu.enqueue_dma source(%dma_start3A_365 : memref<512xi32, #tpu.memory_space<hbm>>) target(%arg5 : memref<512xi32, #tpu.memory_space<vmem>>) target_semaphore(%run_scoped3A : memref<!tpu.dma_semaphore, #tpu.memory_space<semaphore_mem>>)
      %dma_wait3A_366 = tpu.memref_slice %arg2[%mul3A_2] : memref<16384xi32, #tpu.memory_space<hbm>> -> memref<512xi32, #tpu.memory_space<hbm>>
      %dma_wait3A_367 = tpu.memref_slice %arg2[%mul3A_2] : memref<16384xi32, #tpu.memory_space<hbm>> -> memref<512xi32, #tpu.memory_space<hbm>>
      tpu.wait_dma2 semaphore(%run_scoped3A : memref<!tpu.dma_semaphore, #tpu.memory_space<semaphore_mem>>) src(%dma_wait3A_367 : memref<512xi32, #tpu.memory_space<hbm>>) dst(%arg5 : memref<512xi32, #tpu.memory_space<vmem>>)
      tpu.yield
    }) : () -> ()
    %iota3A = tpu.iota {dimensions = array<i32: 0>} : vector<16xi32>
    %broadcast_in_dim3A = arith.constant 0.000000e+00 : f32
    %broadcast_in_dim3A_3 = vector.broadcast %broadcast_in_dim3A : f32 to vector<16xf32>
    %get3A = arith.constant 0 : index
    %get3A_4 = tpu.vector_load %arg5[%get3A] {strides = array<i32>} : memref<512xi32, #tpu.memory_space<vmem>>, vector<16xi32>,
    %slice3A = vector.extract_strided_slice %get3A_4 {offsets = [0], sizes = [1], strides = [1]} : vector<16xi32> to vector<1xi32>
    %squeeze3A = vector.extract %slice3A[0] : i32 from vector<1xi32>
    %shift_right_arithmetic3A = arith.constant 7 : i32
    %shift_right_arithmetic3A_5 = arith.shrsi %squeeze3A, %shift_right_arithmetic3A : i32
    %shift_left3A = arith.constant 7 : i32
    %shift_left3A_6 = arith.shli %shift_right_arithmetic3A_5, %shift_left3A : i32
    %multiple_of3A = tpu.assume_multiple %shift_left3A_6, 128 : i32
    %dma_start3A = arith.constant 0 : i32
    %dma_start3A_7 = arith.constant 0 : i32
    %dma_start3A_8 = arith.constant 0 : i32
    %dma_start3A_9 = arith.constant 0 : i32
    %dma_start3A_10 = tpu.memref_slice %arg6[%dma_start3A, %dma_start3A_7, %dma_start3A_8, %dma_start3A_9] : memref<2x16x16x128xf32, #tpu.memory_space<vmem>> -> memref<1x1x16x128xf32, #tpu.memory_space<vmem>>
    %dma_start3A_11 = tpu.memref_squeeze %dma_start3A_10 : memref<1x1x16x128xf32, #tpu.memory_space<vmem>> -> memref<16x128xf32, #tpu.memory_space<vmem>>
    %dma_start3A_12 = arith.constant 0 : i32
    %dma_start3A_13 = tpu.memref_slice %arg3[%dma_start3A_12, %multiple_of3A] : memref<16x1000000xf32, #tpu.memory_space<hbm>> -> memref<16x128xf32, #tpu.memory_space<hbm>>
    %dma_start3A_14 = arith.constant 0 : i32
    %dma_start3A_15 = arith.constant 0 : i32
    %dma_start3A_16 = tpu.memref_slice %arg6[%dma_start3A, %dma_start3A_7, %dma_start3A_14, %dma_start3A_15] : memref<2x16x16x128xf32, #tpu.memory_space<vmem>> -> memref<1x1x16x128xf32, #tpu.memory_space<vmem>>
    %dma_start3A_17 = tpu.memref_squeeze %dma_start3A_16 : memref<1x1x16x128xf32, #tpu.memory_space<vmem>> -> memref<16x128xf32, #tpu.memory_space<vmem>>
    %dma_start3A_18 = arith.constant 0 : i32
    %dma_start3A_19 = tpu.memref_slice %arg3[%dma_start3A_18, %multiple_of3A] : memref<16x1000000xf32, #tpu.memory_space<hbm>> -> memref<16x128xf32, #tpu.memory_space<hbm>>
    tpu.enqueue_dma source(%dma_start3A_19 : memref<16x128xf32, #tpu.memory_space<hbm>>) target(%dma_start3A_17 : memref<16x128xf32, #tpu.memory_space<vmem>>) target_semaphore(%arg8 : memref<!tpu.dma_semaphore, #tpu.memory_space<semaphore_mem>>)
    %slice3A_20 = vector.extract_strided_slice %get3A_4 {offsets = [1], sizes = [1], strides = [1]} : vector<16xi32> to vector<1xi32>
    %squeeze3A_21 = vector.extract %slice3A_20[0] : i32 from vector<1xi32>
    %shift_right_arithmetic3A_22 = arith.constant 7 : i32
    %shift_right_arithmetic3A_23 = arith.shrsi %squeeze3A_21, %shift_right_arithmetic3A_22 : i32
    %shift_left3A_24 = arith.constant 7 : i32
    %shift_left3A_25 = arith.shli %shift_right_arithmetic3A_23, %shift_left3A_24 : i32
    %multiple_of3A_26 = tpu.assume_multiple %shift_left3A_25, 128 : i32
    %dma_start3A_27 = arith.constant 0 : i32
    %dma_start3A_28 = arith.constant 1 : i32
    %dma_start3A_29 = arith.constant 0 : i32
    %dma_start3A_30 = arith.constant 0 : i32
    %dma_start3A_31 = tpu.memref_slice %arg6[%dma_start3A_27, %dma_start3A_28, %dma_start3A_29, %dma_start3A_30] : memref<2x16x16x128xf32, #tpu.memory_space<vmem>> -> memref<1x1x16x128xf32, #tpu.memory_space<vmem>>
    %dma_start3A_32 = tpu.memref_squeeze %dma_start3A_31 : memref<1x1x16x128xf32, #tpu.memory_space<vmem>> -> memref<16x128xf32, #tpu.memory_space<vmem>>
    %dma_start3A_33 = arith.constant 0 : i32
    %dma_start3A_34 = tpu.memref_slice %arg3[%dma_start3A_33, %multiple_of3A_26] : memref<16x1000000xf32, #tpu.memory_space<hbm>> -> memref<16x128xf32, #tpu.memory_space<hbm>>
    %dma_start3A_35 = arith.constant 0 : i32
    %dma_start3A_36 = arith.constant 0 : i32
    %dma_start3A_37 = tpu.memref_slice %arg6[%dma_start3A_27, %dma_start3A_28, %dma_start3A_35, %dma_start3A_36] : memref<2x16x16x128xf32, #tpu.memory_space<vmem>> -> memref<1x1x16x128xf32, #tpu.memory_space<vmem>>
    %dma_start3A_38 = tpu.memref_squeeze %dma_start3A_37 : memref<1x1x16x128xf32, #tpu.memory_space<vmem>> -> memref<16x128xf32, #tpu.memory_space<vmem>>
    %dma_start3A_39 = arith.constant 0 : i32
    %dma_start3A_40 = tpu.memref_slice %arg3[%dma_start3A_39, %multiple_of3A_26] : memref<16x1000000xf32, #tpu.memory_space<hbm>> -> memref<16x128xf32, #tpu.memory_space<hbm>>
    tpu.enqueue_dma source(%dma_start3A_40 : memref<16x128xf32, #tpu.memory_space<hbm>>) target(%dma_start3A_38 : memref<16x128xf32, #tpu.memory_space<vmem>>) target_semaphore(%arg8 : memref<!tpu.dma_semaphore, #tpu.memory_space<semaphore_mem>>)
    %slice3A_41 = vector.extract_strided_slice %get3A_4 {offsets = [2], sizes = [1], strides = [1]} : vector<16xi32> to vector<1xi32>
    %squeeze3A_42 = vector.extract %slice3A_41[0] : i32 from vector<1xi32>
    %shift_right_arithmetic3A_43 = arith.constant 7 : i32
    %shift_right_arithmetic3A_44 = arith.shrsi %squeeze3A_42, %shift_right_arithmetic3A_43 : i32
    %shift_left3A_45 = arith.constant 7 : i32
    %shift_left3A_46 = arith.shli %shift_right_arithmetic3A_44, %shift_left3A_45 : i32
    %multiple_of3A_47 = tpu.assume_multiple %shift_left3A_46, 128 : i32
    %dma_start3A_48 = arith.constant 0 : i32
    %dma_start3A_49 = arith.constant 2 : i32
    %dma_start3A_50 = arith.constant 0 : i32
    %dma_start3A_51 = arith.constant 0 : i32
    %dma_start3A_52 = tpu.memref_slice %arg6[%dma_start3A_48, %dma_start3A_49, %dma_start3A_50, %dma_start3A_51] : memref<2x16x16x128xf32, #tpu.memory_space<vmem>> -> memref<1x1x16x128xf32, #tpu.memory_space<vmem>>
    %dma_start3A_53 = tpu.memref_squeeze %dma_start3A_52 : memref<1x1x16x128xf32, #tpu.memory_space<vmem>> -> memref<16x128xf32, #tpu.memory_space<vmem>>
    %dma_start3A_54 = arith.constant 0 : i32
    %dma_start3A_55 = tpu.memref_slice %arg3[%dma_start3A_54, %multiple_of3A_47] : memref<16x1000000xf32, #tpu.memory_space<hbm>> -> memref<16x128xf32, #tpu.memory_space<hbm>>
    %dma_start3A_56 = arith.constant 0 : i32
    %dma_start3A_57 = arith.constant 0 : i32
    %dma_start3A_58 = tpu.memref_slice %arg6[%dma_start3A_48, %dma_start3A_49, %dma_start3A_56, %dma_start3A_57] : memref<2x16x16x128xf32, #tpu.memory_space<vmem>> -> memref<1x1x16x128xf32, #tpu.memory_space<vmem>>
    %dma_start3A_59 = tpu.memref_squeeze %dma_start3A_58 : memref<1x1x16x128xf32, #tpu.memory_space<vmem>> -> memref<16x128xf32, #tpu.memory_space<vmem>>
    %dma_start3A_60 = arith.constant 0 : i32
    %dma_start3A_61 = tpu.memref_slice %arg3[%dma_start3A_60, %multiple_of3A_47] : memref<16x1000000xf32, #tpu.memory_space<hbm>> -> memref<16x128xf32, #tpu.memory_space<hbm>>
    tpu.enqueue_dma source(%dma_start3A_61 : memref<16x128xf32, #tpu.memory_space<hbm>>) target(%dma_start3A_59 : memref<16x128xf32, #tpu.memory_space<vmem>>) target_semaphore(%arg8 : memref<!tpu.dma_semaphore, #tpu.memory_space<semaphore_mem>>)
    %slice3A_62 = vector.extract_strided_slice %get3A_4 {offsets = [3], sizes = [1], strides = [1]} : vector<16xi32> to vector<1xi32>
    %squeeze3A_63 = vector.extract %slice3A_62[0] : i32 from vector<1xi32>
    %shift_right_arithmetic3A_64 = arith.constant 7 : i32
    %shift_right_arithmetic3A_65 = arith.shrsi %squeeze3A_63, %shift_right_arithmetic3A_64 : i32
    %shift_left3A_66 = arith.constant 7 : i32
    %shift_left3A_67 = arith.shli %shift_right_arithmetic3A_65, %shift_left3A_66 : i32
    %multiple_of3A_68 = tpu.assume_multiple %shift_left3A_67, 128 : i32
    %dma_start3A_69 = arith.constant 0 : i32
    %dma_start3A_70 = arith.constant 3 : i32
    %dma_start3A_71 = arith.constant 0 : i32
    %dma_start3A_72 = arith.constant 0 : i32
    %dma_start3A_73 = tpu.memref_slice %arg6[%dma_start3A_69, %dma_start3A_70, %dma_start3A_71, %dma_start3A_72] : memref<2x16x16x128xf32, #tpu.memory_space<vmem>> -> memref<1x1x16x128xf32, #tpu.memory_space<vmem>>
    %dma_start3A_74 = tpu.memref_squeeze %dma_start3A_73 : memref<1x1x16x128xf32, #tpu.memory_space<vmem>> -> memref<16x128xf32, #tpu.memory_space<vmem>>
    %dma_start3A_75 = arith.constant 0 : i32
    %dma_start3A_76 = tpu.memref_slice %arg3[%dma_start3A_75, %multiple_of3A_68] : memref<16x1000000xf32, #tpu.memory_space<hbm>> -> memref<16x128xf32, #tpu.memory_space<hbm>>
    %dma_start3A_77 = arith.constant 0 : i32
    %dma_start3A_78 = arith.constant 0 : i32
    %dma_start3A_79 = tpu.memref_slice %arg6[%dma_start3A_69, %dma_start3A_70, %dma_start3A_77, %dma_start3A_78] : memref<2x16x16x128xf32, #tpu.memory_space<vmem>> -> memref<1x1x16x128xf32, #tpu.memory_space<vmem>>
    %dma_start3A_80 = tpu.memref_squeeze %dma_start3A_79 : memref<1x1x16x128xf32, #tpu.memory_space<vmem>> -> memref<16x128xf32, #tpu.memory_space<vmem>>
    %dma_start3A_81 = arith.constant 0 : i32
    %dma_start3A_82 = tpu.memref_slice %arg3[%dma_start3A_81, %multiple_of3A_68] : memref<16x1000000xf32, #tpu.memory_space<hbm>> -> memref<16x128xf32, #tpu.memory_space<hbm>>
    tpu.enqueue_dma source(%dma_start3A_82 : memref<16x128xf32, #tpu.memory_space<hbm>>) target(%dma_start3A_80 : memref<16x128xf32, #tpu.memory_space<vmem>>) target_semaphore(%arg8 : memref<!tpu.dma_semaphore, #tpu.memory_space<semaphore_mem>>)
    %slice3A_83 = vector.extract_strided_slice %get3A_4 {offsets = [4], sizes = [1], strides = [1]} : vector<16xi32> to vector<1xi32>
    %squeeze3A_84 = vector.extract %slice3A_83[0] : i32 from vector<1xi32>
    %shift_right_arithmetic3A_85 = arith.constant 7 : i32
    %shift_right_arithmetic3A_86 = arith.shrsi %squeeze3A_84, %shift_right_arithmetic3A_85 : i32
    %shift_left3A_87 = arith.constant 7 : i32
    %shift_left3A_88 = arith.shli %shift_right_arithmetic3A_86, %shift_left3A_87 : i32
    %multiple_of3A_89 = tpu.assume_multiple %shift_left3A_88, 128 : i32
    %dma_start3A_90 = arith.constant 0 : i32
    %dma_start3A_91 = arith.constant 4 : i32
    %dma_start3A_92 = arith.constant 0 : i32
    %dma_start3A_93 = arith.constant 0 : i32
    %dma_start3A_94 = tpu.memref_slice %arg6[%dma_start3A_90, %dma_start3A_91, %dma_start3A_92, %dma_start3A_93] : memref<2x16x16x128xf32, #tpu.memory_space<vmem>> -> memref<1x1x16x128xf32, #tpu.memory_space<vmem>>
    %dma_start3A_95 = tpu.memref_squeeze %dma_start3A_94 : memref<1x1x16x128xf32, #tpu.memory_space<vmem>> -> memref<16x128xf32, #tpu.memory_space<vmem>>
    %dma_start3A_96 = arith.constant 0 : i32
    %dma_start3A_97 = tpu.memref_slice %arg3[%dma_start3A_96, %multiple_of3A_89] : memref<16x1000000xf32, #tpu.memory_space<hbm>> -> memref<16x128xf32, #tpu.memory_space<hbm>>
    %dma_start3A_98 = arith.constant 0 : i32
    %dma_start3A_99 = arith.constant 0 : i32
    %dma_start3A_100 = tpu.memref_slice %arg6[%dma_start3A_90, %dma_start3A_91, %dma_start3A_98, %dma_start3A_99] : memref<2x16x16x128xf32, #tpu.memory_space<vmem>> -> memref<1x1x16x128xf32, #tpu.memory_space<vmem>>
    %dma_start3A_101 = tpu.memref_squeeze %dma_start3A_100 : memref<1x1x16x128xf32, #tpu.memory_space<vmem>> -> memref<16x128xf32, #tpu.memory_space<vmem>>
    %dma_start3A_102 = arith.constant 0 : i32
    %dma_start3A_103 = tpu.memref_slice %arg3[%dma_start3A_102, %multiple_of3A_89] : memref<16x1000000xf32, #tpu.memory_space<hbm>> -> memref<16x128xf32, #tpu.memory_space<hbm>>
    tpu.enqueue_dma source(%dma_start3A_103 : memref<16x128xf32, #tpu.memory_space<hbm>>) target(%dma_start3A_101 : memref<16x128xf32, #tpu.memory_space<vmem>>) target_semaphore(%arg8 : memref<!tpu.dma_semaphore, #tpu.memory_space<semaphore_mem>>)
    %slice3A_104 = vector.extract_strided_slice %get3A_4 {offsets = [5], sizes = [1], strides = [1]} : vector<16xi32> to vector<1xi32>
    %squeeze3A_105 = vector.extract %slice3A_104[0] : i32 from vector<1xi32>
    %shift_right_arithmetic3A_106 = arith.constant 7 : i32
    %shift_right_arithmetic3A_107 = arith.shrsi %squeeze3A_105, %shift_right_arithmetic3A_106 : i32
    %shift_left3A_108 = arith.constant 7 : i32
    %shift_left3A_109 = arith.shli %shift_right_arithmetic3A_107, %shift_left3A_108 : i32
    %multiple_of3A_110 = tpu.assume_multiple %shift_left3A_109, 128 : i32
    %dma_start3A_111 = arith.constant 0 : i32
    %dma_start3A_112 = arith.constant 5 : i32
    %dma_start3A_113 = arith.constant 0 : i32
    %dma_start3A_114 = arith.constant 0 : i32
    %dma_start3A_115 = tpu.memref_slice %arg6[%dma_start3A_111, %dma_start3A_112, %dma_start3A_113, %dma_start3A_114] : memref<2x16x16x128xf32, #tpu.memory_space<vmem>> -> memref<1x1x16x128xf32, #tpu.memory_space<vmem>>
    %dma_start3A_116 = tpu.memref_squeeze %dma_start3A_115 : memref<1x1x16x128xf32, #tpu.memory_space<vmem>> -> memref<16x128xf32, #tpu.memory_space<vmem>>
    %dma_start3A_117 = arith.constant 0 : i32
    %dma_start3A_118 = tpu.memref_slice %arg3[%dma_start3A_117, %multiple_of3A_110] : memref<16x1000000xf32, #tpu.memory_space<hbm>> -> memref<16x128xf32, #tpu.memory_space<hbm>>
    %dma_start3A_119 = arith.constant 0 : i32
    %dma_start3A_120 = arith.constant 0 : i32
    %dma_start3A_121 = tpu.memref_slice %arg6[%dma_start3A_111, %dma_start3A_112, %dma_start3A_119, %dma_start3A_120] : memref<2x16x16x128xf32, #tpu.memory_space<vmem>> -> memref<1x1x16x128xf32, #tpu.memory_space<vmem>>
    %dma_start3A_122 = tpu.memref_squeeze %dma_start3A_121 : memref<1x1x16x128xf32, #tpu.memory_space<vmem>> -> memref<16x128xf32, #tpu.memory_space<vmem>>
    %dma_start3A_123 = arith.constant 0 : i32
    %dma_start3A_124 = tpu.memref_slice %arg3[%dma_start3A_123, %multiple_of3A_110] : memref<16x1000000xf32, #tpu.memory_space<hbm>> -> memref<16x128xf32, #tpu.memory_space<hbm>>
    tpu.enqueue_dma source(%dma_start3A_124 : memref<16x128xf32, #tpu.memory_space<hbm>>) target(%dma_start3A_122 : memref<16x128xf32, #tpu.memory_space<vmem>>) target_semaphore(%arg8 : memref<!tpu.dma_semaphore, #tpu.memory_space<semaphore_mem>>)
    %slice3A_125 = vector.extract_strided_slice %get3A_4 {offsets = [6], sizes = [1], strides = [1]} : vector<16xi32> to vector<1xi32>
    %squeeze3A_126 = vector.extract %slice3A_125[0] : i32 from vector<1xi32>
    %shift_right_arithmetic3A_127 = arith.constant 7 : i32
    %shift_right_arithmetic3A_128 = arith.shrsi %squeeze3A_126, %shift_right_arithmetic3A_127 : i32
    %shift_left3A_129 = arith.constant 7 : i32
    %shift_left3A_130 = arith.shli %shift_right_arithmetic3A_128, %shift_left3A_129 : i32
    %multiple_of3A_131 = tpu.assume_multiple %shift_left3A_130, 128 : i32
    %dma_start3A_132 = arith.constant 0 : i32
    %dma_start3A_133 = arith.constant 6 : i32
    %dma_start3A_134 = arith.constant 0 : i32
    %dma_start3A_135 = arith.constant 0 : i32
    %dma_start3A_136 = tpu.memref_slice %arg6[%dma_start3A_132, %dma_start3A_133, %dma_start3A_134, %dma_start3A_135] : memref<2x16x16x128xf32, #tpu.memory_space<vmem>> -> memref<1x1x16x128xf32, #tpu.memory_space<vmem>>
    %dma_start3A_137 = tpu.memref_squeeze %dma_start3A_136 : memref<1x1x16x128xf32, #tpu.memory_space<vmem>> -> memref<16x128xf32, #tpu.memory_space<vmem>>
    %dma_start3A_138 = arith.constant 0 : i32
    %dma_start3A_139 = tpu.memref_slice %arg3[%dma_start3A_138, %multiple_of3A_131] : memref<16x1000000xf32, #tpu.memory_space<hbm>> -> memref<16x128xf32, #tpu.memory_space<hbm>>
    %dma_start3A_140 = arith.constant 0 : i32
    %dma_start3A_141 = arith.constant 0 : i32
    %dma_start3A_142 = tpu.memref_slice %arg6[%dma_start3A_132, %dma_start3A_133, %dma_start3A_140, %dma_start3A_141] : memref<2x16x16x128xf32, #tpu.memory_space<vmem>> -> memref<1x1x16x128xf32, #tpu.memory_space<vmem>>
    %dma_start3A_143 = tpu.memref_squeeze %dma_start3A_142 : memref<1x1x16x128xf32, #tpu.memory_space<vmem>> -> memref<16x128xf32, #tpu.memory_space<vmem>>
    %dma_start3A_144 = arith.constant 0 : i32
    %dma_start3A_145 = tpu.memref_slice %arg3[%dma_start3A_144, %multiple_of3A_131] : memref<16x1000000xf32, #tpu.memory_space<hbm>> -> memref<16x128xf32, #tpu.memory_space<hbm>>
    tpu.enqueue_dma source(%dma_start3A_145 : memref<16x128xf32, #tpu.memory_space<hbm>>) target(%dma_start3A_143 : memref<16x128xf32, #tpu.memory_space<vmem>>) target_semaphore(%arg8 : memref<!tpu.dma_semaphore, #tpu.memory_space<semaphore_mem>>)
    %slice3A_146 = vector.extract_strided_slice %get3A_4 {offsets = [7], sizes = [1], strides = [1]} : vector<16xi32> to vector<1xi32>
    %squeeze3A_147 = vector.extract %slice3A_146[0] : i32 from vector<1xi32>
    %shift_right_arithmetic3A_148 = arith.constant 7 : i32
    %shift_right_arithmetic3A_149 = arith.shrsi %squeeze3A_147, %shift_right_arithmetic3A_148 : i32
    %shift_left3A_150 = arith.constant 7 : i32
    %shift_left3A_151 = arith.shli %shift_right_arithmetic3A_149, %shift_left3A_150 : i32
    %multiple_of3A_152 = tpu.assume_multiple %shift_left3A_151, 128 : i32
    %dma_start3A_153 = arith.constant 0 : i32
    %dma_start3A_154 = arith.constant 7 : i32
    %dma_start3A_155 = arith.constant 0 : i32
    %dma_start3A_156 = arith.constant 0 : i32
    %dma_start3A_157 = tpu.memref_slice %arg6[%dma_start3A_153, %dma_start3A_154, %dma_start3A_155, %dma_start3A_156] : memref<2x16x16x128xf32, #tpu.memory_space<vmem>> -> memref<1x1x16x128xf32, #tpu.memory_space<vmem>>
    %dma_start3A_158 = tpu.memref_squeeze %dma_start3A_157 : memref<1x1x16x128xf32, #tpu.memory_space<vmem>> -> memref<16x128xf32, #tpu.memory_space<vmem>>
    %dma_start3A_159 = arith.constant 0 : i32
    %dma_start3A_160 = tpu.memref_slice %arg3[%dma_start3A_159, %multiple_of3A_152] : memref<16x1000000xf32, #tpu.memory_space<hbm>> -> memref<16x128xf32, #tpu.memory_space<hbm>>
    %dma_start3A_161 = arith.constant 0 : i32
    %dma_start3A_162 = arith.constant 0 : i32
    %dma_start3A_163 = tpu.memref_slice %arg6[%dma_start3A_153, %dma_start3A_154, %dma_start3A_161, %dma_start3A_162] : memref<2x16x16x128xf32, #tpu.memory_space<vmem>> -> memref<1x1x16x128xf32, #tpu.memory_space<vmem>>
    %dma_start3A_164 = tpu.memref_squeeze %dma_start3A_163 : memref<1x1x16x128xf32, #tpu.memory_space<vmem>> -> memref<16x128xf32, #tpu.memory_space<vmem>>
    %dma_start3A_165 = arith.constant 0 : i32
    %dma_start3A_166 = tpu.memref_slice %arg3[%dma_start3A_165, %multiple_of3A_152] : memref<16x1000000xf32, #tpu.memory_space<hbm>> -> memref<16x128xf32, #tpu.memory_space<hbm>>
    tpu.enqueue_dma source(%dma_start3A_166 : memref<16x128xf32, #tpu.memory_space<hbm>>) target(%dma_start3A_164 : memref<16x128xf32, #tpu.memory_space<vmem>>) target_semaphore(%arg8 : memref<!tpu.dma_semaphore, #tpu.memory_space<semaphore_mem>>)
    %slice3A_167 = vector.extract_strided_slice %get3A_4 {offsets = [8], sizes = [1], strides = [1]} : vector<16xi32> to vector<1xi32>
    %squeeze3A_168 = vector.extract %slice3A_167[0] : i32 from vector<1xi32>
    %shift_right_arithmetic3A_169 = arith.constant 7 : i32
    %shift_right_arithmetic3A_170 = arith.shrsi %squeeze3A_168, %shift_right_arithmetic3A_169 : i32
    %shift_left3A_171 = arith.constant 7 : i32
    %shift_left3A_172 = arith.shli %shift_right_arithmetic3A_170, %shift_left3A_171 : i32
    %multiple_of3A_173 = tpu.assume_multiple %shift_left3A_172, 128 : i32
    %dma_start3A_174 = arith.constant 0 : i32
    %dma_start3A_175 = arith.constant 8 : i32
    %dma_start3A_176 = arith.constant 0 : i32
    %dma_start3A_177 = arith.constant 0 : i32
    %dma_start3A_178 = tpu.memref_slice %arg6[%dma_start3A_174, %dma_start3A_175, %dma_start3A_176, %dma_start3A_177] : memref<2x16x16x128xf32, #tpu.memory_space<vmem>> -> memref<1x1x16x128xf32, #tpu.memory_space<vmem>>
    %dma_start3A_179 = tpu.memref_squeeze %dma_start3A_178 : memref<1x1x16x128xf32, #tpu.memory_space<vmem>> -> memref<16x128xf32, #tpu.memory_space<vmem>>
    %dma_start3A_180 = arith.constant 0 : i32
    %dma_start3A_181 = tpu.memref_slice %arg3[%dma_start3A_180, %multiple_of3A_173] : memref<16x1000000xf32, #tpu.memory_space<hbm>> -> memref<16x128xf32, #tpu.memory_space<hbm>>
    %dma_start3A_182 = arith.constant 0 : i32
    %dma_start3A_183 = arith.constant 0 : i32
    %dma_start3A_184 = tpu.memref_slice %arg6[%dma_start3A_174, %dma_start3A_175, %dma_start3A_182, %dma_start3A_183] : memref<2x16x16x128xf32, #tpu.memory_space<vmem>> -> memref<1x1x16x128xf32, #tpu.memory_space<vmem>>
    %dma_start3A_185 = tpu.memref_squeeze %dma_start3A_184 : memref<1x1x16x128xf32, #tpu.memory_space<vmem>> -> memref<16x128xf32, #tpu.memory_space<vmem>>
    %dma_start3A_186 = arith.constant 0 : i32
    %dma_start3A_187 = tpu.memref_slice %arg3[%dma_start3A_186, %multiple_of3A_173] : memref<16x1000000xf32, #tpu.memory_space<hbm>> -> memref<16x128xf32, #tpu.memory_space<hbm>>
    tpu.enqueue_dma source(%dma_start3A_187 : memref<16x128xf32, #tpu.memory_space<hbm>>) target(%dma_start3A_185 : memref<16x128xf32, #tpu.memory_space<vmem>>) target_semaphore(%arg8 : memref<!tpu.dma_semaphore, #tpu.memory_space<semaphore_mem>>)
    %slice3A_188 = vector.extract_strided_slice %get3A_4 {offsets = [9], sizes = [1], strides = [1]} : vector<16xi32> to vector<1xi32>
    %squeeze3A_189 = vector.extract %slice3A_188[0] : i32 from vector<1xi32>
    %shift_right_arithmetic3A_190 = arith.constant 7 : i32
    %shift_right_arithmetic3A_191 = arith.shrsi %squeeze3A_189, %shift_right_arithmetic3A_190 : i32
    %shift_left3A_192 = arith.constant 7 : i32
    %shift_left3A_193 = arith.shli %shift_right_arithmetic3A_191, %shift_left3A_192 : i32
    %multiple_of3A_194 = tpu.assume_multiple %shift_left3A_193, 128 : i32
    %dma_start3A_195 = arith.constant 0 : i32
    %dma_start3A_196 = arith.constant 9 : i32
    %dma_start3A_197 = arith.constant 0 : i32
    %dma_start3A_198 = arith.constant 0 : i32
    %dma_start3A_199 = tpu.memref_slice %arg6[%dma_start3A_195, %dma_start3A_196, %dma_start3A_197, %dma_start3A_198] : memref<2x16x16x128xf32, #tpu.memory_space<vmem>> -> memref<1x1x16x128xf32, #tpu.memory_space<vmem>>
    %dma_start3A_200 = tpu.memref_squeeze %dma_start3A_199 : memref<1x1x16x128xf32, #tpu.memory_space<vmem>> -> memref<16x128xf32, #tpu.memory_space<vmem>>
    %dma_start3A_201 = arith.constant 0 : i32
    %dma_start3A_202 = tpu.memref_slice %arg3[%dma_start3A_201, %multiple_of3A_194] : memref<16x1000000xf32, #tpu.memory_space<hbm>> -> memref<16x128xf32, #tpu.memory_space<hbm>>
    %dma_start3A_203 = arith.constant 0 : i32
    %dma_start3A_204 = arith.constant 0 : i32
    %dma_start3A_205 = tpu.memref_slice %arg6[%dma_start3A_195, %dma_start3A_196, %dma_start3A_203, %dma_start3A_204] : memref<2x16x16x128xf32, #tpu.memory_space<vmem>> -> memref<1x1x16x128xf32, #tpu.memory_space<vmem>>
    %dma_start3A_206 = tpu.memref_squeeze %dma_start3A_205 : memref<1x1x16x128xf32, #tpu.memory_space<vmem>> -> memref<16x128xf32, #tpu.memory_space<vmem>>
    %dma_start3A_207 = arith.constant 0 : i32
    %dma_start3A_208 = tpu.memref_slice %arg3[%dma_start3A_207, %multiple_of3A_194] : memref<16x1000000xf32, #tpu.memory_space<hbm>> -> memref<16x128xf32, #tpu.memory_space<hbm>>
    tpu.enqueue_dma source(%dma_start3A_208 : memref<16x128xf32, #tpu.memory_space<hbm>>) target(%dma_start3A_206 : memref<16x128xf32, #tpu.memory_space<vmem>>) target_semaphore(%arg8 : memref<!tpu.dma_semaphore, #tpu.memory_space<semaphore_mem>>)
    %slice3A_209 = vector.extract_strided_slice %get3A_4 {offsets = [10], sizes = [1], strides = [1]} : vector<16xi32> to vector<1xi32>
    %squeeze3A_210 = vector.extract %slice3A_209[0] : i32 from vector<1xi32>
    %shift_right_arithmetic3A_211 = arith.constant 7 : i32
    %shift_right_arithmetic3A_212 = arith.shrsi %squeeze3A_210, %shift_right_arithmetic3A_211 : i32
    %shift_left3A_213 = arith.constant 7 : i32
    %shift_left3A_214 = arith.shli %shift_right_arithmetic3A_212, %shift_left3A_213 : i32
    %multiple_of3A_215 = tpu.assume_multiple %shift_left3A_214, 128 : i32
    %dma_start3A_216 = arith.constant 0 : i32
    %dma_start3A_217 = arith.constant 10 : i32
    %dma_start3A_218 = arith.constant 0 : i32
    %dma_start3A_219 = arith.constant 0 : i32
    %dma_start3A_220 = tpu.memref_slice %arg6[%dma_start3A_216, %dma_start3A_217, %dma_start3A_218, %dma_start3A_219] : memref<2x16x16x128xf32, #tpu.memory_space<vmem>> -> memref<1x1x16x128xf32, #tpu.memory_space<vmem>>
    %dma_start3A_221 = tpu.memref_squeeze %dma_start3A_220 : memref<1x1x16x128xf32, #tpu.memory_space<vmem>> -> memref<16x128xf32, #tpu.memory_space<vmem>>
    %dma_start3A_222 = arith.constant 0 : i32
    %dma_start3A_223 = tpu.memref_slice %arg3[%dma_start3A_222, %multiple_of3A_215] : memref<16x1000000xf32, #tpu.memory_space<hbm>> -> memref<16x128xf32, #tpu.memory_space<hbm>>
    %dma_start3A_224 = arith.constant 0 : i32
    %dma_start3A_225 = arith.constant 0 : i32
    %dma_start3A_226 = tpu.memref_slice %arg6[%dma_start3A_216, %dma_start3A_217, %dma_start3A_224, %dma_start3A_225] : memref<2x16x16x128xf32, #tpu.memory_space<vmem>> -> memref<1x1x16x128xf32, #tpu.memory_space<vmem>>
    %dma_start3A_227 = tpu.memref_squeeze %dma_start3A_226 : memref<1x1x16x128xf32, #tpu.memory_space<vmem>> -> memref<16x128xf32, #tpu.memory_space<vmem>>
    %dma_start3A_228 = arith.constant 0 : i32
    %dma_start3A_229 = tpu.memref_slice %arg3[%dma_start3A_228, %multiple_of3A_215] : memref<16x1000000xf32, #tpu.memory_space<hbm>> -> memref<16x128xf32, #tpu.memory_space<hbm>>
    tpu.enqueue_dma source(%dma_start3A_229 : memref<16x128xf32, #tpu.memory_space<hbm>>) target(%dma_start3A_227 : memref<16x128xf32, #tpu.memory_space<vmem>>) target_semaphore(%arg8 : memref<!tpu.dma_semaphore, #tpu.memory_space<semaphore_mem>>)
    %slice3A_230 = vector.extract_strided_slice %get3A_4 {offsets = [11], sizes = [1], strides = [1]} : vector<16xi32> to vector<1xi32>
    %squeeze3A_231 = vector.extract %slice3A_230[0] : i32 from vector<1xi32>
    %shift_right_arithmetic3A_232 = arith.constant 7 : i32
    %shift_right_arithmetic3A_233 = arith.shrsi %squeeze3A_231, %shift_right_arithmetic3A_232 : i32
    %shift_left3A_234 = arith.constant 7 : i32
    %shift_left3A_235 = arith.shli %shift_right_arithmetic3A_233, %shift_left3A_234 : i32
    %multiple_of3A_236 = tpu.assume_multiple %shift_left3A_235, 128 : i32
    %dma_start3A_237 = arith.constant 0 : i32
    %dma_start3A_238 = arith.constant 11 : i32
    %dma_start3A_239 = arith.constant 0 : i32
    %dma_start3A_240 = arith.constant 0 : i32
    %dma_start3A_241 = tpu.memref_slice %arg6[%dma_start3A_237, %dma_start3A_238, %dma_start3A_239, %dma_start3A_240] : memref<2x16x16x128xf32, #tpu.memory_space<vmem>> -> memref<1x1x16x128xf32, #tpu.memory_space<vmem>>
    %dma_start3A_242 = tpu.memref_squeeze %dma_start3A_241 : memref<1x1x16x128xf32, #tpu.memory_space<vmem>> -> memref<16x128xf32, #tpu.memory_space<vmem>>
    %dma_start3A_243 = arith.constant 0 : i32
    %dma_start3A_244 = tpu.memref_slice %arg3[%dma_start3A_243, %multiple_of3A_236] : memref<16x1000000xf32, #tpu.memory_space<hbm>> -> memref<16x128xf32, #tpu.memory_space<hbm>>
    %dma_start3A_245 = arith.constant 0 : i32
    %dma_start3A_246 = arith.constant 0 : i32
    %dma_start3A_247 = tpu.memref_slice %arg6[%dma_start3A_237, %dma_start3A_238, %dma_start3A_245, %dma_start3A_246] : memref<2x16x16x128xf32, #tpu.memory_space<vmem>> -> memref<1x1x16x128xf32, #tpu.memory_space<vmem>>
    %dma_start3A_248 = tpu.memref_squeeze %dma_start3A_247 : memref<1x1x16x128xf32, #tpu.memory_space<vmem>> -> memref<16x128xf32, #tpu.memory_space<vmem>>
    %dma_start3A_249 = arith.constant 0 : i32
    %dma_start3A_250 = tpu.memref_slice %arg3[%dma_start3A_249, %multiple_of3A_236] : memref<16x1000000xf32, #tpu.memory_space<hbm>> -> memref<16x128xf32, #tpu.memory_space<hbm>>
    tpu.enqueue_dma source(%dma_start3A_250 : memref<16x128xf32, #tpu.memory_space<hbm>>) target(%dma_start3A_248 : memref<16x128xf32, #tpu.memory_space<vmem>>) target_semaphore(%arg8 : memref<!tpu.dma_semaphore, #tpu.memory_space<semaphore_mem>>)
    %slice3A_251 = vector.extract_strided_slice %get3A_4 {offsets = [12], sizes = [1], strides = [1]} : vector<16xi32> to vector<1xi32>
    %squeeze3A_252 = vector.extract %slice3A_251[0] : i32 from vector<1xi32>
    %shift_right_arithmetic3A_253 = arith.constant 7 : i32
    %shift_right_arithmetic3A_254 = arith.shrsi %squeeze3A_252, %shift_right_arithmetic3A_253 : i32
    %shift_left3A_255 = arith.constant 7 : i32
    %shift_left3A_256 = arith.shli %shift_right_arithmetic3A_254, %shift_left3A_255 : i32
    %multiple_of3A_257 = tpu.assume_multiple %shift_left3A_256, 128 : i32
    %dma_start3A_258 = arith.constant 0 : i32
    %dma_start3A_259 = arith.constant 12 : i32
    %dma_start3A_260 = arith.constant 0 : i32
    %dma_start3A_261 = arith.constant 0 : i32
    %dma_start3A_262 = tpu.memref_slice %arg6[%dma_start3A_258, %dma_start3A_259, %dma_start3A_260, %dma_start3A_261] : memref<2x16x16x128xf32, #tpu.memory_space<vmem>> -> memref<1x1x16x128xf32, #tpu.memory_space<vmem>>
    %dma_start3A_263 = tpu.memref_squeeze %dma_start3A_262 : memref<1x1x16x128xf32, #tpu.memory_space<vmem>> -> memref<16x128xf32, #tpu.memory_space<vmem>>
    %dma_start3A_264 = arith.constant 0 : i32
    %dma_start3A_265 = tpu.memref_slice %arg3[%dma_start3A_264, %multiple_of3A_257] : memref<16x1000000xf32, #tpu.memory_space<hbm>> -> memref<16x128xf32, #tpu.memory_space<hbm>>
    %dma_start3A_266 = arith.constant 0 : i32
    %dma_start3A_267 = arith.constant 0 : i32
    %dma_start3A_268 = tpu.memref_slice %arg6[%dma_start3A_258, %dma_start3A_259, %dma_start3A_266, %dma_start3A_267] : memref<2x16x16x128xf32, #tpu.memory_space<vmem>> -> memref<1x1x16x128xf32, #tpu.memory_space<vmem>>
    %dma_start3A_269 = tpu.memref_squeeze %dma_start3A_268 : memref<1x1x16x128xf32, #tpu.memory_space<vmem>> -> memref<16x128xf32, #tpu.memory_space<vmem>>
    %dma_start3A_270 = arith.constant 0 : i32
    %dma_start3A_271 = tpu.memref_slice %arg3[%dma_start3A_270, %multiple_of3A_257] : memref<16x1000000xf32, #tpu.memory_space<hbm>> -> memref<16x128xf32, #tpu.memory_space<hbm>>
    tpu.enqueue_dma source(%dma_start3A_271 : memref<16x128xf32, #tpu.memory_space<hbm>>) target(%dma_start3A_269 : memref<16x128xf32, #tpu.memory_space<vmem>>) target_semaphore(%arg8 : memref<!tpu.dma_semaphore, #tpu.memory_space<semaphore_mem>>)
    %slice3A_272 = vector.extract_strided_slice %get3A_4 {offsets = [13], sizes = [1], strides = [1]} : vector<16xi32> to vector<1xi32>
    %squeeze3A_273 = vector.extract %slice3A_272[0] : i32 from vector<1xi32>
    %shift_right_arithmetic3A_274 = arith.constant 7 : i32
    %shift_right_arithmetic3A_275 = arith.shrsi %squeeze3A_273, %shift_right_arithmetic3A_274 : i32
    %shift_left3A_276 = arith.constant 7 : i32
    %shift_left3A_277 = arith.shli %shift_right_arithmetic3A_275, %shift_left3A_276 : i32
    %multiple_of3A_278 = tpu.assume_multiple %shift_left3A_277, 128 : i32
    %dma_start3A_279 = arith.constant 0 : i32
    %dma_start3A_280 = arith.constant 13 : i32
    %dma_start3A_281 = arith.constant 0 : i32
    %dma_start3A_282 = arith.constant 0 : i32
    %dma_start3A_283 = tpu.memref_slice %arg6[%dma_start3A_279, %dma_start3A_280, %dma_start3A_281, %dma_start3A_282] : memref<2x16x16x128xf32, #tpu.memory_space<vmem>> -> memref<1x1x16x128xf32, #tpu.memory_space<vmem>>
    %dma_start3A_284 = tpu.memref_squeeze %dma_start3A_283 : memref<1x1x16x128xf32, #tpu.memory_space<vmem>> -> memref<16x128xf32, #tpu.memory_space<vmem>>
    %dma_start3A_285 = arith.constant 0 : i32
    %dma_start3A_286 = tpu.memref_slice %arg3[%dma_start3A_285, %multiple_of3A_278] : memref<16x1000000xf32, #tpu.memory_space<hbm>> -> memref<16x128xf32, #tpu.memory_space<hbm>>
    %dma_start3A_287 = arith.constant 0 : i32
    %dma_start3A_288 = arith.constant 0 : i32
    %dma_start3A_289 = tpu.memref_slice %arg6[%dma_start3A_279, %dma_start3A_280, %dma_start3A_287, %dma_start3A_288] : memref<2x16x16x128xf32, #tpu.memory_space<vmem>> -> memref<1x1x16x128xf32, #tpu.memory_space<vmem>>
    %dma_start3A_290 = tpu.memref_squeeze %dma_start3A_289 : memref<1x1x16x128xf32, #tpu.memory_space<vmem>> -> memref<16x128xf32, #tpu.memory_space<vmem>>
    %dma_start3A_291 = arith.constant 0 : i32
    %dma_start3A_292 = tpu.memref_slice %arg3[%dma_start3A_291, %multiple_of3A_278] : memref<16x1000000xf32, #tpu.memory_space<hbm>> -> memref<16x128xf32, #tpu.memory_space<hbm>>
    tpu.enqueue_dma source(%dma_start3A_292 : memref<16x128xf32, #tpu.memory_space<hbm>>) target(%dma_start3A_290 : memref<16x128xf32, #tpu.memory_space<vmem>>) target_semaphore(%arg8 : memref<!tpu.dma_semaphore, #tpu.memory_space<semaphore_mem>>)
    %slice3A_293 = vector.extract_strided_slice %get3A_4 {offsets = [14], sizes = [1], strides = [1]} : vector<16xi32> to vector<1xi32>
    %squeeze3A_294 = vector.extract %slice3A_293[0] : i32 from vector<1xi32>
    %shift_right_arithmetic3A_295 = arith.constant 7 : i32
    %shift_right_arithmetic3A_296 = arith.shrsi %squeeze3A_294, %shift_right_arithmetic3A_295 : i32
    %shift_left3A_297 = arith.constant 7 : i32
    %shift_left3A_298 = arith.shli %shift_right_arithmetic3A_296, %shift_left3A_297 : i32
    %multiple_of3A_299 = tpu.assume_multiple %shift_left3A_298, 128 : i32
    %dma_start3A_300 = arith.constant 0 : i32
    %dma_start3A_301 = arith.constant 14 : i32
    %dma_start3A_302 = arith.constant 0 : i32
    %dma_start3A_303 = arith.constant 0 : i32
    %dma_start3A_304 = tpu.memref_slice %arg6[%dma_start3A_300, %dma_start3A_301, %dma_start3A_302, %dma_start3A_303] : memref<2x16x16x128xf32, #tpu.memory_space<vmem>> -> memref<1x1x16x128xf32, #tpu.memory_space<vmem>>
    %dma_start3A_305 = tpu.memref_squeeze %dma_start3A_304 : memref<1x1x16x128xf32, #tpu.memory_space<vmem>> -> memref<16x128xf32, #tpu.memory_space<vmem>>
    %dma_start3A_306 = arith.constant 0 : i32
    %dma_start3A_307 = tpu.memref_slice %arg3[%dma_start3A_306, %multiple_of3A_299] : memref<16x1000000xf32, #tpu.memory_space<hbm>> -> memref<16x128xf32, #tpu.memory_space<hbm>>
    %dma_start3A_308 = arith.constant 0 : i32
    %dma_start3A_309 = arith.constant 0 : i32
    %dma_start3A_310 = tpu.memref_slice %arg6[%dma_start3A_300, %dma_start3A_301, %dma_start3A_308, %dma_start3A_309] : memref<2x16x16x128xf32, #tpu.memory_space<vmem>> -> memref<1x1x16x128xf32, #tpu.memory_space<vmem>>
    %dma_start3A_311 = tpu.memref_squeeze %dma_start3A_310 : memref<1x1x16x128xf32, #tpu.memory_space<vmem>> -> memref<16x128xf32, #tpu.memory_space<vmem>>
    %dma_start3A_312 = arith.constant 0 : i32
    %dma_start3A_313 = tpu.memref_slice %arg3[%dma_start3A_312, %multiple_of3A_299] : memref<16x1000000xf32, #tpu.memory_space<hbm>> -> memref<16x128xf32, #tpu.memory_space<hbm>>
    tpu.enqueue_dma source(%dma_start3A_313 : memref<16x128xf32, #tpu.memory_space<hbm>>) target(%dma_start3A_311 : memref<16x128xf32, #tpu.memory_space<vmem>>) target_semaphore(%arg8 : memref<!tpu.dma_semaphore, #tpu.memory_space<semaphore_mem>>)
    %slice3A_314 = vector.extract_strided_slice %get3A_4 {offsets = [15], sizes = [1], strides = [1]} : vector<16xi32> to vector<1xi32>
    %squeeze3A_315 = vector.extract %slice3A_314[0] : i32 from vector<1xi32>
    %shift_right_arithmetic3A_316 = arith.constant 7 : i32
    %shift_right_arithmetic3A_317 = arith.shrsi %squeeze3A_315, %shift_right_arithmetic3A_316 : i32
    %shift_left3A_318 = arith.constant 7 : i32
    %shift_left3A_319 = arith.shli %shift_right_arithmetic3A_317, %shift_left3A_318 : i32
    %multiple_of3A_320 = tpu.assume_multiple %shift_left3A_319, 128 : i32
    %dma_start3A_321 = arith.constant 0 : i32
    %dma_start3A_322 = arith.constant 15 : i32
    %dma_start3A_323 = arith.constant 0 : i32
    %dma_start3A_324 = arith.constant 0 : i32
    %dma_start3A_325 = tpu.memref_slice %arg6[%dma_start3A_321, %dma_start3A_322, %dma_start3A_323, %dma_start3A_324] : memref<2x16x16x128xf32, #tpu.memory_space<vmem>> -> memref<1x1x16x128xf32, #tpu.memory_space<vmem>>
    %dma_start3A_326 = tpu.memref_squeeze %dma_start3A_325 : memref<1x1x16x128xf32, #tpu.memory_space<vmem>> -> memref<16x128xf32, #tpu.memory_space<vmem>>
    %dma_start3A_327 = arith.constant 0 : i32
    %dma_start3A_328 = tpu.memref_slice %arg3[%dma_start3A_327, %multiple_of3A_320] : memref<16x1000000xf32, #tpu.memory_space<hbm>> -> memref<16x128xf32, #tpu.memory_space<hbm>>
    %dma_start3A_329 = arith.constant 0 : i32
    %dma_start3A_330 = arith.constant 0 : i32
    %dma_start3A_331 = tpu.memref_slice %arg6[%dma_start3A_321, %dma_start3A_322, %dma_start3A_329, %dma_start3A_330] : memref<2x16x16x128xf32, #tpu.memory_space<vmem>> -> memref<1x1x16x128xf32, #tpu.memory_space<vmem>>
    %dma_start3A_332 = tpu.memref_squeeze %dma_start3A_331 : memref<1x1x16x128xf32, #tpu.memory_space<vmem>> -> memref<16x128xf32, #tpu.memory_space<vmem>>
    %dma_start3A_333 = arith.constant 0 : i32
    %dma_start3A_334 = tpu.memref_slice %arg3[%dma_start3A_333, %multiple_of3A_320] : memref<16x1000000xf32, #tpu.memory_space<hbm>> -> memref<16x128xf32, #tpu.memory_space<hbm>>
    tpu.enqueue_dma source(%dma_start3A_334 : memref<16x128xf32, #tpu.memory_space<hbm>>) target(%dma_start3A_332 : memref<16x128xf32, #tpu.memory_space<vmem>>) target_semaphore(%arg8 : memref<!tpu.dma_semaphore, #tpu.memory_space<semaphore_mem>>)
    %scan3A = arith.constant 0 : i32
    %scan3A_335 = arith.constant 32 : i32
    %scan3A_336 = arith.addi %scan3A, %scan3A_335 : i32
    %scan3A_337 = arith.constant 1 : i32
    scf.for %scan3A_364 = %scan3A to %scan3A_336 step %scan3A_337  : i32 {
      %rem3A = arith.constant 2 : i32
      %rem3A_365 = arith.remsi %scan3A_364, %rem3A : i32
      %add3A_366 = arith.constant 1 : i32
      %add3A_367 = arith.addi %scan3A_364, %add3A_366 : i32
      %lt3A = arith.constant 32 : i32
      %lt3A_368 = arith.cmpi slt, %add3A_367, %lt3A : i32
      %eq3A = arith.constant 0 : i32
      %eq3A_369 = arith.cmpi eq, %rem3A_365, %eq3A : i32
      %and3A = arith.andi %lt3A_368, %eq3A_369 : i1
      %convert_element_type3A = arith.extui %and3A : i1 to i32
      %cond3A = arith.constant 0 : i32
      %cond3A_370 = arith.cmpi ne, %convert_element_type3A, %cond3A : i32
      scf.if %cond3A_370 {
        %add3A_406 = arith.constant 1 : i32
        %add3A_407 = arith.addi %scan3A_364, %add3A_406 : i32
        %mul3A_408 = arith.constant 16 : i32
        %mul3A_409 = arith.muli %add3A_407, %mul3A_408 : i32
        %get3A_410 = arith.index_cast %mul3A_409 : i32 to index
        %get3A_411 = tpu.vector_load %arg5[%get3A_410] {strides = array<i32>} : memref<512xi32, #tpu.memory_space<vmem>>, vector<16xi32>,
        %slice3A_412 = vector.extract_strided_slice %get3A_411 {offsets = [0], sizes = [1], strides = [1]} : vector<16xi32> to vector<1xi32>
        %squeeze3A_413 = vector.extract %slice3A_412[0] : i32 from vector<1xi32>
        %shift_right_arithmetic3A_414 = arith.constant 7 : i32
        %shift_right_arithmetic3A_415 = arith.shrsi %squeeze3A_413, %shift_right_arithmetic3A_414 : i32
        %shift_left3A_416 = arith.constant 7 : i32
        %shift_left3A_417 = arith.shli %shift_right_arithmetic3A_415, %shift_left3A_416 : i32
        %multiple_of3A_418 = tpu.assume_multiple %shift_left3A_417, 128 : i32
        %dma_start3A_419 = arith.constant 1 : i32
        %dma_start3A_420 = arith.constant 0 : i32
        %dma_start3A_421 = arith.constant 0 : i32
        %dma_start3A_422 = arith.constant 0 : i32
        %dma_start3A_423 = tpu.memref_slice %arg6[%dma_start3A_419, %dma_start3A_420, %dma_start3A_421, %dma_start3A_422] : memref<2x16x16x128xf32, #tpu.memory_space<vmem>> -> memref<1x1x16x128xf32, #tpu.memory_space<vmem>>
        %dma_start3A_424 = tpu.memref_squeeze %dma_start3A_423 : memref<1x1x16x128xf32, #tpu.memory_space<vmem>> -> memref<16x128xf32, #tpu.memory_space<vmem>>
        %dma_start3A_425 = arith.constant 0 : i32
        %dma_start3A_426 = tpu.memref_slice %arg3[%dma_start3A_425, %multiple_of3A_418] : memref<16x1000000xf32, #tpu.memory_space<hbm>> -> memref<16x128xf32, #tpu.memory_space<hbm>>
        %dma_start3A_427 = arith.constant 0 : i32
        %dma_start3A_428 = arith.constant 0 : i32
        %dma_start3A_429 = tpu.memref_slice %arg6[%dma_start3A_419, %dma_start3A_420, %dma_start3A_427, %dma_start3A_428] : memref<2x16x16x128xf32, #tpu.memory_space<vmem>> -> memref<1x1x16x128xf32, #tpu.memory_space<vmem>>
        %dma_start3A_430 = tpu.memref_squeeze %dma_start3A_429 : memref<1x1x16x128xf32, #tpu.memory_space<vmem>> -> memref<16x128xf32, #tpu.memory_space<vmem>>
        %dma_start3A_431 = arith.constant 0 : i32
        %dma_start3A_432 = tpu.memref_slice %arg3[%dma_start3A_431, %multiple_of3A_418] : memref<16x1000000xf32, #tpu.memory_space<hbm>> -> memref<16x128xf32, #tpu.memory_space<hbm>>
        tpu.enqueue_dma source(%dma_start3A_432 : memref<16x128xf32, #tpu.memory_space<hbm>>) target(%dma_start3A_430 : memref<16x128xf32, #tpu.memory_space<vmem>>) target_semaphore(%arg9 : memref<!tpu.dma_semaphore, #tpu.memory_space<semaphore_mem>>)
        %slice3A_433 = vector.extract_strided_slice %get3A_411 {offsets = [1], sizes = [1], strides = [1]} : vector<16xi32> to vector<1xi32>
        %squeeze3A_434 = vector.extract %slice3A_433[0] : i32 from vector<1xi32>
        %shift_right_arithmetic3A_435 = arith.constant 7 : i32
        %shift_right_arithmetic3A_436 = arith.shrsi %squeeze3A_434, %shift_right_arithmetic3A_435 : i32
        %shift_left3A_437 = arith.constant 7 : i32
        %shift_left3A_438 = arith.shli %shift_right_arithmetic3A_436, %shift_left3A_437 : i32
        %multiple_of3A_439 = tpu.assume_multiple %shift_left3A_438, 128 : i32
        %dma_start3A_440 = arith.constant 1 : i32
        %dma_start3A_441 = arith.constant 1 : i32
        %dma_start3A_442 = arith.constant 0 : i32
        %dma_start3A_443 = arith.constant 0 : i32
        %dma_start3A_444 = tpu.memref_slice %arg6[%dma_start3A_440, %dma_start3A_441, %dma_start3A_442, %dma_start3A_443] : memref<2x16x16x128xf32, #tpu.memory_space<vmem>> -> memref<1x1x16x128xf32, #tpu.memory_space<vmem>>
        %dma_start3A_445 = tpu.memref_squeeze %dma_start3A_444 : memref<1x1x16x128xf32, #tpu.memory_space<vmem>> -> memref<16x128xf32, #tpu.memory_space<vmem>>
        %dma_start3A_446 = arith.constant 0 : i32
        %dma_start3A_447 = tpu.memref_slice %arg3[%dma_start3A_446, %multiple_of3A_439] : memref<16x1000000xf32, #tpu.memory_space<hbm>> -> memref<16x128xf32, #tpu.memory_space<hbm>>
        %dma_start3A_448 = arith.constant 0 : i32
        %dma_start3A_449 = arith.constant 0 : i32
        %dma_start3A_450 = tpu.memref_slice %arg6[%dma_start3A_440, %dma_start3A_441, %dma_start3A_448, %dma_start3A_449] : memref<2x16x16x128xf32, #tpu.memory_space<vmem>> -> memref<1x1x16x128xf32, #tpu.memory_space<vmem>>
        %dma_start3A_451 = tpu.memref_squeeze %dma_start3A_450 : memref<1x1x16x128xf32, #tpu.memory_space<vmem>> -> memref<16x128xf32, #tpu.memory_space<vmem>>
        %dma_start3A_452 = arith.constant 0 : i32
        %dma_start3A_453 = tpu.memref_slice %arg3[%dma_start3A_452, %multiple_of3A_439] : memref<16x1000000xf32, #tpu.memory_space<hbm>> -> memref<16x128xf32, #tpu.memory_space<hbm>>
        tpu.enqueue_dma source(%dma_start3A_453 : memref<16x128xf32, #tpu.memory_space<hbm>>) target(%dma_start3A_451 : memref<16x128xf32, #tpu.memory_space<vmem>>) target_semaphore(%arg9 : memref<!tpu.dma_semaphore, #tpu.memory_space<semaphore_mem>>)
        %slice3A_454 = vector.extract_strided_slice %get3A_411 {offsets = [2], sizes = [1], strides = [1]} : vector<16xi32> to vector<1xi32>
        %squeeze3A_455 = vector.extract %slice3A_454[0] : i32 from vector<1xi32>
        %shift_right_arithmetic3A_456 = arith.constant 7 : i32
        %shift_right_arithmetic3A_457 = arith.shrsi %squeeze3A_455, %shift_right_arithmetic3A_456 : i32
        %shift_left3A_458 = arith.constant 7 : i32
        %shift_left3A_459 = arith.shli %shift_right_arithmetic3A_457, %shift_left3A_458 : i32
        %multiple_of3A_460 = tpu.assume_multiple %shift_left3A_459, 128 : i32
        %dma_start3A_461 = arith.constant 1 : i32
        %dma_start3A_462 = arith.constant 2 : i32
        %dma_start3A_463 = arith.constant 0 : i32
        %dma_start3A_464 = arith.constant 0 : i32
        %dma_start3A_465 = tpu.memref_slice %arg6[%dma_start3A_461, %dma_start3A_462, %dma_start3A_463, %dma_start3A_464] : memref<2x16x16x128xf32, #tpu.memory_space<vmem>> -> memref<1x1x16x128xf32, #tpu.memory_space<vmem>>
        %dma_start3A_466 = tpu.memref_squeeze %dma_start3A_465 : memref<1x1x16x128xf32, #tpu.memory_space<vmem>> -> memref<16x128xf32, #tpu.memory_space<vmem>>
        %dma_start3A_467 = arith.constant 0 : i32
        %dma_start3A_468 = tpu.memref_slice %arg3[%dma_start3A_467, %multiple_of3A_460] : memref<16x1000000xf32, #tpu.memory_space<hbm>> -> memref<16x128xf32, #tpu.memory_space<hbm>>
        %dma_start3A_469 = arith.constant 0 : i32
        %dma_start3A_470 = arith.constant 0 : i32
        %dma_start3A_471 = tpu.memref_slice %arg6[%dma_start3A_461, %dma_start3A_462, %dma_start3A_469, %dma_start3A_470] : memref<2x16x16x128xf32, #tpu.memory_space<vmem>> -> memref<1x1x16x128xf32, #tpu.memory_space<vmem>>
        %dma_start3A_472 = tpu.memref_squeeze %dma_start3A_471 : memref<1x1x16x128xf32, #tpu.memory_space<vmem>> -> memref<16x128xf32, #tpu.memory_space<vmem>>
        %dma_start3A_473 = arith.constant 0 : i32
        %dma_start3A_474 = tpu.memref_slice %arg3[%dma_start3A_473, %multiple_of3A_460] : memref<16x1000000xf32, #tpu.memory_space<hbm>> -> memref<16x128xf32, #tpu.memory_space<hbm>>
        tpu.enqueue_dma source(%dma_start3A_474 : memref<16x128xf32, #tpu.memory_space<hbm>>) target(%dma_start3A_472 : memref<16x128xf32, #tpu.memory_space<vmem>>) target_semaphore(%arg9 : memref<!tpu.dma_semaphore, #tpu.memory_space<semaphore_mem>>)
        %slice3A_475 = vector.extract_strided_slice %get3A_411 {offsets = [3], sizes = [1], strides = [1]} : vector<16xi32> to vector<1xi32>
        %squeeze3A_476 = vector.extract %slice3A_475[0] : i32 from vector<1xi32>
        %shift_right_arithmetic3A_477 = arith.constant 7 : i32
        %shift_right_arithmetic3A_478 = arith.shrsi %squeeze3A_476, %shift_right_arithmetic3A_477 : i32
        %shift_left3A_479 = arith.constant 7 : i32
        %shift_left3A_480 = arith.shli %shift_right_arithmetic3A_478, %shift_left3A_479 : i32
        %multiple_of3A_481 = tpu.assume_multiple %shift_left3A_480, 128 : i32
        %dma_start3A_482 = arith.constant 1 : i32
        %dma_start3A_483 = arith.constant 3 : i32
        %dma_start3A_484 = arith.constant 0 : i32
        %dma_start3A_485 = arith.constant 0 : i32
        %dma_start3A_486 = tpu.memref_slice %arg6[%dma_start3A_482, %dma_start3A_483, %dma_start3A_484, %dma_start3A_485] : memref<2x16x16x128xf32, #tpu.memory_space<vmem>> -> memref<1x1x16x128xf32, #tpu.memory_space<vmem>>
        %dma_start3A_487 = tpu.memref_squeeze %dma_start3A_486 : memref<1x1x16x128xf32, #tpu.memory_space<vmem>> -> memref<16x128xf32, #tpu.memory_space<vmem>>
        %dma_start3A_488 = arith.constant 0 : i32
        %dma_start3A_489 = tpu.memref_slice %arg3[%dma_start3A_488, %multiple_of3A_481] : memref<16x1000000xf32, #tpu.memory_space<hbm>> -> memref<16x128xf32, #tpu.memory_space<hbm>>
        %dma_start3A_490 = arith.constant 0 : i32
        %dma_start3A_491 = arith.constant 0 : i32
        %dma_start3A_492 = tpu.memref_slice %arg6[%dma_start3A_482, %dma_start3A_483, %dma_start3A_490, %dma_start3A_491] : memref<2x16x16x128xf32, #tpu.memory_space<vmem>> -> memref<1x1x16x128xf32, #tpu.memory_space<vmem>>
        %dma_start3A_493 = tpu.memref_squeeze %dma_start3A_492 : memref<1x1x16x128xf32, #tpu.memory_space<vmem>> -> memref<16x128xf32, #tpu.memory_space<vmem>>
        %dma_start3A_494 = arith.constant 0 : i32
        %dma_start3A_495 = tpu.memref_slice %arg3[%dma_start3A_494, %multiple_of3A_481] : memref<16x1000000xf32, #tpu.memory_space<hbm>> -> memref<16x128xf32, #tpu.memory_space<hbm>>
        tpu.enqueue_dma source(%dma_start3A_495 : memref<16x128xf32, #tpu.memory_space<hbm>>) target(%dma_start3A_493 : memref<16x128xf32, #tpu.memory_space<vmem>>) target_semaphore(%arg9 : memref<!tpu.dma_semaphore, #tpu.memory_space<semaphore_mem>>)
        %slice3A_496 = vector.extract_strided_slice %get3A_411 {offsets = [4], sizes = [1], strides = [1]} : vector<16xi32> to vector<1xi32>
        %squeeze3A_497 = vector.extract %slice3A_496[0] : i32 from vector<1xi32>
        %shift_right_arithmetic3A_498 = arith.constant 7 : i32
        %shift_right_arithmetic3A_499 = arith.shrsi %squeeze3A_497, %shift_right_arithmetic3A_498 : i32
        %shift_left3A_500 = arith.constant 7 : i32
        %shift_left3A_501 = arith.shli %shift_right_arithmetic3A_499, %shift_left3A_500 : i32
        %multiple_of3A_502 = tpu.assume_multiple %shift_left3A_501, 128 : i32
        %dma_start3A_503 = arith.constant 1 : i32
        %dma_start3A_504 = arith.constant 4 : i32
        %dma_start3A_505 = arith.constant 0 : i32
        %dma_start3A_506 = arith.constant 0 : i32
        %dma_start3A_507 = tpu.memref_slice %arg6[%dma_start3A_503, %dma_start3A_504, %dma_start3A_505, %dma_start3A_506] : memref<2x16x16x128xf32, #tpu.memory_space<vmem>> -> memref<1x1x16x128xf32, #tpu.memory_space<vmem>>
        %dma_start3A_508 = tpu.memref_squeeze %dma_start3A_507 : memref<1x1x16x128xf32, #tpu.memory_space<vmem>> -> memref<16x128xf32, #tpu.memory_space<vmem>>
        %dma_start3A_509 = arith.constant 0 : i32
        %dma_start3A_510 = tpu.memref_slice %arg3[%dma_start3A_509, %multiple_of3A_502] : memref<16x1000000xf32, #tpu.memory_space<hbm>> -> memref<16x128xf32, #tpu.memory_space<hbm>>
        %dma_start3A_511 = arith.constant 0 : i32
        %dma_start3A_512 = arith.constant 0 : i32
        %dma_start3A_513 = tpu.memref_slice %arg6[%dma_start3A_503, %dma_start3A_504, %dma_start3A_511, %dma_start3A_512] : memref<2x16x16x128xf32, #tpu.memory_space<vmem>> -> memref<1x1x16x128xf32, #tpu.memory_space<vmem>>
        %dma_start3A_514 = tpu.memref_squeeze %dma_start3A_513 : memref<1x1x16x128xf32, #tpu.memory_space<vmem>> -> memref<16x128xf32, #tpu.memory_space<vmem>>
        %dma_start3A_515 = arith.constant 0 : i32
        %dma_start3A_516 = tpu.memref_slice %arg3[%dma_start3A_515, %multiple_of3A_502] : memref<16x1000000xf32, #tpu.memory_space<hbm>> -> memref<16x128xf32, #tpu.memory_space<hbm>>
        tpu.enqueue_dma source(%dma_start3A_516 : memref<16x128xf32, #tpu.memory_space<hbm>>) target(%dma_start3A_514 : memref<16x128xf32, #tpu.memory_space<vmem>>) target_semaphore(%arg9 : memref<!tpu.dma_semaphore, #tpu.memory_space<semaphore_mem>>)
        %slice3A_517 = vector.extract_strided_slice %get3A_411 {offsets = [5], sizes = [1], strides = [1]} : vector<16xi32> to vector<1xi32>
        %squeeze3A_518 = vector.extract %slice3A_517[0] : i32 from vector<1xi32>
        %shift_right_arithmetic3A_519 = arith.constant 7 : i32
        %shift_right_arithmetic3A_520 = arith.shrsi %squeeze3A_518, %shift_right_arithmetic3A_519 : i32
        %shift_left3A_521 = arith.constant 7 : i32
        %shift_left3A_522 = arith.shli %shift_right_arithmetic3A_520, %shift_left3A_521 : i32
        %multiple_of3A_523 = tpu.assume_multiple %shift_left3A_522, 128 : i32
        %dma_start3A_524 = arith.constant 1 : i32
        %dma_start3A_525 = arith.constant 5 : i32
        %dma_start3A_526 = arith.constant 0 : i32
        %dma_start3A_527 = arith.constant 0 : i32
        %dma_start3A_528 = tpu.memref_slice %arg6[%dma_start3A_524, %dma_start3A_525, %dma_start3A_526, %dma_start3A_527] : memref<2x16x16x128xf32, #tpu.memory_space<vmem>> -> memref<1x1x16x128xf32, #tpu.memory_space<vmem>>
        %dma_start3A_529 = tpu.memref_squeeze %dma_start3A_528 : memref<1x1x16x128xf32, #tpu.memory_space<vmem>> -> memref<16x128xf32, #tpu.memory_space<vmem>>
        %dma_start3A_530 = arith.constant 0 : i32
        %dma_start3A_531 = tpu.memref_slice %arg3[%dma_start3A_530, %multiple_of3A_523] : memref<16x1000000xf32, #tpu.memory_space<hbm>> -> memref<16x128xf32, #tpu.memory_space<hbm>>
        %dma_start3A_532 = arith.constant 0 : i32
        %dma_start3A_533 = arith.constant 0 : i32
        %dma_start3A_534 = tpu.memref_slice %arg6[%dma_start3A_524, %dma_start3A_525, %dma_start3A_532, %dma_start3A_533] : memref<2x16x16x128xf32, #tpu.memory_space<vmem>> -> memref<1x1x16x128xf32, #tpu.memory_space<vmem>>
        %dma_start3A_535 = tpu.memref_squeeze %dma_start3A_534 : memref<1x1x16x128xf32, #tpu.memory_space<vmem>> -> memref<16x128xf32, #tpu.memory_space<vmem>>
        %dma_start3A_536 = arith.constant 0 : i32
        %dma_start3A_537 = tpu.memref_slice %arg3[%dma_start3A_536, %multiple_of3A_523] : memref<16x1000000xf32, #tpu.memory_space<hbm>> -> memref<16x128xf32, #tpu.memory_space<hbm>>
        tpu.enqueue_dma source(%dma_start3A_537 : memref<16x128xf32, #tpu.memory_space<hbm>>) target(%dma_start3A_535 : memref<16x128xf32, #tpu.memory_space<vmem>>) target_semaphore(%arg9 : memref<!tpu.dma_semaphore, #tpu.memory_space<semaphore_mem>>)
        %slice3A_538 = vector.extract_strided_slice %get3A_411 {offsets = [6], sizes = [1], strides = [1]} : vector<16xi32> to vector<1xi32>
        %squeeze3A_539 = vector.extract %slice3A_538[0] : i32 from vector<1xi32>
        %shift_right_arithmetic3A_540 = arith.constant 7 : i32
        %shift_right_arithmetic3A_541 = arith.shrsi %squeeze3A_539, %shift_right_arithmetic3A_540 : i32
        %shift_left3A_542 = arith.constant 7 : i32
        %shift_left3A_543 = arith.shli %shift_right_arithmetic3A_541, %shift_left3A_542 : i32
        %multiple_of3A_544 = tpu.assume_multiple %shift_left3A_543, 128 : i32
        %dma_start3A_545 = arith.constant 1 : i32
        %dma_start3A_546 = arith.constant 6 : i32
        %dma_start3A_547 = arith.constant 0 : i32
        %dma_start3A_548 = arith.constant 0 : i32
        %dma_start3A_549 = tpu.memref_slice %arg6[%dma_start3A_545, %dma_start3A_546, %dma_start3A_547, %dma_start3A_548] : memref<2x16x16x128xf32, #tpu.memory_space<vmem>> -> memref<1x1x16x128xf32, #tpu.memory_space<vmem>>
        %dma_start3A_550 = tpu.memref_squeeze %dma_start3A_549 : memref<1x1x16x128xf32, #tpu.memory_space<vmem>> -> memref<16x128xf32, #tpu.memory_space<vmem>>
        %dma_start3A_551 = arith.constant 0 : i32
        %dma_start3A_552 = tpu.memref_slice %arg3[%dma_start3A_551, %multiple_of3A_544] : memref<16x1000000xf32, #tpu.memory_space<hbm>> -> memref<16x128xf32, #tpu.memory_space<hbm>>
        %dma_start3A_553 = arith.constant 0 : i32
        %dma_start3A_554 = arith.constant 0 : i32
        %dma_start3A_555 = tpu.memref_slice %arg6[%dma_start3A_545, %dma_start3A_546, %dma_start3A_553, %dma_start3A_554] : memref<2x16x16x128xf32, #tpu.memory_space<vmem>> -> memref<1x1x16x128xf32, #tpu.memory_space<vmem>>
        %dma_start3A_556 = tpu.memref_squeeze %dma_start3A_555 : memref<1x1x16x128xf32, #tpu.memory_space<vmem>> -> memref<16x128xf32, #tpu.memory_space<vmem>>
        %dma_start3A_557 = arith.constant 0 : i32
        %dma_start3A_558 = tpu.memref_slice %arg3[%dma_start3A_557, %multiple_of3A_544] : memref<16x1000000xf32, #tpu.memory_space<hbm>> -> memref<16x128xf32, #tpu.memory_space<hbm>>
        tpu.enqueue_dma source(%dma_start3A_558 : memref<16x128xf32, #tpu.memory_space<hbm>>) target(%dma_start3A_556 : memref<16x128xf32, #tpu.memory_space<vmem>>) target_semaphore(%arg9 : memref<!tpu.dma_semaphore, #tpu.memory_space<semaphore_mem>>)
        %slice3A_559 = vector.extract_strided_slice %get3A_411 {offsets = [7], sizes = [1], strides = [1]} : vector<16xi32> to vector<1xi32>
        %squeeze3A_560 = vector.extract %slice3A_559[0] : i32 from vector<1xi32>
        %shift_right_arithmetic3A_561 = arith.constant 7 : i32
        %shift_right_arithmetic3A_562 = arith.shrsi %squeeze3A_560, %shift_right_arithmetic3A_561 : i32
        %shift_left3A_563 = arith.constant 7 : i32
        %shift_left3A_564 = arith.shli %shift_right_arithmetic3A_562, %shift_left3A_563 : i32
        %multiple_of3A_565 = tpu.assume_multiple %shift_left3A_564, 128 : i32
        %dma_start3A_566 = arith.constant 1 : i32
        %dma_start3A_567 = arith.constant 7 : i32
        %dma_start3A_568 = arith.constant 0 : i32
        %dma_start3A_569 = arith.constant 0 : i32
        %dma_start3A_570 = tpu.memref_slice %arg6[%dma_start3A_566, %dma_start3A_567, %dma_start3A_568, %dma_start3A_569] : memref<2x16x16x128xf32, #tpu.memory_space<vmem>> -> memref<1x1x16x128xf32, #tpu.memory_space<vmem>>
        %dma_start3A_571 = tpu.memref_squeeze %dma_start3A_570 : memref<1x1x16x128xf32, #tpu.memory_space<vmem>> -> memref<16x128xf32, #tpu.memory_space<vmem>>
        %dma_start3A_572 = arith.constant 0 : i32
        %dma_start3A_573 = tpu.memref_slice %arg3[%dma_start3A_572, %multiple_of3A_565] : memref<16x1000000xf32, #tpu.memory_space<hbm>> -> memref<16x128xf32, #tpu.memory_space<hbm>>
        %dma_start3A_574 = arith.constant 0 : i32
        %dma_start3A_575 = arith.constant 0 : i32
        %dma_start3A_576 = tpu.memref_slice %arg6[%dma_start3A_566, %dma_start3A_567, %dma_start3A_574, %dma_start3A_575] : memref<2x16x16x128xf32, #tpu.memory_space<vmem>> -> memref<1x1x16x128xf32, #tpu.memory_space<vmem>>
        %dma_start3A_577 = tpu.memref_squeeze %dma_start3A_576 : memref<1x1x16x128xf32, #tpu.memory_space<vmem>> -> memref<16x128xf32, #tpu.memory_space<vmem>>
        %dma_start3A_578 = arith.constant 0 : i32
        %dma_start3A_579 = tpu.memref_slice %arg3[%dma_start3A_578, %multiple_of3A_565] : memref<16x1000000xf32, #tpu.memory_space<hbm>> -> memref<16x128xf32, #tpu.memory_space<hbm>>
        tpu.enqueue_dma source(%dma_start3A_579 : memref<16x128xf32, #tpu.memory_space<hbm>>) target(%dma_start3A_577 : memref<16x128xf32, #tpu.memory_space<vmem>>) target_semaphore(%arg9 : memref<!tpu.dma_semaphore, #tpu.memory_space<semaphore_mem>>)
        %slice3A_580 = vector.extract_strided_slice %get3A_411 {offsets = [8], sizes = [1], strides = [1]} : vector<16xi32> to vector<1xi32>
        %squeeze3A_581 = vector.extract %slice3A_580[0] : i32 from vector<1xi32>
        %shift_right_arithmetic3A_582 = arith.constant 7 : i32
        %shift_right_arithmetic3A_583 = arith.shrsi %squeeze3A_581, %shift_right_arithmetic3A_582 : i32
        %shift_left3A_584 = arith.constant 7 : i32
        %shift_left3A_585 = arith.shli %shift_right_arithmetic3A_583, %shift_left3A_584 : i32
        %multiple_of3A_586 = tpu.assume_multiple %shift_left3A_585, 128 : i32
        %dma_start3A_587 = arith.constant 1 : i32
        %dma_start3A_588 = arith.constant 8 : i32
        %dma_start3A_589 = arith.constant 0 : i32
        %dma_start3A_590 = arith.constant 0 : i32
        %dma_start3A_591 = tpu.memref_slice %arg6[%dma_start3A_587, %dma_start3A_588, %dma_start3A_589, %dma_start3A_590] : memref<2x16x16x128xf32, #tpu.memory_space<vmem>> -> memref<1x1x16x128xf32, #tpu.memory_space<vmem>>
        %dma_start3A_592 = tpu.memref_squeeze %dma_start3A_591 : memref<1x1x16x128xf32, #tpu.memory_space<vmem>> -> memref<16x128xf32, #tpu.memory_space<vmem>>
        %dma_start3A_593 = arith.constant 0 : i32
        %dma_start3A_594 = tpu.memref_slice %arg3[%dma_start3A_593, %multiple_of3A_586] : memref<16x1000000xf32, #tpu.memory_space<hbm>> -> memref<16x128xf32, #tpu.memory_space<hbm>>
        %dma_start3A_595 = arith.constant 0 : i32
        %dma_start3A_596 = arith.constant 0 : i32
        %dma_start3A_597 = tpu.memref_slice %arg6[%dma_start3A_587, %dma_start3A_588, %dma_start3A_595, %dma_start3A_596] : memref<2x16x16x128xf32, #tpu.memory_space<vmem>> -> memref<1x1x16x128xf32, #tpu.memory_space<vmem>>
        %dma_start3A_598 = tpu.memref_squeeze %dma_start3A_597 : memref<1x1x16x128xf32, #tpu.memory_space<vmem>> -> memref<16x128xf32, #tpu.memory_space<vmem>>
        %dma_start3A_599 = arith.constant 0 : i32
        %dma_start3A_600 = tpu.memref_slice %arg3[%dma_start3A_599, %multiple_of3A_586] : memref<16x1000000xf32, #tpu.memory_space<hbm>> -> memref<16x128xf32, #tpu.memory_space<hbm>>
        tpu.enqueue_dma source(%dma_start3A_600 : memref<16x128xf32, #tpu.memory_space<hbm>>) target(%dma_start3A_598 : memref<16x128xf32, #tpu.memory_space<vmem>>) target_semaphore(%arg9 : memref<!tpu.dma_semaphore, #tpu.memory_space<semaphore_mem>>)
        %slice3A_601 = vector.extract_strided_slice %get3A_411 {offsets = [9], sizes = [1], strides = [1]} : vector<16xi32> to vector<1xi32>
        %squeeze3A_602 = vector.extract %slice3A_601[0] : i32 from vector<1xi32>
        %shift_right_arithmetic3A_603 = arith.constant 7 : i32
        %shift_right_arithmetic3A_604 = arith.shrsi %squeeze3A_602, %shift_right_arithmetic3A_603 : i32
        %shift_left3A_605 = arith.constant 7 : i32
        %shift_left3A_606 = arith.shli %shift_right_arithmetic3A_604, %shift_left3A_605 : i32
        %multiple_of3A_607 = tpu.assume_multiple %shift_left3A_606, 128 : i32
        %dma_start3A_608 = arith.constant 1 : i32
        %dma_start3A_609 = arith.constant 9 : i32
        %dma_start3A_610 = arith.constant 0 : i32
        %dma_start3A_611 = arith.constant 0 : i32
        %dma_start3A_612 = tpu.memref_slice %arg6[%dma_start3A_608, %dma_start3A_609, %dma_start3A_610, %dma_start3A_611] : memref<2x16x16x128xf32, #tpu.memory_space<vmem>> -> memref<1x1x16x128xf32, #tpu.memory_space<vmem>>
        %dma_start3A_613 = tpu.memref_squeeze %dma_start3A_612 : memref<1x1x16x128xf32, #tpu.memory_space<vmem>> -> memref<16x128xf32, #tpu.memory_space<vmem>>
        %dma_start3A_614 = arith.constant 0 : i32
        %dma_start3A_615 = tpu.memref_slice %arg3[%dma_start3A_614, %multiple_of3A_607] : memref<16x1000000xf32, #tpu.memory_space<hbm>> -> memref<16x128xf32, #tpu.memory_space<hbm>>
        %dma_start3A_616 = arith.constant 0 : i32
        %dma_start3A_617 = arith.constant 0 : i32
        %dma_start3A_618 = tpu.memref_slice %arg6[%dma_start3A_608, %dma_start3A_609, %dma_start3A_616, %dma_start3A_617] : memref<2x16x16x128xf32, #tpu.memory_space<vmem>> -> memref<1x1x16x128xf32, #tpu.memory_space<vmem>>
        %dma_start3A_619 = tpu.memref_squeeze %dma_start3A_618 : memref<1x1x16x128xf32, #tpu.memory_space<vmem>> -> memref<16x128xf32, #tpu.memory_space<vmem>>
        %dma_start3A_620 = arith.constant 0 : i32
        %dma_start3A_621 = tpu.memref_slice %arg3[%dma_start3A_620, %multiple_of3A_607] : memref<16x1000000xf32, #tpu.memory_space<hbm>> -> memref<16x128xf32, #tpu.memory_space<hbm>>
        tpu.enqueue_dma source(%dma_start3A_621 : memref<16x128xf32, #tpu.memory_space<hbm>>) target(%dma_start3A_619 : memref<16x128xf32, #tpu.memory_space<vmem>>) target_semaphore(%arg9 : memref<!tpu.dma_semaphore, #tpu.memory_space<semaphore_mem>>)
        %slice3A_622 = vector.extract_strided_slice %get3A_411 {offsets = [10], sizes = [1], strides = [1]} : vector<16xi32> to vector<1xi32>
        %squeeze3A_623 = vector.extract %slice3A_622[0] : i32 from vector<1xi32>
        %shift_right_arithmetic3A_624 = arith.constant 7 : i32
        %shift_right_arithmetic3A_625 = arith.shrsi %squeeze3A_623, %shift_right_arithmetic3A_624 : i32
        %shift_left3A_626 = arith.constant 7 : i32
        %shift_left3A_627 = arith.shli %shift_right_arithmetic3A_625, %shift_left3A_626 : i32
        %multiple_of3A_628 = tpu.assume_multiple %shift_left3A_627, 128 : i32
        %dma_start3A_629 = arith.constant 1 : i32
        %dma_start3A_630 = arith.constant 10 : i32
        %dma_start3A_631 = arith.constant 0 : i32
        %dma_start3A_632 = arith.constant 0 : i32
        %dma_start3A_633 = tpu.memref_slice %arg6[%dma_start3A_629, %dma_start3A_630, %dma_start3A_631, %dma_start3A_632] : memref<2x16x16x128xf32, #tpu.memory_space<vmem>> -> memref<1x1x16x128xf32, #tpu.memory_space<vmem>>
        %dma_start3A_634 = tpu.memref_squeeze %dma_start3A_633 : memref<1x1x16x128xf32, #tpu.memory_space<vmem>> -> memref<16x128xf32, #tpu.memory_space<vmem>>
        %dma_start3A_635 = arith.constant 0 : i32
        %dma_start3A_636 = tpu.memref_slice %arg3[%dma_start3A_635, %multiple_of3A_628] : memref<16x1000000xf32, #tpu.memory_space<hbm>> -> memref<16x128xf32, #tpu.memory_space<hbm>>
        %dma_start3A_637 = arith.constant 0 : i32
        %dma_start3A_638 = arith.constant 0 : i32
        %dma_start3A_639 = tpu.memref_slice %arg6[%dma_start3A_629, %dma_start3A_630, %dma_start3A_637, %dma_start3A_638] : memref<2x16x16x128xf32, #tpu.memory_space<vmem>> -> memref<1x1x16x128xf32, #tpu.memory_space<vmem>>
        %dma_start3A_640 = tpu.memref_squeeze %dma_start3A_639 : memref<1x1x16x128xf32, #tpu.memory_space<vmem>> -> memref<16x128xf32, #tpu.memory_space<vmem>>
        %dma_start3A_641 = arith.constant 0 : i32
        %dma_start3A_642 = tpu.memref_slice %arg3[%dma_start3A_641, %multiple_of3A_628] : memref<16x1000000xf32, #tpu.memory_space<hbm>> -> memref<16x128xf32, #tpu.memory_space<hbm>>
        tpu.enqueue_dma source(%dma_start3A_642 : memref<16x128xf32, #tpu.memory_space<hbm>>) target(%dma_start3A_640 : memref<16x128xf32, #tpu.memory_space<vmem>>) target_semaphore(%arg9 : memref<!tpu.dma_semaphore, #tpu.memory_space<semaphore_mem>>)
        %slice3A_643 = vector.extract_strided_slice %get3A_411 {offsets = [11], sizes = [1], strides = [1]} : vector<16xi32> to vector<1xi32>
        %squeeze3A_644 = vector.extract %slice3A_643[0] : i32 from vector<1xi32>
        %shift_right_arithmetic3A_645 = arith.constant 7 : i32
        %shift_right_arithmetic3A_646 = arith.shrsi %squeeze3A_644, %shift_right_arithmetic3A_645 : i32
        %shift_left3A_647 = arith.constant 7 : i32
        %shift_left3A_648 = arith.shli %shift_right_arithmetic3A_646, %shift_left3A_647 : i32
        %multiple_of3A_649 = tpu.assume_multiple %shift_left3A_648, 128 : i32
        %dma_start3A_650 = arith.constant 1 : i32
        %dma_start3A_651 = arith.constant 11 : i32
        %dma_start3A_652 = arith.constant 0 : i32
        %dma_start3A_653 = arith.constant 0 : i32
        %dma_start3A_654 = tpu.memref_slice %arg6[%dma_start3A_650, %dma_start3A_651, %dma_start3A_652, %dma_start3A_653] : memref<2x16x16x128xf32, #tpu.memory_space<vmem>> -> memref<1x1x16x128xf32, #tpu.memory_space<vmem>>
        %dma_start3A_655 = tpu.memref_squeeze %dma_start3A_654 : memref<1x1x16x128xf32, #tpu.memory_space<vmem>> -> memref<16x128xf32, #tpu.memory_space<vmem>>
        %dma_start3A_656 = arith.constant 0 : i32
        %dma_start3A_657 = tpu.memref_slice %arg3[%dma_start3A_656, %multiple_of3A_649] : memref<16x1000000xf32, #tpu.memory_space<hbm>> -> memref<16x128xf32, #tpu.memory_space<hbm>>
        %dma_start3A_658 = arith.constant 0 : i32
        %dma_start3A_659 = arith.constant 0 : i32
        %dma_start3A_660 = tpu.memref_slice %arg6[%dma_start3A_650, %dma_start3A_651, %dma_start3A_658, %dma_start3A_659] : memref<2x16x16x128xf32, #tpu.memory_space<vmem>> -> memref<1x1x16x128xf32, #tpu.memory_space<vmem>>
        %dma_start3A_661 = tpu.memref_squeeze %dma_start3A_660 : memref<1x1x16x128xf32, #tpu.memory_space<vmem>> -> memref<16x128xf32, #tpu.memory_space<vmem>>
        %dma_start3A_662 = arith.constant 0 : i32
        %dma_start3A_663 = tpu.memref_slice %arg3[%dma_start3A_662, %multiple_of3A_649] : memref<16x1000000xf32, #tpu.memory_space<hbm>> -> memref<16x128xf32, #tpu.memory_space<hbm>>
        tpu.enqueue_dma source(%dma_start3A_663 : memref<16x128xf32, #tpu.memory_space<hbm>>) target(%dma_start3A_661 : memref<16x128xf32, #tpu.memory_space<vmem>>) target_semaphore(%arg9 : memref<!tpu.dma_semaphore, #tpu.memory_space<semaphore_mem>>)
        %slice3A_664 = vector.extract_strided_slice %get3A_411 {offsets = [12], sizes = [1], strides = [1]} : vector<16xi32> to vector<1xi32>
        %squeeze3A_665 = vector.extract %slice3A_664[0] : i32 from vector<1xi32>
        %shift_right_arithmetic3A_666 = arith.constant 7 : i32
        %shift_right_arithmetic3A_667 = arith.shrsi %squeeze3A_665, %shift_right_arithmetic3A_666 : i32
        %shift_left3A_668 = arith.constant 7 : i32
        %shift_left3A_669 = arith.shli %shift_right_arithmetic3A_667, %shift_left3A_668 : i32
        %multiple_of3A_670 = tpu.assume_multiple %shift_left3A_669, 128 : i32
        %dma_start3A_671 = arith.constant 1 : i32
        %dma_start3A_672 = arith.constant 12 : i32
        %dma_start3A_673 = arith.constant 0 : i32
        %dma_start3A_674 = arith.constant 0 : i32
        %dma_start3A_675 = tpu.memref_slice %arg6[%dma_start3A_671, %dma_start3A_672, %dma_start3A_673, %dma_start3A_674] : memref<2x16x16x128xf32, #tpu.memory_space<vmem>> -> memref<1x1x16x128xf32, #tpu.memory_space<vmem>>
        %dma_start3A_676 = tpu.memref_squeeze %dma_start3A_675 : memref<1x1x16x128xf32, #tpu.memory_space<vmem>> -> memref<16x128xf32, #tpu.memory_space<vmem>>
        %dma_start3A_677 = arith.constant 0 : i32
        %dma_start3A_678 = tpu.memref_slice %arg3[%dma_start3A_677, %multiple_of3A_670] : memref<16x1000000xf32, #tpu.memory_space<hbm>> -> memref<16x128xf32, #tpu.memory_space<hbm>>
        %dma_start3A_679 = arith.constant 0 : i32
        %dma_start3A_680 = arith.constant 0 : i32
        %dma_start3A_681 = tpu.memref_slice %arg6[%dma_start3A_671, %dma_start3A_672, %dma_start3A_679, %dma_start3A_680] : memref<2x16x16x128xf32, #tpu.memory_space<vmem>> -> memref<1x1x16x128xf32, #tpu.memory_space<vmem>>
        %dma_start3A_682 = tpu.memref_squeeze %dma_start3A_681 : memref<1x1x16x128xf32, #tpu.memory_space<vmem>> -> memref<16x128xf32, #tpu.memory_space<vmem>>
        %dma_start3A_683 = arith.constant 0 : i32
        %dma_start3A_684 = tpu.memref_slice %arg3[%dma_start3A_683, %multiple_of3A_670] : memref<16x1000000xf32, #tpu.memory_space<hbm>> -> memref<16x128xf32, #tpu.memory_space<hbm>>
        tpu.enqueue_dma source(%dma_start3A_684 : memref<16x128xf32, #tpu.memory_space<hbm>>) target(%dma_start3A_682 : memref<16x128xf32, #tpu.memory_space<vmem>>) target_semaphore(%arg9 : memref<!tpu.dma_semaphore, #tpu.memory_space<semaphore_mem>>)
        %slice3A_685 = vector.extract_strided_slice %get3A_411 {offsets = [13], sizes = [1], strides = [1]} : vector<16xi32> to vector<1xi32>
        %squeeze3A_686 = vector.extract %slice3A_685[0] : i32 from vector<1xi32>
        %shift_right_arithmetic3A_687 = arith.constant 7 : i32
        %shift_right_arithmetic3A_688 = arith.shrsi %squeeze3A_686, %shift_right_arithmetic3A_687 : i32
        %shift_left3A_689 = arith.constant 7 : i32
        %shift_left3A_690 = arith.shli %shift_right_arithmetic3A_688, %shift_left3A_689 : i32
        %multiple_of3A_691 = tpu.assume_multiple %shift_left3A_690, 128 : i32
        %dma_start3A_692 = arith.constant 1 : i32
        %dma_start3A_693 = arith.constant 13 : i32
        %dma_start3A_694 = arith.constant 0 : i32
        %dma_start3A_695 = arith.constant 0 : i32
        %dma_start3A_696 = tpu.memref_slice %arg6[%dma_start3A_692, %dma_start3A_693, %dma_start3A_694, %dma_start3A_695] : memref<2x16x16x128xf32, #tpu.memory_space<vmem>> -> memref<1x1x16x128xf32, #tpu.memory_space<vmem>>
        %dma_start3A_697 = tpu.memref_squeeze %dma_start3A_696 : memref<1x1x16x128xf32, #tpu.memory_space<vmem>> -> memref<16x128xf32, #tpu.memory_space<vmem>>
        %dma_start3A_698 = arith.constant 0 : i32
        %dma_start3A_699 = tpu.memref_slice %arg3[%dma_start3A_698, %multiple_of3A_691] : memref<16x1000000xf32, #tpu.memory_space<hbm>> -> memref<16x128xf32, #tpu.memory_space<hbm>>
        %dma_start3A_700 = arith.constant 0 : i32
        %dma_start3A_701 = arith.constant 0 : i32
        %dma_start3A_702 = tpu.memref_slice %arg6[%dma_start3A_692, %dma_start3A_693, %dma_start3A_700, %dma_start3A_701] : memref<2x16x16x128xf32, #tpu.memory_space<vmem>> -> memref<1x1x16x128xf32, #tpu.memory_space<vmem>>
        %dma_start3A_703 = tpu.memref_squeeze %dma_start3A_702 : memref<1x1x16x128xf32, #tpu.memory_space<vmem>> -> memref<16x128xf32, #tpu.memory_space<vmem>>
        %dma_start3A_704 = arith.constant 0 : i32
        %dma_start3A_705 = tpu.memref_slice %arg3[%dma_start3A_704, %multiple_of3A_691] : memref<16x1000000xf32, #tpu.memory_space<hbm>> -> memref<16x128xf32, #tpu.memory_space<hbm>>
        tpu.enqueue_dma source(%dma_start3A_705 : memref<16x128xf32, #tpu.memory_space<hbm>>) target(%dma_start3A_703 : memref<16x128xf32, #tpu.memory_space<vmem>>) target_semaphore(%arg9 : memref<!tpu.dma_semaphore, #tpu.memory_space<semaphore_mem>>)
        %slice3A_706 = vector.extract_strided_slice %get3A_411 {offsets = [14], sizes = [1], strides = [1]} : vector<16xi32> to vector<1xi32>
        %squeeze3A_707 = vector.extract %slice3A_706[0] : i32 from vector<1xi32>
        %shift_right_arithmetic3A_708 = arith.constant 7 : i32
        %shift_right_arithmetic3A_709 = arith.shrsi %squeeze3A_707, %shift_right_arithmetic3A_708 : i32
        %shift_left3A_710 = arith.constant 7 : i32
        %shift_left3A_711 = arith.shli %shift_right_arithmetic3A_709, %shift_left3A_710 : i32
        %multiple_of3A_712 = tpu.assume_multiple %shift_left3A_711, 128 : i32
        %dma_start3A_713 = arith.constant 1 : i32
        %dma_start3A_714 = arith.constant 14 : i32
        %dma_start3A_715 = arith.constant 0 : i32
        %dma_start3A_716 = arith.constant 0 : i32
        %dma_start3A_717 = tpu.memref_slice %arg6[%dma_start3A_713, %dma_start3A_714, %dma_start3A_715, %dma_start3A_716] : memref<2x16x16x128xf32, #tpu.memory_space<vmem>> -> memref<1x1x16x128xf32, #tpu.memory_space<vmem>>
        %dma_start3A_718 = tpu.memref_squeeze %dma_start3A_717 : memref<1x1x16x128xf32, #tpu.memory_space<vmem>> -> memref<16x128xf32, #tpu.memory_space<vmem>>
        %dma_start3A_719 = arith.constant 0 : i32
        %dma_start3A_720 = tpu.memref_slice %arg3[%dma_start3A_719, %multiple_of3A_712] : memref<16x1000000xf32, #tpu.memory_space<hbm>> -> memref<16x128xf32, #tpu.memory_space<hbm>>
        %dma_start3A_721 = arith.constant 0 : i32
        %dma_start3A_722 = arith.constant 0 : i32
        %dma_start3A_723 = tpu.memref_slice %arg6[%dma_start3A_713, %dma_start3A_714, %dma_start3A_721, %dma_start3A_722] : memref<2x16x16x128xf32, #tpu.memory_space<vmem>> -> memref<1x1x16x128xf32, #tpu.memory_space<vmem>>
        %dma_start3A_724 = tpu.memref_squeeze %dma_start3A_723 : memref<1x1x16x128xf32, #tpu.memory_space<vmem>> -> memref<16x128xf32, #tpu.memory_space<vmem>>
        %dma_start3A_725 = arith.constant 0 : i32
        %dma_start3A_726 = tpu.memref_slice %arg3[%dma_start3A_725, %multiple_of3A_712] : memref<16x1000000xf32, #tpu.memory_space<hbm>> -> memref<16x128xf32, #tpu.memory_space<hbm>>
        tpu.enqueue_dma source(%dma_start3A_726 : memref<16x128xf32, #tpu.memory_space<hbm>>) target(%dma_start3A_724 : memref<16x128xf32, #tpu.memory_space<vmem>>) target_semaphore(%arg9 : memref<!tpu.dma_semaphore, #tpu.memory_space<semaphore_mem>>)
        %slice3A_727 = vector.extract_strided_slice %get3A_411 {offsets = [15], sizes = [1], strides = [1]} : vector<16xi32> to vector<1xi32>
        %squeeze3A_728 = vector.extract %slice3A_727[0] : i32 from vector<1xi32>
        %shift_right_arithmetic3A_729 = arith.constant 7 : i32
        %shift_right_arithmetic3A_730 = arith.shrsi %squeeze3A_728, %shift_right_arithmetic3A_729 : i32
        %shift_left3A_731 = arith.constant 7 : i32
        %shift_left3A_732 = arith.shli %shift_right_arithmetic3A_730, %shift_left3A_731 : i32
        %multiple_of3A_733 = tpu.assume_multiple %shift_left3A_732, 128 : i32
        %dma_start3A_734 = arith.constant 1 : i32
        %dma_start3A_735 = arith.constant 15 : i32
        %dma_start3A_736 = arith.constant 0 : i32
        %dma_start3A_737 = arith.constant 0 : i32
        %dma_start3A_738 = tpu.memref_slice %arg6[%dma_start3A_734, %dma_start3A_735, %dma_start3A_736, %dma_start3A_737] : memref<2x16x16x128xf32, #tpu.memory_space<vmem>> -> memref<1x1x16x128xf32, #tpu.memory_space<vmem>>
        %dma_start3A_739 = tpu.memref_squeeze %dma_start3A_738 : memref<1x1x16x128xf32, #tpu.memory_space<vmem>> -> memref<16x128xf32, #tpu.memory_space<vmem>>
        %dma_start3A_740 = arith.constant 0 : i32
        %dma_start3A_741 = tpu.memref_slice %arg3[%dma_start3A_740, %multiple_of3A_733] : memref<16x1000000xf32, #tpu.memory_space<hbm>> -> memref<16x128xf32, #tpu.memory_space<hbm>>
        %dma_start3A_742 = arith.constant 0 : i32
        %dma_start3A_743 = arith.constant 0 : i32
        %dma_start3A_744 = tpu.memref_slice %arg6[%dma_start3A_734, %dma_start3A_735, %dma_start3A_742, %dma_start3A_743] : memref<2x16x16x128xf32, #tpu.memory_space<vmem>> -> memref<1x1x16x128xf32, #tpu.memory_space<vmem>>
        %dma_start3A_745 = tpu.memref_squeeze %dma_start3A_744 : memref<1x1x16x128xf32, #tpu.memory_space<vmem>> -> memref<16x128xf32, #tpu.memory_space<vmem>>
        %dma_start3A_746 = arith.constant 0 : i32
        %dma_start3A_747 = tpu.memref_slice %arg3[%dma_start3A_746, %multiple_of3A_733] : memref<16x1000000xf32, #tpu.memory_space<hbm>> -> memref<16x128xf32, #tpu.memory_space<hbm>>
        tpu.enqueue_dma source(%dma_start3A_747 : memref<16x128xf32, #tpu.memory_space<hbm>>) target(%dma_start3A_745 : memref<16x128xf32, #tpu.memory_space<vmem>>) target_semaphore(%arg9 : memref<!tpu.dma_semaphore, #tpu.memory_space<semaphore_mem>>)
      } else {
      }
      %add3A_371 = arith.constant 1 : i32
      %add3A_372 = arith.addi %scan3A_364, %add3A_371 : i32
      %lt3A_373 = arith.constant 32 : i32
      %lt3A_374 = arith.cmpi slt, %add3A_372, %lt3A_373 : i32
      %eq3A_375 = arith.constant 1 : i32
      %eq3A_376 = arith.cmpi eq, %rem3A_365, %eq3A_375 : i32
      %and3A_377 = arith.andi %lt3A_374, %eq3A_376 : i1
      %convert_element_type3A_378 = arith.extui %and3A_377 : i1 to i32
      %cond3A_379 = arith.constant 0 : i32
      %cond3A_380 = arith.cmpi ne, %convert_element_type3A_378, %cond3A_379 : i32
      scf.if %cond3A_380 {
        %add3A_406 = arith.constant 1 : i32
        %add3A_407 = arith.addi %scan3A_364, %add3A_406 : i32
        %mul3A_408 = arith.constant 16 : i32
        %mul3A_409 = arith.muli %add3A_407, %mul3A_408 : i32
        %get3A_410 = arith.index_cast %mul3A_409 : i32 to index
        %get3A_411 = tpu.vector_load %arg5[%get3A_410] {strides = array<i32>} : memref<512xi32, #tpu.memory_space<vmem>>, vector<16xi32>,
        %slice3A_412 = vector.extract_strided_slice %get3A_411 {offsets = [0], sizes = [1], strides = [1]} : vector<16xi32> to vector<1xi32>
        %squeeze3A_413 = vector.extract %slice3A_412[0] : i32 from vector<1xi32>
        %shift_right_arithmetic3A_414 = arith.constant 7 : i32
        %shift_right_arithmetic3A_415 = arith.shrsi %squeeze3A_413, %shift_right_arithmetic3A_414 : i32
        %shift_left3A_416 = arith.constant 7 : i32
        %shift_left3A_417 = arith.shli %shift_right_arithmetic3A_415, %shift_left3A_416 : i32
        %multiple_of3A_418 = tpu.assume_multiple %shift_left3A_417, 128 : i32
        %dma_start3A_419 = arith.constant 0 : i32
        %dma_start3A_420 = arith.constant 0 : i32
        %dma_start3A_421 = arith.constant 0 : i32
        %dma_start3A_422 = arith.constant 0 : i32
        %dma_start3A_423 = tpu.memref_slice %arg6[%dma_start3A_419, %dma_start3A_420, %dma_start3A_421, %dma_start3A_422] : memref<2x16x16x128xf32, #tpu.memory_space<vmem>> -> memref<1x1x16x128xf32, #tpu.memory_space<vmem>>
        %dma_start3A_424 = tpu.memref_squeeze %dma_start3A_423 : memref<1x1x16x128xf32, #tpu.memory_space<vmem>> -> memref<16x128xf32, #tpu.memory_space<vmem>>
        %dma_start3A_425 = arith.constant 0 : i32
        %dma_start3A_426 = tpu.memref_slice %arg3[%dma_start3A_425, %multiple_of3A_418] : memref<16x1000000xf32, #tpu.memory_space<hbm>> -> memref<16x128xf32, #tpu.memory_space<hbm>>
        %dma_start3A_427 = arith.constant 0 : i32
        %dma_start3A_428 = arith.constant 0 : i32
        %dma_start3A_429 = tpu.memref_slice %arg6[%dma_start3A_419, %dma_start3A_420, %dma_start3A_427, %dma_start3A_428] : memref<2x16x16x128xf32, #tpu.memory_space<vmem>> -> memref<1x1x16x128xf32, #tpu.memory_space<vmem>>
        %dma_start3A_430 = tpu.memref_squeeze %dma_start3A_429 : memref<1x1x16x128xf32, #tpu.memory_space<vmem>> -> memref<16x128xf32, #tpu.memory_space<vmem>>
        %dma_start3A_431 = arith.constant 0 : i32
        %dma_start3A_432 = tpu.memref_slice %arg3[%dma_start3A_431, %multiple_of3A_418] : memref<16x1000000xf32, #tpu.memory_space<hbm>> -> memref<16x128xf32, #tpu.memory_space<hbm>>
        tpu.enqueue_dma source(%dma_start3A_432 : memref<16x128xf32, #tpu.memory_space<hbm>>) target(%dma_start3A_430 : memref<16x128xf32, #tpu.memory_space<vmem>>) target_semaphore(%arg8 : memref<!tpu.dma_semaphore, #tpu.memory_space<semaphore_mem>>)
        %slice3A_433 = vector.extract_strided_slice %get3A_411 {offsets = [1], sizes = [1], strides = [1]} : vector<16xi32> to vector<1xi32>
        %squeeze3A_434 = vector.extract %slice3A_433[0] : i32 from vector<1xi32>
        %shift_right_arithmetic3A_435 = arith.constant 7 : i32
        %shift_right_arithmetic3A_436 = arith.shrsi %squeeze3A_434, %shift_right_arithmetic3A_435 : i32
        %shift_left3A_437 = arith.constant 7 : i32
        %shift_left3A_438 = arith.shli %shift_right_arithmetic3A_436, %shift_left3A_437 : i32
        %multiple_of3A_439 = tpu.assume_multiple %shift_left3A_438, 128 : i32
        %dma_start3A_440 = arith.constant 0 : i32
        %dma_start3A_441 = arith.constant 1 : i32
        %dma_start3A_442 = arith.constant 0 : i32
        %dma_start3A_443 = arith.constant 0 : i32
        %dma_start3A_444 = tpu.memref_slice %arg6[%dma_start3A_440, %dma_start3A_441, %dma_start3A_442, %dma_start3A_443] : memref<2x16x16x128xf32, #tpu.memory_space<vmem>> -> memref<1x1x16x128xf32, #tpu.memory_space<vmem>>
        %dma_start3A_445 = tpu.memref_squeeze %dma_start3A_444 : memref<1x1x16x128xf32, #tpu.memory_space<vmem>> -> memref<16x128xf32, #tpu.memory_space<vmem>>
        %dma_start3A_446 = arith.constant 0 : i32
        %dma_start3A_447 = tpu.memref_slice %arg3[%dma_start3A_446, %multiple_of3A_439] : memref<16x1000000xf32, #tpu.memory_space<hbm>> -> memref<16x128xf32, #tpu.memory_space<hbm>>
        %dma_start3A_448 = arith.constant 0 : i32
        %dma_start3A_449 = arith.constant 0 : i32
        %dma_start3A_450 = tpu.memref_slice %arg6[%dma_start3A_440, %dma_start3A_441, %dma_start3A_448, %dma_start3A_449] : memref<2x16x16x128xf32, #tpu.memory_space<vmem>> -> memref<1x1x16x128xf32, #tpu.memory_space<vmem>>
        %dma_start3A_451 = tpu.memref_squeeze %dma_start3A_450 : memref<1x1x16x128xf32, #tpu.memory_space<vmem>> -> memref<16x128xf32, #tpu.memory_space<vmem>>
        %dma_start3A_452 = arith.constant 0 : i32
        %dma_start3A_453 = tpu.memref_slice %arg3[%dma_start3A_452, %multiple_of3A_439] : memref<16x1000000xf32, #tpu.memory_space<hbm>> -> memref<16x128xf32, #tpu.memory_space<hbm>>
        tpu.enqueue_dma source(%dma_start3A_453 : memref<16x128xf32, #tpu.memory_space<hbm>>) target(%dma_start3A_451 : memref<16x128xf32, #tpu.memory_space<vmem>>) target_semaphore(%arg8 : memref<!tpu.dma_semaphore, #tpu.memory_space<semaphore_mem>>)
        %slice3A_454 = vector.extract_strided_slice %get3A_411 {offsets = [2], sizes = [1], strides = [1]} : vector<16xi32> to vector<1xi32>
        %squeeze3A_455 = vector.extract %slice3A_454[0] : i32 from vector<1xi32>
        %shift_right_arithmetic3A_456 = arith.constant 7 : i32
        %shift_right_arithmetic3A_457 = arith.shrsi %squeeze3A_455, %shift_right_arithmetic3A_456 : i32
        %shift_left3A_458 = arith.constant 7 : i32
        %shift_left3A_459 = arith.shli %shift_right_arithmetic3A_457, %shift_left3A_458 : i32
        %multiple_of3A_460 = tpu.assume_multiple %shift_left3A_459, 128 : i32
        %dma_start3A_461 = arith.constant 0 : i32
        %dma_start3A_462 = arith.constant 2 : i32
        %dma_start3A_463 = arith.constant 0 : i32
        %dma_start3A_464 = arith.constant 0 : i32
        %dma_start3A_465 = tpu.memref_slice %arg6[%dma_start3A_461, %dma_start3A_462, %dma_start3A_463, %dma_start3A_464] : memref<2x16x16x128xf32, #tpu.memory_space<vmem>> -> memref<1x1x16x128xf32, #tpu.memory_space<vmem>>
        %dma_start3A_466 = tpu.memref_squeeze %dma_start3A_465 : memref<1x1x16x128xf32, #tpu.memory_space<vmem>> -> memref<16x128xf32, #tpu.memory_space<vmem>>
        %dma_start3A_467 = arith.constant 0 : i32
        %dma_start3A_468 = tpu.memref_slice %arg3[%dma_start3A_467, %multiple_of3A_460] : memref<16x1000000xf32, #tpu.memory_space<hbm>> -> memref<16x128xf32, #tpu.memory_space<hbm>>
        %dma_start3A_469 = arith.constant 0 : i32
        %dma_start3A_470 = arith.constant 0 : i32
        %dma_start3A_471 = tpu.memref_slice %arg6[%dma_start3A_461, %dma_start3A_462, %dma_start3A_469, %dma_start3A_470] : memref<2x16x16x128xf32, #tpu.memory_space<vmem>> -> memref<1x1x16x128xf32, #tpu.memory_space<vmem>>
        %dma_start3A_472 = tpu.memref_squeeze %dma_start3A_471 : memref<1x1x16x128xf32, #tpu.memory_space<vmem>> -> memref<16x128xf32, #tpu.memory_space<vmem>>
        %dma_start3A_473 = arith.constant 0 : i32
        %dma_start3A_474 = tpu.memref_slice %arg3[%dma_start3A_473, %multiple_of3A_460] : memref<16x1000000xf32, #tpu.memory_space<hbm>> -> memref<16x128xf32, #tpu.memory_space<hbm>>
        tpu.enqueue_dma source(%dma_start3A_474 : memref<16x128xf32, #tpu.memory_space<hbm>>) target(%dma_start3A_472 : memref<16x128xf32, #tpu.memory_space<vmem>>) target_semaphore(%arg8 : memref<!tpu.dma_semaphore, #tpu.memory_space<semaphore_mem>>)
        %slice3A_475 = vector.extract_strided_slice %get3A_411 {offsets = [3], sizes = [1], strides = [1]} : vector<16xi32> to vector<1xi32>
        %squeeze3A_476 = vector.extract %slice3A_475[0] : i32 from vector<1xi32>
        %shift_right_arithmetic3A_477 = arith.constant 7 : i32
        %shift_right_arithmetic3A_478 = arith.shrsi %squeeze3A_476, %shift_right_arithmetic3A_477 : i32
        %shift_left3A_479 = arith.constant 7 : i32
        %shift_left3A_480 = arith.shli %shift_right_arithmetic3A_478, %shift_left3A_479 : i32
        %multiple_of3A_481 = tpu.assume_multiple %shift_left3A_480, 128 : i32
        %dma_start3A_482 = arith.constant 0 : i32
        %dma_start3A_483 = arith.constant 3 : i32
        %dma_start3A_484 = arith.constant 0 : i32
        %dma_start3A_485 = arith.constant 0 : i32
        %dma_start3A_486 = tpu.memref_slice %arg6[%dma_start3A_482, %dma_start3A_483, %dma_start3A_484, %dma_start3A_485] : memref<2x16x16x128xf32, #tpu.memory_space<vmem>> -> memref<1x1x16x128xf32, #tpu.memory_space<vmem>>
        %dma_start3A_487 = tpu.memref_squeeze %dma_start3A_486 : memref<1x1x16x128xf32, #tpu.memory_space<vmem>> -> memref<16x128xf32, #tpu.memory_space<vmem>>
        %dma_start3A_488 = arith.constant 0 : i32
        %dma_start3A_489 = tpu.memref_slice %arg3[%dma_start3A_488, %multiple_of3A_481] : memref<16x1000000xf32, #tpu.memory_space<hbm>> -> memref<16x128xf32, #tpu.memory_space<hbm>>
        %dma_start3A_490 = arith.constant 0 : i32
        %dma_start3A_491 = arith.constant 0 : i32
        %dma_start3A_492 = tpu.memref_slice %arg6[%dma_start3A_482, %dma_start3A_483, %dma_start3A_490, %dma_start3A_491] : memref<2x16x16x128xf32, #tpu.memory_space<vmem>> -> memref<1x1x16x128xf32, #tpu.memory_space<vmem>>
        %dma_start3A_493 = tpu.memref_squeeze %dma_start3A_492 : memref<1x1x16x128xf32, #tpu.memory_space<vmem>> -> memref<16x128xf32, #tpu.memory_space<vmem>>
        %dma_start3A_494 = arith.constant 0 : i32
        %dma_start3A_495 = tpu.memref_slice %arg3[%dma_start3A_494, %multiple_of3A_481] : memref<16x1000000xf32, #tpu.memory_space<hbm>> -> memref<16x128xf32, #tpu.memory_space<hbm>>
        tpu.enqueue_dma source(%dma_start3A_495 : memref<16x128xf32, #tpu.memory_space<hbm>>) target(%dma_start3A_493 : memref<16x128xf32, #tpu.memory_space<vmem>>) target_semaphore(%arg8 : memref<!tpu.dma_semaphore, #tpu.memory_space<semaphore_mem>>)
        %slice3A_496 = vector.extract_strided_slice %get3A_411 {offsets = [4], sizes = [1], strides = [1]} : vector<16xi32> to vector<1xi32>
        %squeeze3A_497 = vector.extract %slice3A_496[0] : i32 from vector<1xi32>
        %shift_right_arithmetic3A_498 = arith.constant 7 : i32
        %shift_right_arithmetic3A_499 = arith.shrsi %squeeze3A_497, %shift_right_arithmetic3A_498 : i32
        %shift_left3A_500 = arith.constant 7 : i32
        %shift_left3A_501 = arith.shli %shift_right_arithmetic3A_499, %shift_left3A_500 : i32
        %multiple_of3A_502 = tpu.assume_multiple %shift_left3A_501, 128 : i32
        %dma_start3A_503 = arith.constant 0 : i32
        %dma_start3A_504 = arith.constant 4 : i32
        %dma_start3A_505 = arith.constant 0 : i32
        %dma_start3A_506 = arith.constant 0 : i32
        %dma_start3A_507 = tpu.memref_slice %arg6[%dma_start3A_503, %dma_start3A_504, %dma_start3A_505, %dma_start3A_506] : memref<2x16x16x128xf32, #tpu.memory_space<vmem>> -> memref<1x1x16x128xf32, #tpu.memory_space<vmem>>
        %dma_start3A_508 = tpu.memref_squeeze %dma_start3A_507 : memref<1x1x16x128xf32, #tpu.memory_space<vmem>> -> memref<16x128xf32, #tpu.memory_space<vmem>>
        %dma_start3A_509 = arith.constant 0 : i32
        %dma_start3A_510 = tpu.memref_slice %arg3[%dma_start3A_509, %multiple_of3A_502] : memref<16x1000000xf32, #tpu.memory_space<hbm>> -> memref<16x128xf32, #tpu.memory_space<hbm>>
        %dma_start3A_511 = arith.constant 0 : i32
        %dma_start3A_512 = arith.constant 0 : i32
        %dma_start3A_513 = tpu.memref_slice %arg6[%dma_start3A_503, %dma_start3A_504, %dma_start3A_511, %dma_start3A_512] : memref<2x16x16x128xf32, #tpu.memory_space<vmem>> -> memref<1x1x16x128xf32, #tpu.memory_space<vmem>>
        %dma_start3A_514 = tpu.memref_squeeze %dma_start3A_513 : memref<1x1x16x128xf32, #tpu.memory_space<vmem>> -> memref<16x128xf32, #tpu.memory_space<vmem>>
        %dma_start3A_515 = arith.constant 0 : i32
        %dma_start3A_516 = tpu.memref_slice %arg3[%dma_start3A_515, %multiple_of3A_502] : memref<16x1000000xf32, #tpu.memory_space<hbm>> -> memref<16x128xf32, #tpu.memory_space<hbm>>
        tpu.enqueue_dma source(%dma_start3A_516 : memref<16x128xf32, #tpu.memory_space<hbm>>) target(%dma_start3A_514 : memref<16x128xf32, #tpu.memory_space<vmem>>) target_semaphore(%arg8 : memref<!tpu.dma_semaphore, #tpu.memory_space<semaphore_mem>>)
        %slice3A_517 = vector.extract_strided_slice %get3A_411 {offsets = [5], sizes = [1], strides = [1]} : vector<16xi32> to vector<1xi32>
        %squeeze3A_518 = vector.extract %slice3A_517[0] : i32 from vector<1xi32>
        %shift_right_arithmetic3A_519 = arith.constant 7 : i32
        %shift_right_arithmetic3A_520 = arith.shrsi %squeeze3A_518, %shift_right_arithmetic3A_519 : i32
        %shift_left3A_521 = arith.constant 7 : i32
        %shift_left3A_522 = arith.shli %shift_right_arithmetic3A_520, %shift_left3A_521 : i32
        %multiple_of3A_523 = tpu.assume_multiple %shift_left3A_522, 128 : i32
        %dma_start3A_524 = arith.constant 0 : i32
        %dma_start3A_525 = arith.constant 5 : i32
        %dma_start3A_526 = arith.constant 0 : i32
        %dma_start3A_527 = arith.constant 0 : i32
        %dma_start3A_528 = tpu.memref_slice %arg6[%dma_start3A_524, %dma_start3A_525, %dma_start3A_526, %dma_start3A_527] : memref<2x16x16x128xf32, #tpu.memory_space<vmem>> -> memref<1x1x16x128xf32, #tpu.memory_space<vmem>>
        %dma_start3A_529 = tpu.memref_squeeze %dma_start3A_528 : memref<1x1x16x128xf32, #tpu.memory_space<vmem>> -> memref<16x128xf32, #tpu.memory_space<vmem>>
        %dma_start3A_530 = arith.constant 0 : i32
        %dma_start3A_531 = tpu.memref_slice %arg3[%dma_start3A_530, %multiple_of3A_523] : memref<16x1000000xf32, #tpu.memory_space<hbm>> -> memref<16x128xf32, #tpu.memory_space<hbm>>
        %dma_start3A_532 = arith.constant 0 : i32
        %dma_start3A_533 = arith.constant 0 : i32
        %dma_start3A_534 = tpu.memref_slice %arg6[%dma_start3A_524, %dma_start3A_525, %dma_start3A_532, %dma_start3A_533] : memref<2x16x16x128xf32, #tpu.memory_space<vmem>> -> memref<1x1x16x128xf32, #tpu.memory_space<vmem>>
        %dma_start3A_535 = tpu.memref_squeeze %dma_start3A_534 : memref<1x1x16x128xf32, #tpu.memory_space<vmem>> -> memref<16x128xf32, #tpu.memory_space<vmem>>
        %dma_start3A_536 = arith.constant 0 : i32
        %dma_start3A_537 = tpu.memref_slice %arg3[%dma_start3A_536, %multiple_of3A_523] : memref<16x1000000xf32, #tpu.memory_space<hbm>> -> memref<16x128xf32, #tpu.memory_space<hbm>>
        tpu.enqueue_dma source(%dma_start3A_537 : memref<16x128xf32, #tpu.memory_space<hbm>>) target(%dma_start3A_535 : memref<16x128xf32, #tpu.memory_space<vmem>>) target_semaphore(%arg8 : memref<!tpu.dma_semaphore, #tpu.memory_space<semaphore_mem>>)
        %slice3A_538 = vector.extract_strided_slice %get3A_411 {offsets = [6], sizes = [1], strides = [1]} : vector<16xi32> to vector<1xi32>
        %squeeze3A_539 = vector.extract %slice3A_538[0] : i32 from vector<1xi32>
        %shift_right_arithmetic3A_540 = arith.constant 7 : i32
        %shift_right_arithmetic3A_541 = arith.shrsi %squeeze3A_539, %shift_right_arithmetic3A_540 : i32
        %shift_left3A_542 = arith.constant 7 : i32
        %shift_left3A_543 = arith.shli %shift_right_arithmetic3A_541, %shift_left3A_542 : i32
        %multiple_of3A_544 = tpu.assume_multiple %shift_left3A_543, 128 : i32
        %dma_start3A_545 = arith.constant 0 : i32
        %dma_start3A_546 = arith.constant 6 : i32
        %dma_start3A_547 = arith.constant 0 : i32
        %dma_start3A_548 = arith.constant 0 : i32
        %dma_start3A_549 = tpu.memref_slice %arg6[%dma_start3A_545, %dma_start3A_546, %dma_start3A_547, %dma_start3A_548] : memref<2x16x16x128xf32, #tpu.memory_space<vmem>> -> memref<1x1x16x128xf32, #tpu.memory_space<vmem>>
        %dma_start3A_550 = tpu.memref_squeeze %dma_start3A_549 : memref<1x1x16x128xf32, #tpu.memory_space<vmem>> -> memref<16x128xf32, #tpu.memory_space<vmem>>
        %dma_start3A_551 = arith.constant 0 : i32
        %dma_start3A_552 = tpu.memref_slice %arg3[%dma_start3A_551, %multiple_of3A_544] : memref<16x1000000xf32, #tpu.memory_space<hbm>> -> memref<16x128xf32, #tpu.memory_space<hbm>>
        %dma_start3A_553 = arith.constant 0 : i32
        %dma_start3A_554 = arith.constant 0 : i32
        %dma_start3A_555 = tpu.memref_slice %arg6[%dma_start3A_545, %dma_start3A_546, %dma_start3A_553, %dma_start3A_554] : memref<2x16x16x128xf32, #tpu.memory_space<vmem>> -> memref<1x1x16x128xf32, #tpu.memory_space<vmem>>
        %dma_start3A_556 = tpu.memref_squeeze %dma_start3A_555 : memref<1x1x16x128xf32, #tpu.memory_space<vmem>> -> memref<16x128xf32, #tpu.memory_space<vmem>>
        %dma_start3A_557 = arith.constant 0 : i32
        %dma_start3A_558 = tpu.memref_slice %arg3[%dma_start3A_557, %multiple_of3A_544] : memref<16x1000000xf32, #tpu.memory_space<hbm>> -> memref<16x128xf32, #tpu.memory_space<hbm>>
        tpu.enqueue_dma source(%dma_start3A_558 : memref<16x128xf32, #tpu.memory_space<hbm>>) target(%dma_start3A_556 : memref<16x128xf32, #tpu.memory_space<vmem>>) target_semaphore(%arg8 : memref<!tpu.dma_semaphore, #tpu.memory_space<semaphore_mem>>)
        %slice3A_559 = vector.extract_strided_slice %get3A_411 {offsets = [7], sizes = [1], strides = [1]} : vector<16xi32> to vector<1xi32>
        %squeeze3A_560 = vector.extract %slice3A_559[0] : i32 from vector<1xi32>
        %shift_right_arithmetic3A_561 = arith.constant 7 : i32
        %shift_right_arithmetic3A_562 = arith.shrsi %squeeze3A_560, %shift_right_arithmetic3A_561 : i32
        %shift_left3A_563 = arith.constant 7 : i32
        %shift_left3A_564 = arith.shli %shift_right_arithmetic3A_562, %shift_left3A_563 : i32
        %multiple_of3A_565 = tpu.assume_multiple %shift_left3A_564, 128 : i32
        %dma_start3A_566 = arith.constant 0 : i32
        %dma_start3A_567 = arith.constant 7 : i32
        %dma_start3A_568 = arith.constant 0 : i32
        %dma_start3A_569 = arith.constant 0 : i32
        %dma_start3A_570 = tpu.memref_slice %arg6[%dma_start3A_566, %dma_start3A_567, %dma_start3A_568, %dma_start3A_569] : memref<2x16x16x128xf32, #tpu.memory_space<vmem>> -> memref<1x1x16x128xf32, #tpu.memory_space<vmem>>
        %dma_start3A_571 = tpu.memref_squeeze %dma_start3A_570 : memref<1x1x16x128xf32, #tpu.memory_space<vmem>> -> memref<16x128xf32, #tpu.memory_space<vmem>>
        %dma_start3A_572 = arith.constant 0 : i32
        %dma_start3A_573 = tpu.memref_slice %arg3[%dma_start3A_572, %multiple_of3A_565] : memref<16x1000000xf32, #tpu.memory_space<hbm>> -> memref<16x128xf32, #tpu.memory_space<hbm>>
        %dma_start3A_574 = arith.constant 0 : i32
        %dma_start3A_575 = arith.constant 0 : i32
        %dma_start3A_576 = tpu.memref_slice %arg6[%dma_start3A_566, %dma_start3A_567, %dma_start3A_574, %dma_start3A_575] : memref<2x16x16x128xf32, #tpu.memory_space<vmem>> -> memref<1x1x16x128xf32, #tpu.memory_space<vmem>>
        %dma_start3A_577 = tpu.memref_squeeze %dma_start3A_576 : memref<1x1x16x128xf32, #tpu.memory_space<vmem>> -> memref<16x128xf32, #tpu.memory_space<vmem>>
        %dma_start3A_578 = arith.constant 0 : i32
        %dma_start3A_579 = tpu.memref_slice %arg3[%dma_start3A_578, %multiple_of3A_565] : memref<16x1000000xf32, #tpu.memory_space<hbm>> -> memref<16x128xf32, #tpu.memory_space<hbm>>
        tpu.enqueue_dma source(%dma_start3A_579 : memref<16x128xf32, #tpu.memory_space<hbm>>) target(%dma_start3A_577 : memref<16x128xf32, #tpu.memory_space<vmem>>) target_semaphore(%arg8 : memref<!tpu.dma_semaphore, #tpu.memory_space<semaphore_mem>>)
        %slice3A_580 = vector.extract_strided_slice %get3A_411 {offsets = [8], sizes = [1], strides = [1]} : vector<16xi32> to vector<1xi32>
        %squeeze3A_581 = vector.extract %slice3A_580[0] : i32 from vector<1xi32>
        %shift_right_arithmetic3A_582 = arith.constant 7 : i32
        %shift_right_arithmetic3A_583 = arith.shrsi %squeeze3A_581, %shift_right_arithmetic3A_582 : i32
        %shift_left3A_584 = arith.constant 7 : i32
        %shift_left3A_585 = arith.shli %shift_right_arithmetic3A_583, %shift_left3A_584 : i32
        %multiple_of3A_586 = tpu.assume_multiple %shift_left3A_585, 128 : i32
        %dma_start3A_587 = arith.constant 0 : i32
        %dma_start3A_588 = arith.constant 8 : i32
        %dma_start3A_589 = arith.constant 0 : i32
        %dma_start3A_590 = arith.constant 0 : i32
        %dma_start3A_591 = tpu.memref_slice %arg6[%dma_start3A_587, %dma_start3A_588, %dma_start3A_589, %dma_start3A_590] : memref<2x16x16x128xf32, #tpu.memory_space<vmem>> -> memref<1x1x16x128xf32, #tpu.memory_space<vmem>>
        %dma_start3A_592 = tpu.memref_squeeze %dma_start3A_591 : memref<1x1x16x128xf32, #tpu.memory_space<vmem>> -> memref<16x128xf32, #tpu.memory_space<vmem>>
        %dma_start3A_593 = arith.constant 0 : i32
        %dma_start3A_594 = tpu.memref_slice %arg3[%dma_start3A_593, %multiple_of3A_586] : memref<16x1000000xf32, #tpu.memory_space<hbm>> -> memref<16x128xf32, #tpu.memory_space<hbm>>
        %dma_start3A_595 = arith.constant 0 : i32
        %dma_start3A_596 = arith.constant 0 : i32
        %dma_start3A_597 = tpu.memref_slice %arg6[%dma_start3A_587, %dma_start3A_588, %dma_start3A_595, %dma_start3A_596] : memref<2x16x16x128xf32, #tpu.memory_space<vmem>> -> memref<1x1x16x128xf32, #tpu.memory_space<vmem>>
        %dma_start3A_598 = tpu.memref_squeeze %dma_start3A_597 : memref<1x1x16x128xf32, #tpu.memory_space<vmem>> -> memref<16x128xf32, #tpu.memory_space<vmem>>
        %dma_start3A_599 = arith.constant 0 : i32
        %dma_start3A_600 = tpu.memref_slice %arg3[%dma_start3A_599, %multiple_of3A_586] : memref<16x1000000xf32, #tpu.memory_space<hbm>> -> memref<16x128xf32, #tpu.memory_space<hbm>>
        tpu.enqueue_dma source(%dma_start3A_600 : memref<16x128xf32, #tpu.memory_space<hbm>>) target(%dma_start3A_598 : memref<16x128xf32, #tpu.memory_space<vmem>>) target_semaphore(%arg8 : memref<!tpu.dma_semaphore, #tpu.memory_space<semaphore_mem>>)
        %slice3A_601 = vector.extract_strided_slice %get3A_411 {offsets = [9], sizes = [1], strides = [1]} : vector<16xi32> to vector<1xi32>
        %squeeze3A_602 = vector.extract %slice3A_601[0] : i32 from vector<1xi32>
        %shift_right_arithmetic3A_603 = arith.constant 7 : i32
        %shift_right_arithmetic3A_604 = arith.shrsi %squeeze3A_602, %shift_right_arithmetic3A_603 : i32
        %shift_left3A_605 = arith.constant 7 : i32
        %shift_left3A_606 = arith.shli %shift_right_arithmetic3A_604, %shift_left3A_605 : i32
        %multiple_of3A_607 = tpu.assume_multiple %shift_left3A_606, 128 : i32
        %dma_start3A_608 = arith.constant 0 : i32
        %dma_start3A_609 = arith.constant 9 : i32
        %dma_start3A_610 = arith.constant 0 : i32
        %dma_start3A_611 = arith.constant 0 : i32
        %dma_start3A_612 = tpu.memref_slice %arg6[%dma_start3A_608, %dma_start3A_609, %dma_start3A_610, %dma_start3A_611] : memref<2x16x16x128xf32, #tpu.memory_space<vmem>> -> memref<1x1x16x128xf32, #tpu.memory_space<vmem>>
        %dma_start3A_613 = tpu.memref_squeeze %dma_start3A_612 : memref<1x1x16x128xf32, #tpu.memory_space<vmem>> -> memref<16x128xf32, #tpu.memory_space<vmem>>
        %dma_start3A_614 = arith.constant 0 : i32
        %dma_start3A_615 = tpu.memref_slice %arg3[%dma_start3A_614, %multiple_of3A_607] : memref<16x1000000xf32, #tpu.memory_space<hbm>> -> memref<16x128xf32, #tpu.memory_space<hbm>>
        %dma_start3A_616 = arith.constant 0 : i32
        %dma_start3A_617 = arith.constant 0 : i32
        %dma_start3A_618 = tpu.memref_slice %arg6[%dma_start3A_608, %dma_start3A_609, %dma_start3A_616, %dma_start3A_617] : memref<2x16x16x128xf32, #tpu.memory_space<vmem>> -> memref<1x1x16x128xf32, #tpu.memory_space<vmem>>
        %dma_start3A_619 = tpu.memref_squeeze %dma_start3A_618 : memref<1x1x16x128xf32, #tpu.memory_space<vmem>> -> memref<16x128xf32, #tpu.memory_space<vmem>>
        %dma_start3A_620 = arith.constant 0 : i32
        %dma_start3A_621 = tpu.memref_slice %arg3[%dma_start3A_620, %multiple_of3A_607] : memref<16x1000000xf32, #tpu.memory_space<hbm>> -> memref<16x128xf32, #tpu.memory_space<hbm>>
        tpu.enqueue_dma source(%dma_start3A_621 : memref<16x128xf32, #tpu.memory_space<hbm>>) target(%dma_start3A_619 : memref<16x128xf32, #tpu.memory_space<vmem>>) target_semaphore(%arg8 : memref<!tpu.dma_semaphore, #tpu.memory_space<semaphore_mem>>)
        %slice3A_622 = vector.extract_strided_slice %get3A_411 {offsets = [10], sizes = [1], strides = [1]} : vector<16xi32> to vector<1xi32>
        %squeeze3A_623 = vector.extract %slice3A_622[0] : i32 from vector<1xi32>
        %shift_right_arithmetic3A_624 = arith.constant 7 : i32
        %shift_right_arithmetic3A_625 = arith.shrsi %squeeze3A_623, %shift_right_arithmetic3A_624 : i32
        %shift_left3A_626 = arith.constant 7 : i32
        %shift_left3A_627 = arith.shli %shift_right_arithmetic3A_625, %shift_left3A_626 : i32
        %multiple_of3A_628 = tpu.assume_multiple %shift_left3A_627, 128 : i32
        %dma_start3A_629 = arith.constant 0 : i32
        %dma_start3A_630 = arith.constant 10 : i32
        %dma_start3A_631 = arith.constant 0 : i32
        %dma_start3A_632 = arith.constant 0 : i32
        %dma_start3A_633 = tpu.memref_slice %arg6[%dma_start3A_629, %dma_start3A_630, %dma_start3A_631, %dma_start3A_632] : memref<2x16x16x128xf32, #tpu.memory_space<vmem>> -> memref<1x1x16x128xf32, #tpu.memory_space<vmem>>
        %dma_start3A_634 = tpu.memref_squeeze %dma_start3A_633 : memref<1x1x16x128xf32, #tpu.memory_space<vmem>> -> memref<16x128xf32, #tpu.memory_space<vmem>>
        %dma_start3A_635 = arith.constant 0 : i32
        %dma_start3A_636 = tpu.memref_slice %arg3[%dma_start3A_635, %multiple_of3A_628] : memref<16x1000000xf32, #tpu.memory_space<hbm>> -> memref<16x128xf32, #tpu.memory_space<hbm>>
        %dma_start3A_637 = arith.constant 0 : i32
        %dma_start3A_638 = arith.constant 0 : i32
        %dma_start3A_639 = tpu.memref_slice %arg6[%dma_start3A_629, %dma_start3A_630, %dma_start3A_637, %dma_start3A_638] : memref<2x16x16x128xf32, #tpu.memory_space<vmem>> -> memref<1x1x16x128xf32, #tpu.memory_space<vmem>>
        %dma_start3A_640 = tpu.memref_squeeze %dma_start3A_639 : memref<1x1x16x128xf32, #tpu.memory_space<vmem>> -> memref<16x128xf32, #tpu.memory_space<vmem>>
        %dma_start3A_641 = arith.constant 0 : i32
        %dma_start3A_642 = tpu.memref_slice %arg3[%dma_start3A_641, %multiple_of3A_628] : memref<16x1000000xf32, #tpu.memory_space<hbm>> -> memref<16x128xf32, #tpu.memory_space<hbm>>
        tpu.enqueue_dma source(%dma_start3A_642 : memref<16x128xf32, #tpu.memory_space<hbm>>) target(%dma_start3A_640 : memref<16x128xf32, #tpu.memory_space<vmem>>) target_semaphore(%arg8 : memref<!tpu.dma_semaphore, #tpu.memory_space<semaphore_mem>>)
        %slice3A_643 = vector.extract_strided_slice %get3A_411 {offsets = [11], sizes = [1], strides = [1]} : vector<16xi32> to vector<1xi32>
        %squeeze3A_644 = vector.extract %slice3A_643[0] : i32 from vector<1xi32>
        %shift_right_arithmetic3A_645 = arith.constant 7 : i32
        %shift_right_arithmetic3A_646 = arith.shrsi %squeeze3A_644, %shift_right_arithmetic3A_645 : i32
        %shift_left3A_647 = arith.constant 7 : i32
        %shift_left3A_648 = arith.shli %shift_right_arithmetic3A_646, %shift_left3A_647 : i32
        %multiple_of3A_649 = tpu.assume_multiple %shift_left3A_648, 128 : i32
        %dma_start3A_650 = arith.constant 0 : i32
        %dma_start3A_651 = arith.constant 11 : i32
        %dma_start3A_652 = arith.constant 0 : i32
        %dma_start3A_653 = arith.constant 0 : i32
        %dma_start3A_654 = tpu.memref_slice %arg6[%dma_start3A_650, %dma_start3A_651, %dma_start3A_652, %dma_start3A_653] : memref<2x16x16x128xf32, #tpu.memory_space<vmem>> -> memref<1x1x16x128xf32, #tpu.memory_space<vmem>>
        %dma_start3A_655 = tpu.memref_squeeze %dma_start3A_654 : memref<1x1x16x128xf32, #tpu.memory_space<vmem>> -> memref<16x128xf32, #tpu.memory_space<vmem>>
        %dma_start3A_656 = arith.constant 0 : i32
        %dma_start3A_657 = tpu.memref_slice %arg3[%dma_start3A_656, %multiple_of3A_649] : memref<16x1000000xf32, #tpu.memory_space<hbm>> -> memref<16x128xf32, #tpu.memory_space<hbm>>
        %dma_start3A_658 = arith.constant 0 : i32
        %dma_start3A_659 = arith.constant 0 : i32
        %dma_start3A_660 = tpu.memref_slice %arg6[%dma_start3A_650, %dma_start3A_651, %dma_start3A_658, %dma_start3A_659] : memref<2x16x16x128xf32, #tpu.memory_space<vmem>> -> memref<1x1x16x128xf32, #tpu.memory_space<vmem>>
        %dma_start3A_661 = tpu.memref_squeeze %dma_start3A_660 : memref<1x1x16x128xf32, #tpu.memory_space<vmem>> -> memref<16x128xf32, #tpu.memory_space<vmem>>
        %dma_start3A_662 = arith.constant 0 : i32
        %dma_start3A_663 = tpu.memref_slice %arg3[%dma_start3A_662, %multiple_of3A_649] : memref<16x1000000xf32, #tpu.memory_space<hbm>> -> memref<16x128xf32, #tpu.memory_space<hbm>>
        tpu.enqueue_dma source(%dma_start3A_663 : memref<16x128xf32, #tpu.memory_space<hbm>>) target(%dma_start3A_661 : memref<16x128xf32, #tpu.memory_space<vmem>>) target_semaphore(%arg8 : memref<!tpu.dma_semaphore, #tpu.memory_space<semaphore_mem>>)
        %slice3A_664 = vector.extract_strided_slice %get3A_411 {offsets = [12], sizes = [1], strides = [1]} : vector<16xi32> to vector<1xi32>
        %squeeze3A_665 = vector.extract %slice3A_664[0] : i32 from vector<1xi32>
        %shift_right_arithmetic3A_666 = arith.constant 7 : i32
        %shift_right_arithmetic3A_667 = arith.shrsi %squeeze3A_665, %shift_right_arithmetic3A_666 : i32
        %shift_left3A_668 = arith.constant 7 : i32
        %shift_left3A_669 = arith.shli %shift_right_arithmetic3A_667, %shift_left3A_668 : i32
        %multiple_of3A_670 = tpu.assume_multiple %shift_left3A_669, 128 : i32
        %dma_start3A_671 = arith.constant 0 : i32
        %dma_start3A_672 = arith.constant 12 : i32
        %dma_start3A_673 = arith.constant 0 : i32
        %dma_start3A_674 = arith.constant 0 : i32
        %dma_start3A_675 = tpu.memref_slice %arg6[%dma_start3A_671, %dma_start3A_672, %dma_start3A_673, %dma_start3A_674] : memref<2x16x16x128xf32, #tpu.memory_space<vmem>> -> memref<1x1x16x128xf32, #tpu.memory_space<vmem>>
        %dma_start3A_676 = tpu.memref_squeeze %dma_start3A_675 : memref<1x1x16x128xf32, #tpu.memory_space<vmem>> -> memref<16x128xf32, #tpu.memory_space<vmem>>
        %dma_start3A_677 = arith.constant 0 : i32
        %dma_start3A_678 = tpu.memref_slice %arg3[%dma_start3A_677, %multiple_of3A_670] : memref<16x1000000xf32, #tpu.memory_space<hbm>> -> memref<16x128xf32, #tpu.memory_space<hbm>>
        %dma_start3A_679 = arith.constant 0 : i32
        %dma_start3A_680 = arith.constant 0 : i32
        %dma_start3A_681 = tpu.memref_slice %arg6[%dma_start3A_671, %dma_start3A_672, %dma_start3A_679, %dma_start3A_680] : memref<2x16x16x128xf32, #tpu.memory_space<vmem>> -> memref<1x1x16x128xf32, #tpu.memory_space<vmem>>
        %dma_start3A_682 = tpu.memref_squeeze %dma_start3A_681 : memref<1x1x16x128xf32, #tpu.memory_space<vmem>> -> memref<16x128xf32, #tpu.memory_space<vmem>>
        %dma_start3A_683 = arith.constant 0 : i32
        %dma_start3A_684 = tpu.memref_slice %arg3[%dma_start3A_683, %multiple_of3A_670] : memref<16x1000000xf32, #tpu.memory_space<hbm>> -> memref<16x128xf32, #tpu.memory_space<hbm>>
        tpu.enqueue_dma source(%dma_start3A_684 : memref<16x128xf32, #tpu.memory_space<hbm>>) target(%dma_start3A_682 : memref<16x128xf32, #tpu.memory_space<vmem>>) target_semaphore(%arg8 : memref<!tpu.dma_semaphore, #tpu.memory_space<semaphore_mem>>)
        %slice3A_685 = vector.extract_strided_slice %get3A_411 {offsets = [13], sizes = [1], strides = [1]} : vector<16xi32> to vector<1xi32>
        %squeeze3A_686 = vector.extract %slice3A_685[0] : i32 from vector<1xi32>
        %shift_right_arithmetic3A_687 = arith.constant 7 : i32
        %shift_right_arithmetic3A_688 = arith.shrsi %squeeze3A_686, %shift_right_arithmetic3A_687 : i32
        %shift_left3A_689 = arith.constant 7 : i32
        %shift_left3A_690 = arith.shli %shift_right_arithmetic3A_688, %shift_left3A_689 : i32
        %multiple_of3A_691 = tpu.assume_multiple %shift_left3A_690, 128 : i32
        %dma_start3A_692 = arith.constant 0 : i32
        %dma_start3A_693 = arith.constant 13 : i32
        %dma_start3A_694 = arith.constant 0 : i32
        %dma_start3A_695 = arith.constant 0 : i32
        %dma_start3A_696 = tpu.memref_slice %arg6[%dma_start3A_692, %dma_start3A_693, %dma_start3A_694, %dma_start3A_695] : memref<2x16x16x128xf32, #tpu.memory_space<vmem>> -> memref<1x1x16x128xf32, #tpu.memory_space<vmem>>
        %dma_start3A_697 = tpu.memref_squeeze %dma_start3A_696 : memref<1x1x16x128xf32, #tpu.memory_space<vmem>> -> memref<16x128xf32, #tpu.memory_space<vmem>>
        %dma_start3A_698 = arith.constant 0 : i32
        %dma_start3A_699 = tpu.memref_slice %arg3[%dma_start3A_698, %multiple_of3A_691] : memref<16x1000000xf32, #tpu.memory_space<hbm>> -> memref<16x128xf32, #tpu.memory_space<hbm>>
        %dma_start3A_700 = arith.constant 0 : i32
        %dma_start3A_701 = arith.constant 0 : i32
        %dma_start3A_702 = tpu.memref_slice %arg6[%dma_start3A_692, %dma_start3A_693, %dma_start3A_700, %dma_start3A_701] : memref<2x16x16x128xf32, #tpu.memory_space<vmem>> -> memref<1x1x16x128xf32, #tpu.memory_space<vmem>>
        %dma_start3A_703 = tpu.memref_squeeze %dma_start3A_702 : memref<1x1x16x128xf32, #tpu.memory_space<vmem>> -> memref<16x128xf32, #tpu.memory_space<vmem>>
        %dma_start3A_704 = arith.constant 0 : i32
        %dma_start3A_705 = tpu.memref_slice %arg3[%dma_start3A_704, %multiple_of3A_691] : memref<16x1000000xf32, #tpu.memory_space<hbm>> -> memref<16x128xf32, #tpu.memory_space<hbm>>
        tpu.enqueue_dma source(%dma_start3A_705 : memref<16x128xf32, #tpu.memory_space<hbm>>) target(%dma_start3A_703 : memref<16x128xf32, #tpu.memory_space<vmem>>) target_semaphore(%arg8 : memref<!tpu.dma_semaphore, #tpu.memory_space<semaphore_mem>>)
        %slice3A_706 = vector.extract_strided_slice %get3A_411 {offsets = [14], sizes = [1], strides = [1]} : vector<16xi32> to vector<1xi32>
        %squeeze3A_707 = vector.extract %slice3A_706[0] : i32 from vector<1xi32>
        %shift_right_arithmetic3A_708 = arith.constant 7 : i32
        %shift_right_arithmetic3A_709 = arith.shrsi %squeeze3A_707, %shift_right_arithmetic3A_708 : i32
        %shift_left3A_710 = arith.constant 7 : i32
        %shift_left3A_711 = arith.shli %shift_right_arithmetic3A_709, %shift_left3A_710 : i32
        %multiple_of3A_712 = tpu.assume_multiple %shift_left3A_711, 128 : i32
        %dma_start3A_713 = arith.constant 0 : i32
        %dma_start3A_714 = arith.constant 14 : i32
        %dma_start3A_715 = arith.constant 0 : i32
        %dma_start3A_716 = arith.constant 0 : i32
        %dma_start3A_717 = tpu.memref_slice %arg6[%dma_start3A_713, %dma_start3A_714, %dma_start3A_715, %dma_start3A_716] : memref<2x16x16x128xf32, #tpu.memory_space<vmem>> -> memref<1x1x16x128xf32, #tpu.memory_space<vmem>>
        %dma_start3A_718 = tpu.memref_squeeze %dma_start3A_717 : memref<1x1x16x128xf32, #tpu.memory_space<vmem>> -> memref<16x128xf32, #tpu.memory_space<vmem>>
        %dma_start3A_719 = arith.constant 0 : i32
        %dma_start3A_720 = tpu.memref_slice %arg3[%dma_start3A_719, %multiple_of3A_712] : memref<16x1000000xf32, #tpu.memory_space<hbm>> -> memref<16x128xf32, #tpu.memory_space<hbm>>
        %dma_start3A_721 = arith.constant 0 : i32
        %dma_start3A_722 = arith.constant 0 : i32
        %dma_start3A_723 = tpu.memref_slice %arg6[%dma_start3A_713, %dma_start3A_714, %dma_start3A_721, %dma_start3A_722] : memref<2x16x16x128xf32, #tpu.memory_space<vmem>> -> memref<1x1x16x128xf32, #tpu.memory_space<vmem>>
        %dma_start3A_724 = tpu.memref_squeeze %dma_start3A_723 : memref<1x1x16x128xf32, #tpu.memory_space<vmem>> -> memref<16x128xf32, #tpu.memory_space<vmem>>
        %dma_start3A_725 = arith.constant 0 : i32
        %dma_start3A_726 = tpu.memref_slice %arg3[%dma_start3A_725, %multiple_of3A_712] : memref<16x1000000xf32, #tpu.memory_space<hbm>> -> memref<16x128xf32, #tpu.memory_space<hbm>>
        tpu.enqueue_dma source(%dma_start3A_726 : memref<16x128xf32, #tpu.memory_space<hbm>>) target(%dma_start3A_724 : memref<16x128xf32, #tpu.memory_space<vmem>>) target_semaphore(%arg8 : memref<!tpu.dma_semaphore, #tpu.memory_space<semaphore_mem>>)
        %slice3A_727 = vector.extract_strided_slice %get3A_411 {offsets = [15], sizes = [1], strides = [1]} : vector<16xi32> to vector<1xi32>
        %squeeze3A_728 = vector.extract %slice3A_727[0] : i32 from vector<1xi32>
        %shift_right_arithmetic3A_729 = arith.constant 7 : i32
        %shift_right_arithmetic3A_730 = arith.shrsi %squeeze3A_728, %shift_right_arithmetic3A_729 : i32
        %shift_left3A_731 = arith.constant 7 : i32
        %shift_left3A_732 = arith.shli %shift_right_arithmetic3A_730, %shift_left3A_731 : i32
        %multiple_of3A_733 = tpu.assume_multiple %shift_left3A_732, 128 : i32
        %dma_start3A_734 = arith.constant 0 : i32
        %dma_start3A_735 = arith.constant 15 : i32
        %dma_start3A_736 = arith.constant 0 : i32
        %dma_start3A_737 = arith.constant 0 : i32
        %dma_start3A_738 = tpu.memref_slice %arg6[%dma_start3A_734, %dma_start3A_735, %dma_start3A_736, %dma_start3A_737] : memref<2x16x16x128xf32, #tpu.memory_space<vmem>> -> memref<1x1x16x128xf32, #tpu.memory_space<vmem>>
        %dma_start3A_739 = tpu.memref_squeeze %dma_start3A_738 : memref<1x1x16x128xf32, #tpu.memory_space<vmem>> -> memref<16x128xf32, #tpu.memory_space<vmem>>
        %dma_start3A_740 = arith.constant 0 : i32
        %dma_start3A_741 = tpu.memref_slice %arg3[%dma_start3A_740, %multiple_of3A_733] : memref<16x1000000xf32, #tpu.memory_space<hbm>> -> memref<16x128xf32, #tpu.memory_space<hbm>>
        %dma_start3A_742 = arith.constant 0 : i32
        %dma_start3A_743 = arith.constant 0 : i32
        %dma_start3A_744 = tpu.memref_slice %arg6[%dma_start3A_734, %dma_start3A_735, %dma_start3A_742, %dma_start3A_743] : memref<2x16x16x128xf32, #tpu.memory_space<vmem>> -> memref<1x1x16x128xf32, #tpu.memory_space<vmem>>
        %dma_start3A_745 = tpu.memref_squeeze %dma_start3A_744 : memref<1x1x16x128xf32, #tpu.memory_space<vmem>> -> memref<16x128xf32, #tpu.memory_space<vmem>>
        %dma_start3A_746 = arith.constant 0 : i32
        %dma_start3A_747 = tpu.memref_slice %arg3[%dma_start3A_746, %multiple_of3A_733] : memref<16x1000000xf32, #tpu.memory_space<hbm>> -> memref<16x128xf32, #tpu.memory_space<hbm>>
        tpu.enqueue_dma source(%dma_start3A_747 : memref<16x128xf32, #tpu.memory_space<hbm>>) target(%dma_start3A_745 : memref<16x128xf32, #tpu.memory_space<vmem>>) target_semaphore(%arg8 : memref<!tpu.dma_semaphore, #tpu.memory_space<semaphore_mem>>)
      } else {
      }
      %ge3A = arith.constant 2 : i32
      %ge3A_381 = arith.cmpi sge, %scan3A_364, %ge3A : i32
      %eq3A_382 = arith.constant 0 : i32
      %eq3A_383 = arith.cmpi eq, %rem3A_365, %eq3A_382 : i32
      %and3A_384 = arith.andi %ge3A_381, %eq3A_383 : i1
      %convert_element_type3A_385 = arith.extui %and3A_384 : i1 to i32
      %cond3A_386 = arith.constant 0 : i32
      %cond3A_387 = arith.cmpi ne, %convert_element_type3A_385, %cond3A_386 : i32
      scf.if %cond3A_387 {
        %dma_wait3A_406 = arith.constant 0 : i32
        %dma_wait3A_407 = arith.constant 0 : i32
        %dma_wait3A_408 = arith.constant 0 : i32
        %dma_wait3A_409 = tpu.memref_slice %arg7[%dma_wait3A_406, %dma_wait3A_407, %dma_wait3A_408] : memref<2x16x32xf32, #tpu.memory_space<vmem>> -> memref<1x16x32xf32, #tpu.memory_space<vmem>>
        %dma_wait3A_410 = tpu.memref_squeeze %dma_wait3A_409 : memref<1x16x32xf32, #tpu.memory_space<vmem>> -> memref<16x32xf32, #tpu.memory_space<vmem>>
        %dma_wait3A_411 = arith.constant 0 : i32
        %dma_wait3A_412 = tpu.memref_slice %arg4[%mul3A_2, %dma_wait3A_411] : memref<16384x32xf32, #tpu.memory_space<hbm>> -> memref<16x32xf32, #tpu.memory_space<hbm>>
        %dma_wait3A_413 = arith.constant 0 : i32
        %dma_wait3A_414 = arith.constant 0 : i32
        %dma_wait3A_415 = tpu.memref_slice %arg7[%dma_wait3A_406, %dma_wait3A_413, %dma_wait3A_414] : memref<2x16x32xf32, #tpu.memory_space<vmem>> -> memref<1x16x32xf32, #tpu.memory_space<vmem>>
        %dma_wait3A_416 = tpu.memref_squeeze %dma_wait3A_415 : memref<1x16x32xf32, #tpu.memory_space<vmem>> -> memref<16x32xf32, #tpu.memory_space<vmem>>
        %dma_wait3A_417 = arith.constant 0 : i32
        %dma_wait3A_418 = tpu.memref_slice %arg4[%mul3A_2, %dma_wait3A_417] : memref<16384x32xf32, #tpu.memory_space<hbm>> -> memref<16x32xf32, #tpu.memory_space<hbm>>
        tpu.wait_dma2 semaphore(%arg10 : memref<!tpu.dma_semaphore, #tpu.memory_space<semaphore_mem>>) src(%dma_wait3A_418 : memref<16x32xf32, #tpu.memory_space<hbm>>) dst(%dma_wait3A_416 : memref<16x32xf32, #tpu.memory_space<vmem>>)
      } else {
      }
      %ge3A_388 = arith.constant 2 : i32
      %ge3A_389 = arith.cmpi sge, %scan3A_364, %ge3A_388 : i32
      %eq3A_390 = arith.constant 1 : i32
      %eq3A_391 = arith.cmpi eq, %rem3A_365, %eq3A_390 : i32
      %and3A_392 = arith.andi %ge3A_389, %eq3A_391 : i1
      %convert_element_type3A_393 = arith.extui %and3A_392 : i1 to i32
      %cond3A_394 = arith.constant 0 : i32
      %cond3A_395 = arith.cmpi ne, %convert_element_type3A_393, %cond3A_394 : i32
      scf.if %cond3A_395 {
        %dma_wait3A_406 = arith.constant 0 : i32
        %dma_wait3A_407 = arith.constant 0 : i32
        %dma_wait3A_408 = arith.constant 0 : i32
        %dma_wait3A_409 = tpu.memref_slice %arg7[%dma_wait3A_406, %dma_wait3A_407, %dma_wait3A_408] : memref<2x16x32xf32, #tpu.memory_space<vmem>> -> memref<1x16x32xf32, #tpu.memory_space<vmem>>
        %dma_wait3A_410 = tpu.memref_squeeze %dma_wait3A_409 : memref<1x16x32xf32, #tpu.memory_space<vmem>> -> memref<16x32xf32, #tpu.memory_space<vmem>>
        %dma_wait3A_411 = arith.constant 0 : i32
        %dma_wait3A_412 = tpu.memref_slice %arg4[%mul3A_2, %dma_wait3A_411] : memref<16384x32xf32, #tpu.memory_space<hbm>> -> memref<16x32xf32, #tpu.memory_space<hbm>>
        %dma_wait3A_413 = arith.constant 0 : i32
        %dma_wait3A_414 = arith.constant 0 : i32
        %dma_wait3A_415 = tpu.memref_slice %arg7[%dma_wait3A_406, %dma_wait3A_413, %dma_wait3A_414] : memref<2x16x32xf32, #tpu.memory_space<vmem>> -> memref<1x16x32xf32, #tpu.memory_space<vmem>>
        %dma_wait3A_416 = tpu.memref_squeeze %dma_wait3A_415 : memref<1x16x32xf32, #tpu.memory_space<vmem>> -> memref<16x32xf32, #tpu.memory_space<vmem>>
        %dma_wait3A_417 = arith.constant 0 : i32
        %dma_wait3A_418 = tpu.memref_slice %arg4[%mul3A_2, %dma_wait3A_417] : memref<16384x32xf32, #tpu.memory_space<hbm>> -> memref<16x32xf32, #tpu.memory_space<hbm>>
        tpu.wait_dma2 semaphore(%arg11 : memref<!tpu.dma_semaphore, #tpu.memory_space<semaphore_mem>>) src(%dma_wait3A_418 : memref<16x32xf32, #tpu.memory_space<hbm>>) dst(%dma_wait3A_416 : memref<16x32xf32, #tpu.memory_space<vmem>>)
      } else {
      }
      %eq3A_396 = arith.constant 0 : i32
      %eq3A_397 = arith.cmpi eq, %rem3A_365, %eq3A_396 : i32
      %convert_element_type3A_398 = arith.extui %eq3A_397 : i1 to i32
      %cond3A_399 = arith.constant 0 : i32
      %cond3A_400 = arith.cmpi ne, %convert_element_type3A_398, %cond3A_399 : i32
      scf.if %cond3A_400 {
        %dma_wait3A_406 = arith.constant 0 : i32
        %dma_wait3A_407 = arith.constant 0 : i32
        %dma_wait3A_408 = arith.constant 0 : i32
        %dma_wait3A_409 = arith.constant 0 : i32
        %dma_wait3A_410 = tpu.memref_slice %arg6[%dma_wait3A_406, %dma_wait3A_407, %dma_wait3A_408, %dma_wait3A_409] : memref<2x16x16x128xf32, #tpu.memory_space<vmem>> -> memref<1x1x16x128xf32, #tpu.memory_space<vmem>>
        %dma_wait3A_411 = tpu.memref_squeeze %dma_wait3A_410 : memref<1x1x16x128xf32, #tpu.memory_space<vmem>> -> memref<16x128xf32, #tpu.memory_space<vmem>>
        %dma_wait3A_412 = arith.constant 0 : i32
        %dma_wait3A_413 = arith.constant 0 : i32
        %dma_wait3A_414 = tpu.memref_slice %arg3[%dma_wait3A_412, %dma_wait3A_413] : memref<16x1000000xf32, #tpu.memory_space<hbm>> -> memref<16x128xf32, #tpu.memory_space<hbm>>
        %dma_wait3A_415 = arith.constant 0 : i32
        %dma_wait3A_416 = arith.constant 0 : i32
        %dma_wait3A_417 = tpu.memref_slice %arg6[%dma_wait3A_406, %dma_wait3A_407, %dma_wait3A_415, %dma_wait3A_416] : memref<2x16x16x128xf32, #tpu.memory_space<vmem>> -> memref<1x1x16x128xf32, #tpu.memory_space<vmem>>
        %dma_wait3A_418 = tpu.memref_squeeze %dma_wait3A_417 : memref<1x1x16x128xf32, #tpu.memory_space<vmem>> -> memref<16x128xf32, #tpu.memory_space<vmem>>
        %dma_wait3A_419 = arith.constant 0 : i32
        %dma_wait3A_420 = arith.constant 0 : i32
        %dma_wait3A_421 = tpu.memref_slice %arg3[%dma_wait3A_419, %dma_wait3A_420] : memref<16x1000000xf32, #tpu.memory_space<hbm>> -> memref<16x128xf32, #tpu.memory_space<hbm>>
        tpu.wait_dma2 semaphore(%arg8 : memref<!tpu.dma_semaphore, #tpu.memory_space<semaphore_mem>>) src(%dma_wait3A_421 : memref<16x128xf32, #tpu.memory_space<hbm>>) dst(%dma_wait3A_418 : memref<16x128xf32, #tpu.memory_space<vmem>>)
        %dma_wait3A_422 = arith.constant 0 : i32
        %dma_wait3A_423 = arith.constant 1 : i32
        %dma_wait3A_424 = arith.constant 0 : i32
        %dma_wait3A_425 = arith.constant 0 : i32
        %dma_wait3A_426 = tpu.memref_slice %arg6[%dma_wait3A_422, %dma_wait3A_423, %dma_wait3A_424, %dma_wait3A_425] : memref<2x16x16x128xf32, #tpu.memory_space<vmem>> -> memref<1x1x16x128xf32, #tpu.memory_space<vmem>>
        %dma_wait3A_427 = tpu.memref_squeeze %dma_wait3A_426 : memref<1x1x16x128xf32, #tpu.memory_space<vmem>> -> memref<16x128xf32, #tpu.memory_space<vmem>>
        %dma_wait3A_428 = arith.constant 0 : i32
        %dma_wait3A_429 = arith.constant 0 : i32
        %dma_wait3A_430 = tpu.memref_slice %arg3[%dma_wait3A_428, %dma_wait3A_429] : memref<16x1000000xf32, #tpu.memory_space<hbm>> -> memref<16x128xf32, #tpu.memory_space<hbm>>
        %dma_wait3A_431 = arith.constant 0 : i32
        %dma_wait3A_432 = arith.constant 0 : i32
        %dma_wait3A_433 = tpu.memref_slice %arg6[%dma_wait3A_422, %dma_wait3A_423, %dma_wait3A_431, %dma_wait3A_432] : memref<2x16x16x128xf32, #tpu.memory_space<vmem>> -> memref<1x1x16x128xf32, #tpu.memory_space<vmem>>
        %dma_wait3A_434 = tpu.memref_squeeze %dma_wait3A_433 : memref<1x1x16x128xf32, #tpu.memory_space<vmem>> -> memref<16x128xf32, #tpu.memory_space<vmem>>
        %dma_wait3A_435 = arith.constant 0 : i32
        %dma_wait3A_436 = arith.constant 0 : i32
        %dma_wait3A_437 = tpu.memref_slice %arg3[%dma_wait3A_435, %dma_wait3A_436] : memref<16x1000000xf32, #tpu.memory_space<hbm>> -> memref<16x128xf32, #tpu.memory_space<hbm>>
        tpu.wait_dma2 semaphore(%arg8 : memref<!tpu.dma_semaphore, #tpu.memory_space<semaphore_mem>>) src(%dma_wait3A_437 : memref<16x128xf32, #tpu.memory_space<hbm>>) dst(%dma_wait3A_434 : memref<16x128xf32, #tpu.memory_space<vmem>>)
        %dma_wait3A_438 = arith.constant 0 : i32
        %dma_wait3A_439 = arith.constant 2 : i32
        %dma_wait3A_440 = arith.constant 0 : i32
        %dma_wait3A_441 = arith.constant 0 : i32
        %dma_wait3A_442 = tpu.memref_slice %arg6[%dma_wait3A_438, %dma_wait3A_439, %dma_wait3A_440, %dma_wait3A_441] : memref<2x16x16x128xf32, #tpu.memory_space<vmem>> -> memref<1x1x16x128xf32, #tpu.memory_space<vmem>>
        %dma_wait3A_443 = tpu.memref_squeeze %dma_wait3A_442 : memref<1x1x16x128xf32, #tpu.memory_space<vmem>> -> memref<16x128xf32, #tpu.memory_space<vmem>>
        %dma_wait3A_444 = arith.constant 0 : i32
        %dma_wait3A_445 = arith.constant 0 : i32
        %dma_wait3A_446 = tpu.memref_slice %arg3[%dma_wait3A_444, %dma_wait3A_445] : memref<16x1000000xf32, #tpu.memory_space<hbm>> -> memref<16x128xf32, #tpu.memory_space<hbm>>
        %dma_wait3A_447 = arith.constant 0 : i32
        %dma_wait3A_448 = arith.constant 0 : i32
        %dma_wait3A_449 = tpu.memref_slice %arg6[%dma_wait3A_438, %dma_wait3A_439, %dma_wait3A_447, %dma_wait3A_448] : memref<2x16x16x128xf32, #tpu.memory_space<vmem>> -> memref<1x1x16x128xf32, #tpu.memory_space<vmem>>
        %dma_wait3A_450 = tpu.memref_squeeze %dma_wait3A_449 : memref<1x1x16x128xf32, #tpu.memory_space<vmem>> -> memref<16x128xf32, #tpu.memory_space<vmem>>
        %dma_wait3A_451 = arith.constant 0 : i32
        %dma_wait3A_452 = arith.constant 0 : i32
        %dma_wait3A_453 = tpu.memref_slice %arg3[%dma_wait3A_451, %dma_wait3A_452] : memref<16x1000000xf32, #tpu.memory_space<hbm>> -> memref<16x128xf32, #tpu.memory_space<hbm>>
        tpu.wait_dma2 semaphore(%arg8 : memref<!tpu.dma_semaphore, #tpu.memory_space<semaphore_mem>>) src(%dma_wait3A_453 : memref<16x128xf32, #tpu.memory_space<hbm>>) dst(%dma_wait3A_450 : memref<16x128xf32, #tpu.memory_space<vmem>>)
        %dma_wait3A_454 = arith.constant 0 : i32
        %dma_wait3A_455 = arith.constant 3 : i32
        %dma_wait3A_456 = arith.constant 0 : i32
        %dma_wait3A_457 = arith.constant 0 : i32
        %dma_wait3A_458 = tpu.memref_slice %arg6[%dma_wait3A_454, %dma_wait3A_455, %dma_wait3A_456, %dma_wait3A_457] : memref<2x16x16x128xf32, #tpu.memory_space<vmem>> -> memref<1x1x16x128xf32, #tpu.memory_space<vmem>>
        %dma_wait3A_459 = tpu.memref_squeeze %dma_wait3A_458 : memref<1x1x16x128xf32, #tpu.memory_space<vmem>> -> memref<16x128xf32, #tpu.memory_space<vmem>>
        %dma_wait3A_460 = arith.constant 0 : i32
        %dma_wait3A_461 = arith.constant 0 : i32
        %dma_wait3A_462 = tpu.memref_slice %arg3[%dma_wait3A_460, %dma_wait3A_461] : memref<16x1000000xf32, #tpu.memory_space<hbm>> -> memref<16x128xf32, #tpu.memory_space<hbm>>
        %dma_wait3A_463 = arith.constant 0 : i32
        %dma_wait3A_464 = arith.constant 0 : i32
        %dma_wait3A_465 = tpu.memref_slice %arg6[%dma_wait3A_454, %dma_wait3A_455, %dma_wait3A_463, %dma_wait3A_464] : memref<2x16x16x128xf32, #tpu.memory_space<vmem>> -> memref<1x1x16x128xf32, #tpu.memory_space<vmem>>
        %dma_wait3A_466 = tpu.memref_squeeze %dma_wait3A_465 : memref<1x1x16x128xf32, #tpu.memory_space<vmem>> -> memref<16x128xf32, #tpu.memory_space<vmem>>
        %dma_wait3A_467 = arith.constant 0 : i32
        %dma_wait3A_468 = arith.constant 0 : i32
        %dma_wait3A_469 = tpu.memref_slice %arg3[%dma_wait3A_467, %dma_wait3A_468] : memref<16x1000000xf32, #tpu.memory_space<hbm>> -> memref<16x128xf32, #tpu.memory_space<hbm>>
        tpu.wait_dma2 semaphore(%arg8 : memref<!tpu.dma_semaphore, #tpu.memory_space<semaphore_mem>>) src(%dma_wait3A_469 : memref<16x128xf32, #tpu.memory_space<hbm>>) dst(%dma_wait3A_466 : memref<16x128xf32, #tpu.memory_space<vmem>>)
        %dma_wait3A_470 = arith.constant 0 : i32
        %dma_wait3A_471 = arith.constant 4 : i32
        %dma_wait3A_472 = arith.constant 0 : i32
        %dma_wait3A_473 = arith.constant 0 : i32
        %dma_wait3A_474 = tpu.memref_slice %arg6[%dma_wait3A_470, %dma_wait3A_471, %dma_wait3A_472, %dma_wait3A_473] : memref<2x16x16x128xf32, #tpu.memory_space<vmem>> -> memref<1x1x16x128xf32, #tpu.memory_space<vmem>>
        %dma_wait3A_475 = tpu.memref_squeeze %dma_wait3A_474 : memref<1x1x16x128xf32, #tpu.memory_space<vmem>> -> memref<16x128xf32, #tpu.memory_space<vmem>>
        %dma_wait3A_476 = arith.constant 0 : i32
        %dma_wait3A_477 = arith.constant 0 : i32
        %dma_wait3A_478 = tpu.memref_slice %arg3[%dma_wait3A_476, %dma_wait3A_477] : memref<16x1000000xf32, #tpu.memory_space<hbm>> -> memref<16x128xf32, #tpu.memory_space<hbm>>
        %dma_wait3A_479 = arith.constant 0 : i32
        %dma_wait3A_480 = arith.constant 0 : i32
        %dma_wait3A_481 = tpu.memref_slice %arg6[%dma_wait3A_470, %dma_wait3A_471, %dma_wait3A_479, %dma_wait3A_480] : memref<2x16x16x128xf32, #tpu.memory_space<vmem>> -> memref<1x1x16x128xf32, #tpu.memory_space<vmem>>
        %dma_wait3A_482 = tpu.memref_squeeze %dma_wait3A_481 : memref<1x1x16x128xf32, #tpu.memory_space<vmem>> -> memref<16x128xf32, #tpu.memory_space<vmem>>
        %dma_wait3A_483 = arith.constant 0 : i32
        %dma_wait3A_484 = arith.constant 0 : i32
        %dma_wait3A_485 = tpu.memref_slice %arg3[%dma_wait3A_483, %dma_wait3A_484] : memref<16x1000000xf32, #tpu.memory_space<hbm>> -> memref<16x128xf32, #tpu.memory_space<hbm>>
        tpu.wait_dma2 semaphore(%arg8 : memref<!tpu.dma_semaphore, #tpu.memory_space<semaphore_mem>>) src(%dma_wait3A_485 : memref<16x128xf32, #tpu.memory_space<hbm>>) dst(%dma_wait3A_482 : memref<16x128xf32, #tpu.memory_space<vmem>>)
        %dma_wait3A_486 = arith.constant 0 : i32
        %dma_wait3A_487 = arith.constant 5 : i32
        %dma_wait3A_488 = arith.constant 0 : i32
        %dma_wait3A_489 = arith.constant 0 : i32
        %dma_wait3A_490 = tpu.memref_slice %arg6[%dma_wait3A_486, %dma_wait3A_487, %dma_wait3A_488, %dma_wait3A_489] : memref<2x16x16x128xf32, #tpu.memory_space<vmem>> -> memref<1x1x16x128xf32, #tpu.memory_space<vmem>>
        %dma_wait3A_491 = tpu.memref_squeeze %dma_wait3A_490 : memref<1x1x16x128xf32, #tpu.memory_space<vmem>> -> memref<16x128xf32, #tpu.memory_space<vmem>>
        %dma_wait3A_492 = arith.constant 0 : i32
        %dma_wait3A_493 = arith.constant 0 : i32
        %dma_wait3A_494 = tpu.memref_slice %arg3[%dma_wait3A_492, %dma_wait3A_493] : memref<16x1000000xf32, #tpu.memory_space<hbm>> -> memref<16x128xf32, #tpu.memory_space<hbm>>
        %dma_wait3A_495 = arith.constant 0 : i32
        %dma_wait3A_496 = arith.constant 0 : i32
        %dma_wait3A_497 = tpu.memref_slice %arg6[%dma_wait3A_486, %dma_wait3A_487, %dma_wait3A_495, %dma_wait3A_496] : memref<2x16x16x128xf32, #tpu.memory_space<vmem>> -> memref<1x1x16x128xf32, #tpu.memory_space<vmem>>
        %dma_wait3A_498 = tpu.memref_squeeze %dma_wait3A_497 : memref<1x1x16x128xf32, #tpu.memory_space<vmem>> -> memref<16x128xf32, #tpu.memory_space<vmem>>
        %dma_wait3A_499 = arith.constant 0 : i32
        %dma_wait3A_500 = arith.constant 0 : i32
        %dma_wait3A_501 = tpu.memref_slice %arg3[%dma_wait3A_499, %dma_wait3A_500] : memref<16x1000000xf32, #tpu.memory_space<hbm>> -> memref<16x128xf32, #tpu.memory_space<hbm>>
        tpu.wait_dma2 semaphore(%arg8 : memref<!tpu.dma_semaphore, #tpu.memory_space<semaphore_mem>>) src(%dma_wait3A_501 : memref<16x128xf32, #tpu.memory_space<hbm>>) dst(%dma_wait3A_498 : memref<16x128xf32, #tpu.memory_space<vmem>>)
        %dma_wait3A_502 = arith.constant 0 : i32
        %dma_wait3A_503 = arith.constant 6 : i32
        %dma_wait3A_504 = arith.constant 0 : i32
        %dma_wait3A_505 = arith.constant 0 : i32
        %dma_wait3A_506 = tpu.memref_slice %arg6[%dma_wait3A_502, %dma_wait3A_503, %dma_wait3A_504, %dma_wait3A_505] : memref<2x16x16x128xf32, #tpu.memory_space<vmem>> -> memref<1x1x16x128xf32, #tpu.memory_space<vmem>>
        %dma_wait3A_507 = tpu.memref_squeeze %dma_wait3A_506 : memref<1x1x16x128xf32, #tpu.memory_space<vmem>> -> memref<16x128xf32, #tpu.memory_space<vmem>>
        %dma_wait3A_508 = arith.constant 0 : i32
        %dma_wait3A_509 = arith.constant 0 : i32
        %dma_wait3A_510 = tpu.memref_slice %arg3[%dma_wait3A_508, %dma_wait3A_509] : memref<16x1000000xf32, #tpu.memory_space<hbm>> -> memref<16x128xf32, #tpu.memory_space<hbm>>
        %dma_wait3A_511 = arith.constant 0 : i32
        %dma_wait3A_512 = arith.constant 0 : i32
        %dma_wait3A_513 = tpu.memref_slice %arg6[%dma_wait3A_502, %dma_wait3A_503, %dma_wait3A_511, %dma_wait3A_512] : memref<2x16x16x128xf32, #tpu.memory_space<vmem>> -> memref<1x1x16x128xf32, #tpu.memory_space<vmem>>
        %dma_wait3A_514 = tpu.memref_squeeze %dma_wait3A_513 : memref<1x1x16x128xf32, #tpu.memory_space<vmem>> -> memref<16x128xf32, #tpu.memory_space<vmem>>
        %dma_wait3A_515 = arith.constant 0 : i32
        %dma_wait3A_516 = arith.constant 0 : i32
        %dma_wait3A_517 = tpu.memref_slice %arg3[%dma_wait3A_515, %dma_wait3A_516] : memref<16x1000000xf32, #tpu.memory_space<hbm>> -> memref<16x128xf32, #tpu.memory_space<hbm>>
        tpu.wait_dma2 semaphore(%arg8 : memref<!tpu.dma_semaphore, #tpu.memory_space<semaphore_mem>>) src(%dma_wait3A_517 : memref<16x128xf32, #tpu.memory_space<hbm>>) dst(%dma_wait3A_514 : memref<16x128xf32, #tpu.memory_space<vmem>>)
        %dma_wait3A_518 = arith.constant 0 : i32
        %dma_wait3A_519 = arith.constant 7 : i32
        %dma_wait3A_520 = arith.constant 0 : i32
        %dma_wait3A_521 = arith.constant 0 : i32
        %dma_wait3A_522 = tpu.memref_slice %arg6[%dma_wait3A_518, %dma_wait3A_519, %dma_wait3A_520, %dma_wait3A_521] : memref<2x16x16x128xf32, #tpu.memory_space<vmem>> -> memref<1x1x16x128xf32, #tpu.memory_space<vmem>>
        %dma_wait3A_523 = tpu.memref_squeeze %dma_wait3A_522 : memref<1x1x16x128xf32, #tpu.memory_space<vmem>> -> memref<16x128xf32, #tpu.memory_space<vmem>>
        %dma_wait3A_524 = arith.constant 0 : i32
        %dma_wait3A_525 = arith.constant 0 : i32
        %dma_wait3A_526 = tpu.memref_slice %arg3[%dma_wait3A_524, %dma_wait3A_525] : memref<16x1000000xf32, #tpu.memory_space<hbm>> -> memref<16x128xf32, #tpu.memory_space<hbm>>
        %dma_wait3A_527 = arith.constant 0 : i32
        %dma_wait3A_528 = arith.constant 0 : i32
        %dma_wait3A_529 = tpu.memref_slice %arg6[%dma_wait3A_518, %dma_wait3A_519, %dma_wait3A_527, %dma_wait3A_528] : memref<2x16x16x128xf32, #tpu.memory_space<vmem>> -> memref<1x1x16x128xf32, #tpu.memory_space<vmem>>
        %dma_wait3A_530 = tpu.memref_squeeze %dma_wait3A_529 : memref<1x1x16x128xf32, #tpu.memory_space<vmem>> -> memref<16x128xf32, #tpu.memory_space<vmem>>
        %dma_wait3A_531 = arith.constant 0 : i32
        %dma_wait3A_532 = arith.constant 0 : i32
        %dma_wait3A_533 = tpu.memref_slice %arg3[%dma_wait3A_531, %dma_wait3A_532] : memref<16x1000000xf32, #tpu.memory_space<hbm>> -> memref<16x128xf32, #tpu.memory_space<hbm>>
        tpu.wait_dma2 semaphore(%arg8 : memref<!tpu.dma_semaphore, #tpu.memory_space<semaphore_mem>>) src(%dma_wait3A_533 : memref<16x128xf32, #tpu.memory_space<hbm>>) dst(%dma_wait3A_530 : memref<16x128xf32, #tpu.memory_space<vmem>>)
        %dma_wait3A_534 = arith.constant 0 : i32
        %dma_wait3A_535 = arith.constant 8 : i32
        %dma_wait3A_536 = arith.constant 0 : i32
        %dma_wait3A_537 = arith.constant 0 : i32
        %dma_wait3A_538 = tpu.memref_slice %arg6[%dma_wait3A_534, %dma_wait3A_535, %dma_wait3A_536, %dma_wait3A_537] : memref<2x16x16x128xf32, #tpu.memory_space<vmem>> -> memref<1x1x16x128xf32, #tpu.memory_space<vmem>>
        %dma_wait3A_539 = tpu.memref_squeeze %dma_wait3A_538 : memref<1x1x16x128xf32, #tpu.memory_space<vmem>> -> memref<16x128xf32, #tpu.memory_space<vmem>>
        %dma_wait3A_540 = arith.constant 0 : i32
        %dma_wait3A_541 = arith.constant 0 : i32
        %dma_wait3A_542 = tpu.memref_slice %arg3[%dma_wait3A_540, %dma_wait3A_541] : memref<16x1000000xf32, #tpu.memory_space<hbm>> -> memref<16x128xf32, #tpu.memory_space<hbm>>
        %dma_wait3A_543 = arith.constant 0 : i32
        %dma_wait3A_544 = arith.constant 0 : i32
        %dma_wait3A_545 = tpu.memref_slice %arg6[%dma_wait3A_534, %dma_wait3A_535, %dma_wait3A_543, %dma_wait3A_544] : memref<2x16x16x128xf32, #tpu.memory_space<vmem>> -> memref<1x1x16x128xf32, #tpu.memory_space<vmem>>
        %dma_wait3A_546 = tpu.memref_squeeze %dma_wait3A_545 : memref<1x1x16x128xf32, #tpu.memory_space<vmem>> -> memref<16x128xf32, #tpu.memory_space<vmem>>
        %dma_wait3A_547 = arith.constant 0 : i32
        %dma_wait3A_548 = arith.constant 0 : i32
        %dma_wait3A_549 = tpu.memref_slice %arg3[%dma_wait3A_547, %dma_wait3A_548] : memref<16x1000000xf32, #tpu.memory_space<hbm>> -> memref<16x128xf32, #tpu.memory_space<hbm>>
        tpu.wait_dma2 semaphore(%arg8 : memref<!tpu.dma_semaphore, #tpu.memory_space<semaphore_mem>>) src(%dma_wait3A_549 : memref<16x128xf32, #tpu.memory_space<hbm>>) dst(%dma_wait3A_546 : memref<16x128xf32, #tpu.memory_space<vmem>>)
        %dma_wait3A_550 = arith.constant 0 : i32
        %dma_wait3A_551 = arith.constant 9 : i32
        %dma_wait3A_552 = arith.constant 0 : i32
        %dma_wait3A_553 = arith.constant 0 : i32
        %dma_wait3A_554 = tpu.memref_slice %arg6[%dma_wait3A_550, %dma_wait3A_551, %dma_wait3A_552, %dma_wait3A_553] : memref<2x16x16x128xf32, #tpu.memory_space<vmem>> -> memref<1x1x16x128xf32, #tpu.memory_space<vmem>>
        %dma_wait3A_555 = tpu.memref_squeeze %dma_wait3A_554 : memref<1x1x16x128xf32, #tpu.memory_space<vmem>> -> memref<16x128xf32, #tpu.memory_space<vmem>>
        %dma_wait3A_556 = arith.constant 0 : i32
        %dma_wait3A_557 = arith.constant 0 : i32
        %dma_wait3A_558 = tpu.memref_slice %arg3[%dma_wait3A_556, %dma_wait3A_557] : memref<16x1000000xf32, #tpu.memory_space<hbm>> -> memref<16x128xf32, #tpu.memory_space<hbm>>
        %dma_wait3A_559 = arith.constant 0 : i32
        %dma_wait3A_560 = arith.constant 0 : i32
        %dma_wait3A_561 = tpu.memref_slice %arg6[%dma_wait3A_550, %dma_wait3A_551, %dma_wait3A_559, %dma_wait3A_560] : memref<2x16x16x128xf32, #tpu.memory_space<vmem>> -> memref<1x1x16x128xf32, #tpu.memory_space<vmem>>
        %dma_wait3A_562 = tpu.memref_squeeze %dma_wait3A_561 : memref<1x1x16x128xf32, #tpu.memory_space<vmem>> -> memref<16x128xf32, #tpu.memory_space<vmem>>
        %dma_wait3A_563 = arith.constant 0 : i32
        %dma_wait3A_564 = arith.constant 0 : i32
        %dma_wait3A_565 = tpu.memref_slice %arg3[%dma_wait3A_563, %dma_wait3A_564] : memref<16x1000000xf32, #tpu.memory_space<hbm>> -> memref<16x128xf32, #tpu.memory_space<hbm>>
        tpu.wait_dma2 semaphore(%arg8 : memref<!tpu.dma_semaphore, #tpu.memory_space<semaphore_mem>>) src(%dma_wait3A_565 : memref<16x128xf32, #tpu.memory_space<hbm>>) dst(%dma_wait3A_562 : memref<16x128xf32, #tpu.memory_space<vmem>>)
        %dma_wait3A_566 = arith.constant 0 : i32
        %dma_wait3A_567 = arith.constant 10 : i32
        %dma_wait3A_568 = arith.constant 0 : i32
        %dma_wait3A_569 = arith.constant 0 : i32
        %dma_wait3A_570 = tpu.memref_slice %arg6[%dma_wait3A_566, %dma_wait3A_567, %dma_wait3A_568, %dma_wait3A_569] : memref<2x16x16x128xf32, #tpu.memory_space<vmem>> -> memref<1x1x16x128xf32, #tpu.memory_space<vmem>>
        %dma_wait3A_571 = tpu.memref_squeeze %dma_wait3A_570 : memref<1x1x16x128xf32, #tpu.memory_space<vmem>> -> memref<16x128xf32, #tpu.memory_space<vmem>>
        %dma_wait3A_572 = arith.constant 0 : i32
        %dma_wait3A_573 = arith.constant 0 : i32
        %dma_wait3A_574 = tpu.memref_slice %arg3[%dma_wait3A_572, %dma_wait3A_573] : memref<16x1000000xf32, #tpu.memory_space<hbm>> -> memref<16x128xf32, #tpu.memory_space<hbm>>
        %dma_wait3A_575 = arith.constant 0 : i32
        %dma_wait3A_576 = arith.constant 0 : i32
        %dma_wait3A_577 = tpu.memref_slice %arg6[%dma_wait3A_566, %dma_wait3A_567, %dma_wait3A_575, %dma_wait3A_576] : memref<2x16x16x128xf32, #tpu.memory_space<vmem>> -> memref<1x1x16x128xf32, #tpu.memory_space<vmem>>
        %dma_wait3A_578 = tpu.memref_squeeze %dma_wait3A_577 : memref<1x1x16x128xf32, #tpu.memory_space<vmem>> -> memref<16x128xf32, #tpu.memory_space<vmem>>
        %dma_wait3A_579 = arith.constant 0 : i32
        %dma_wait3A_580 = arith.constant 0 : i32
        %dma_wait3A_581 = tpu.memref_slice %arg3[%dma_wait3A_579, %dma_wait3A_580] : memref<16x1000000xf32, #tpu.memory_space<hbm>> -> memref<16x128xf32, #tpu.memory_space<hbm>>
        tpu.wait_dma2 semaphore(%arg8 : memref<!tpu.dma_semaphore, #tpu.memory_space<semaphore_mem>>) src(%dma_wait3A_581 : memref<16x128xf32, #tpu.memory_space<hbm>>) dst(%dma_wait3A_578 : memref<16x128xf32, #tpu.memory_space<vmem>>)
        %dma_wait3A_582 = arith.constant 0 : i32
        %dma_wait3A_583 = arith.constant 11 : i32
        %dma_wait3A_584 = arith.constant 0 : i32
        %dma_wait3A_585 = arith.constant 0 : i32
        %dma_wait3A_586 = tpu.memref_slice %arg6[%dma_wait3A_582, %dma_wait3A_583, %dma_wait3A_584, %dma_wait3A_585] : memref<2x16x16x128xf32, #tpu.memory_space<vmem>> -> memref<1x1x16x128xf32, #tpu.memory_space<vmem>>
        %dma_wait3A_587 = tpu.memref_squeeze %dma_wait3A_586 : memref<1x1x16x128xf32, #tpu.memory_space<vmem>> -> memref<16x128xf32, #tpu.memory_space<vmem>>
        %dma_wait3A_588 = arith.constant 0 : i32
        %dma_wait3A_589 = arith.constant 0 : i32
        %dma_wait3A_590 = tpu.memref_slice %arg3[%dma_wait3A_588, %dma_wait3A_589] : memref<16x1000000xf32, #tpu.memory_space<hbm>> -> memref<16x128xf32, #tpu.memory_space<hbm>>
        %dma_wait3A_591 = arith.constant 0 : i32
        %dma_wait3A_592 = arith.constant 0 : i32
        %dma_wait3A_593 = tpu.memref_slice %arg6[%dma_wait3A_582, %dma_wait3A_583, %dma_wait3A_591, %dma_wait3A_592] : memref<2x16x16x128xf32, #tpu.memory_space<vmem>> -> memref<1x1x16x128xf32, #tpu.memory_space<vmem>>
        %dma_wait3A_594 = tpu.memref_squeeze %dma_wait3A_593 : memref<1x1x16x128xf32, #tpu.memory_space<vmem>> -> memref<16x128xf32, #tpu.memory_space<vmem>>
        %dma_wait3A_595 = arith.constant 0 : i32
        %dma_wait3A_596 = arith.constant 0 : i32
        %dma_wait3A_597 = tpu.memref_slice %arg3[%dma_wait3A_595, %dma_wait3A_596] : memref<16x1000000xf32, #tpu.memory_space<hbm>> -> memref<16x128xf32, #tpu.memory_space<hbm>>
        tpu.wait_dma2 semaphore(%arg8 : memref<!tpu.dma_semaphore, #tpu.memory_space<semaphore_mem>>) src(%dma_wait3A_597 : memref<16x128xf32, #tpu.memory_space<hbm>>) dst(%dma_wait3A_594 : memref<16x128xf32, #tpu.memory_space<vmem>>)
        %dma_wait3A_598 = arith.constant 0 : i32
        %dma_wait3A_599 = arith.constant 12 : i32
        %dma_wait3A_600 = arith.constant 0 : i32
        %dma_wait3A_601 = arith.constant 0 : i32
        %dma_wait3A_602 = tpu.memref_slice %arg6[%dma_wait3A_598, %dma_wait3A_599, %dma_wait3A_600, %dma_wait3A_601] : memref<2x16x16x128xf32, #tpu.memory_space<vmem>> -> memref<1x1x16x128xf32, #tpu.memory_space<vmem>>
        %dma_wait3A_603 = tpu.memref_squeeze %dma_wait3A_602 : memref<1x1x16x128xf32, #tpu.memory_space<vmem>> -> memref<16x128xf32, #tpu.memory_space<vmem>>
        %dma_wait3A_604 = arith.constant 0 : i32
        %dma_wait3A_605 = arith.constant 0 : i32
        %dma_wait3A_606 = tpu.memref_slice %arg3[%dma_wait3A_604, %dma_wait3A_605] : memref<16x1000000xf32, #tpu.memory_space<hbm>> -> memref<16x128xf32, #tpu.memory_space<hbm>>
        %dma_wait3A_607 = arith.constant 0 : i32
        %dma_wait3A_608 = arith.constant 0 : i32
        %dma_wait3A_609 = tpu.memref_slice %arg6[%dma_wait3A_598, %dma_wait3A_599, %dma_wait3A_607, %dma_wait3A_608] : memref<2x16x16x128xf32, #tpu.memory_space<vmem>> -> memref<1x1x16x128xf32, #tpu.memory_space<vmem>>
        %dma_wait3A_610 = tpu.memref_squeeze %dma_wait3A_609 : memref<1x1x16x128xf32, #tpu.memory_space<vmem>> -> memref<16x128xf32, #tpu.memory_space<vmem>>
        %dma_wait3A_611 = arith.constant 0 : i32
        %dma_wait3A_612 = arith.constant 0 : i32
        %dma_wait3A_613 = tpu.memref_slice %arg3[%dma_wait3A_611, %dma_wait3A_612] : memref<16x1000000xf32, #tpu.memory_space<hbm>> -> memref<16x128xf32, #tpu.memory_space<hbm>>
        tpu.wait_dma2 semaphore(%arg8 : memref<!tpu.dma_semaphore, #tpu.memory_space<semaphore_mem>>) src(%dma_wait3A_613 : memref<16x128xf32, #tpu.memory_space<hbm>>) dst(%dma_wait3A_610 : memref<16x128xf32, #tpu.memory_space<vmem>>)
        %dma_wait3A_614 = arith.constant 0 : i32
        %dma_wait3A_615 = arith.constant 13 : i32
        %dma_wait3A_616 = arith.constant 0 : i32
        %dma_wait3A_617 = arith.constant 0 : i32
        %dma_wait3A_618 = tpu.memref_slice %arg6[%dma_wait3A_614, %dma_wait3A_615, %dma_wait3A_616, %dma_wait3A_617] : memref<2x16x16x128xf32, #tpu.memory_space<vmem>> -> memref<1x1x16x128xf32, #tpu.memory_space<vmem>>
        %dma_wait3A_619 = tpu.memref_squeeze %dma_wait3A_618 : memref<1x1x16x128xf32, #tpu.memory_space<vmem>> -> memref<16x128xf32, #tpu.memory_space<vmem>>
        %dma_wait3A_620 = arith.constant 0 : i32
        %dma_wait3A_621 = arith.constant 0 : i32
        %dma_wait3A_622 = tpu.memref_slice %arg3[%dma_wait3A_620, %dma_wait3A_621] : memref<16x1000000xf32, #tpu.memory_space<hbm>> -> memref<16x128xf32, #tpu.memory_space<hbm>>
        %dma_wait3A_623 = arith.constant 0 : i32
        %dma_wait3A_624 = arith.constant 0 : i32
        %dma_wait3A_625 = tpu.memref_slice %arg6[%dma_wait3A_614, %dma_wait3A_615, %dma_wait3A_623, %dma_wait3A_624] : memref<2x16x16x128xf32, #tpu.memory_space<vmem>> -> memref<1x1x16x128xf32, #tpu.memory_space<vmem>>
        %dma_wait3A_626 = tpu.memref_squeeze %dma_wait3A_625 : memref<1x1x16x128xf32, #tpu.memory_space<vmem>> -> memref<16x128xf32, #tpu.memory_space<vmem>>
        %dma_wait3A_627 = arith.constant 0 : i32
        %dma_wait3A_628 = arith.constant 0 : i32
        %dma_wait3A_629 = tpu.memref_slice %arg3[%dma_wait3A_627, %dma_wait3A_628] : memref<16x1000000xf32, #tpu.memory_space<hbm>> -> memref<16x128xf32, #tpu.memory_space<hbm>>
        tpu.wait_dma2 semaphore(%arg8 : memref<!tpu.dma_semaphore, #tpu.memory_space<semaphore_mem>>) src(%dma_wait3A_629 : memref<16x128xf32, #tpu.memory_space<hbm>>) dst(%dma_wait3A_626 : memref<16x128xf32, #tpu.memory_space<vmem>>)
        %dma_wait3A_630 = arith.constant 0 : i32
        %dma_wait3A_631 = arith.constant 14 : i32
        %dma_wait3A_632 = arith.constant 0 : i32
        %dma_wait3A_633 = arith.constant 0 : i32
        %dma_wait3A_634 = tpu.memref_slice %arg6[%dma_wait3A_630, %dma_wait3A_631, %dma_wait3A_632, %dma_wait3A_633] : memref<2x16x16x128xf32, #tpu.memory_space<vmem>> -> memref<1x1x16x128xf32, #tpu.memory_space<vmem>>
        %dma_wait3A_635 = tpu.memref_squeeze %dma_wait3A_634 : memref<1x1x16x128xf32, #tpu.memory_space<vmem>> -> memref<16x128xf32, #tpu.memory_space<vmem>>
        %dma_wait3A_636 = arith.constant 0 : i32
        %dma_wait3A_637 = arith.constant 0 : i32
        %dma_wait3A_638 = tpu.memref_slice %arg3[%dma_wait3A_636, %dma_wait3A_637] : memref<16x1000000xf32, #tpu.memory_space<hbm>> -> memref<16x128xf32, #tpu.memory_space<hbm>>
        %dma_wait3A_639 = arith.constant 0 : i32
        %dma_wait3A_640 = arith.constant 0 : i32
        %dma_wait3A_641 = tpu.memref_slice %arg6[%dma_wait3A_630, %dma_wait3A_631, %dma_wait3A_639, %dma_wait3A_640] : memref<2x16x16x128xf32, #tpu.memory_space<vmem>> -> memref<1x1x16x128xf32, #tpu.memory_space<vmem>>
        %dma_wait3A_642 = tpu.memref_squeeze %dma_wait3A_641 : memref<1x1x16x128xf32, #tpu.memory_space<vmem>> -> memref<16x128xf32, #tpu.memory_space<vmem>>
        %dma_wait3A_643 = arith.constant 0 : i32
        %dma_wait3A_644 = arith.constant 0 : i32
        %dma_wait3A_645 = tpu.memref_slice %arg3[%dma_wait3A_643, %dma_wait3A_644] : memref<16x1000000xf32, #tpu.memory_space<hbm>> -> memref<16x128xf32, #tpu.memory_space<hbm>>
        tpu.wait_dma2 semaphore(%arg8 : memref<!tpu.dma_semaphore, #tpu.memory_space<semaphore_mem>>) src(%dma_wait3A_645 : memref<16x128xf32, #tpu.memory_space<hbm>>) dst(%dma_wait3A_642 : memref<16x128xf32, #tpu.memory_space<vmem>>)
        %dma_wait3A_646 = arith.constant 0 : i32
        %dma_wait3A_647 = arith.constant 15 : i32
        %dma_wait3A_648 = arith.constant 0 : i32
        %dma_wait3A_649 = arith.constant 0 : i32
        %dma_wait3A_650 = tpu.memref_slice %arg6[%dma_wait3A_646, %dma_wait3A_647, %dma_wait3A_648, %dma_wait3A_649] : memref<2x16x16x128xf32, #tpu.memory_space<vmem>> -> memref<1x1x16x128xf32, #tpu.memory_space<vmem>>
        %dma_wait3A_651 = tpu.memref_squeeze %dma_wait3A_650 : memref<1x1x16x128xf32, #tpu.memory_space<vmem>> -> memref<16x128xf32, #tpu.memory_space<vmem>>
        %dma_wait3A_652 = arith.constant 0 : i32
        %dma_wait3A_653 = arith.constant 0 : i32
        %dma_wait3A_654 = tpu.memref_slice %arg3[%dma_wait3A_652, %dma_wait3A_653] : memref<16x1000000xf32, #tpu.memory_space<hbm>> -> memref<16x128xf32, #tpu.memory_space<hbm>>
        %dma_wait3A_655 = arith.constant 0 : i32
        %dma_wait3A_656 = arith.constant 0 : i32
        %dma_wait3A_657 = tpu.memref_slice %arg6[%dma_wait3A_646, %dma_wait3A_647, %dma_wait3A_655, %dma_wait3A_656] : memref<2x16x16x128xf32, #tpu.memory_space<vmem>> -> memref<1x1x16x128xf32, #tpu.memory_space<vmem>>
        %dma_wait3A_658 = tpu.memref_squeeze %dma_wait3A_657 : memref<1x1x16x128xf32, #tpu.memory_space<vmem>> -> memref<16x128xf32, #tpu.memory_space<vmem>>
        %dma_wait3A_659 = arith.constant 0 : i32
        %dma_wait3A_660 = arith.constant 0 : i32
        %dma_wait3A_661 = tpu.memref_slice %arg3[%dma_wait3A_659, %dma_wait3A_660] : memref<16x1000000xf32, #tpu.memory_space<hbm>> -> memref<16x128xf32, #tpu.memory_space<hbm>>
        tpu.wait_dma2 semaphore(%arg8 : memref<!tpu.dma_semaphore, #tpu.memory_space<semaphore_mem>>) src(%dma_wait3A_661 : memref<16x128xf32, #tpu.memory_space<hbm>>) dst(%dma_wait3A_658 : memref<16x128xf32, #tpu.memory_space<vmem>>)
        %mul3A_662 = arith.constant 16 : i32
        %mul3A_663 = arith.muli %scan3A_364, %mul3A_662 : i32
        %get3A_664 = arith.index_cast %mul3A_663 : i32 to index
        %get3A_665 = tpu.vector_load %arg5[%get3A_664] {strides = array<i32>} : memref<512xi32, #tpu.memory_space<vmem>>, vector<16xi32>,
        %and3A_666 = arith.constant 127 : i32
        %and3A_667 = vector.broadcast %and3A_666 : i32 to vector<16xi32>
        %and3A_668 = arith.andi %get3A_665, %and3A_667 : vector<16xi32>
        %slice3A_669 = vector.extract_strided_slice %and3A_668 {offsets = [0], sizes = [1], strides = [1]} : vector<16xi32> to vector<1xi32>
        %squeeze3A_670 = vector.extract %slice3A_669[0] : i32 from vector<1xi32>
        %broadcast_in_dim3A_671 = vector.broadcast %squeeze3A_670 : i32 to vector<16xi32>
        %broadcast_in_dim3A_672 = arith.constant 0 : i32
        %broadcast_in_dim3A_673 = vector.broadcast %broadcast_in_dim3A_672 : i32 to vector<16xi32>
        %gather3A = arith.constant 0 : i32
        %gather3A_674 = arith.constant 0 : i32
        %gather3A_675 = arith.constant 0 : i32
        %gather3A_676 = arith.constant 0 : i32
        %gather3A_677 = tpu.memref_slice %arg6[%gather3A, %gather3A_674, %gather3A_675, %gather3A_676] : memref<2x16x16x128xf32, #tpu.memory_space<vmem>> -> memref<1x16x16x128xf32, #tpu.memory_space<vmem>>
        %gather3A_678 = tpu.memref_squeeze %gather3A_677 : memref<1x16x16x128xf32, #tpu.memory_space<vmem>> -> memref<16x16x128xf32, #tpu.memory_space<vmem>>
        %gather3A_679 = tpu.vector_load_idx %gather3A_678[%broadcast_in_dim3A_673, %iota3A, %broadcast_in_dim3A_671] : memref<16x16x128xf32, #tpu.memory_space<vmem>>[vector<16xi32>, vector<16xi32>, vector<16xi32>], vector<16xf32>,
        %swap3A = arith.constant 0 : i32
        %swap3A_680 = arith.constant 0 : i32
        %swap3A_681 = arith.index_cast %swap3A : i32 to index
        %swap3A_682 = arith.index_cast %swap3A_680 : i32 to index
        %swap3A_683 = arith.constant 0 : index
        %swap3A_684 = tpu.vector_load %arg7[%swap3A_681, %swap3A_682, %swap3A_683] {strides = array<i32>} : memref<2x16x32xf32, #tpu.memory_space<vmem>>, vector<16xf32>,
        tpu.vector_store %arg7[%swap3A_681, %swap3A_682, %swap3A_683], %gather3A_679 {strides = array<i32>} : memref<2x16x32xf32, #tpu.memory_space<vmem>>, vector<16xf32>,
        %swap3A_685 = arith.constant 0 : i32
        %swap3A_686 = arith.constant 0 : i32
        %swap3A_687 = arith.index_cast %swap3A_685 : i32 to index
        %swap3A_688 = arith.index_cast %swap3A_686 : i32 to index
        %swap3A_689 = arith.constant 16 : index
        %swap3A_690 = tpu.vector_load %arg7[%swap3A_687, %swap3A_688, %swap3A_689] {strides = array<i32>} : memref<2x16x32xf32, #tpu.memory_space<vmem>>, vector<16xf32>,
        tpu.vector_store %arg7[%swap3A_687, %swap3A_688, %swap3A_689], %broadcast_in_dim3A_3 {strides = array<i32>} : memref<2x16x32xf32, #tpu.memory_space<vmem>>, vector<16xf32>,
        %slice3A_691 = vector.extract_strided_slice %and3A_668 {offsets = [1], sizes = [1], strides = [1]} : vector<16xi32> to vector<1xi32>
        %squeeze3A_692 = vector.extract %slice3A_691[0] : i32 from vector<1xi32>
        %broadcast_in_dim3A_693 = vector.broadcast %squeeze3A_692 : i32 to vector<16xi32>
        %broadcast_in_dim3A_694 = arith.constant 1 : i32
        %broadcast_in_dim3A_695 = vector.broadcast %broadcast_in_dim3A_694 : i32 to vector<16xi32>
        %gather3A_696 = arith.constant 0 : i32
        %gather3A_697 = arith.constant 0 : i32
        %gather3A_698 = arith.constant 0 : i32
        %gather3A_699 = arith.constant 0 : i32
        %gather3A_700 = tpu.memref_slice %arg6[%gather3A_696, %gather3A_697, %gather3A_698, %gather3A_699] : memref<2x16x16x128xf32, #tpu.memory_space<vmem>> -> memref<1x16x16x128xf32, #tpu.memory_space<vmem>>
        %gather3A_701 = tpu.memref_squeeze %gather3A_700 : memref<1x16x16x128xf32, #tpu.memory_space<vmem>> -> memref<16x16x128xf32, #tpu.memory_space<vmem>>
        %gather3A_702 = tpu.vector_load_idx %gather3A_701[%broadcast_in_dim3A_695, %iota3A, %broadcast_in_dim3A_693] : memref<16x16x128xf32, #tpu.memory_space<vmem>>[vector<16xi32>, vector<16xi32>, vector<16xi32>], vector<16xf32>,
        %swap3A_703 = arith.constant 0 : i32
        %swap3A_704 = arith.constant 1 : i32
        %swap3A_705 = arith.index_cast %swap3A_703 : i32 to index
        %swap3A_706 = arith.index_cast %swap3A_704 : i32 to index
        %swap3A_707 = arith.constant 0 : index
        %swap3A_708 = tpu.vector_load %arg7[%swap3A_705, %swap3A_706, %swap3A_707] {strides = array<i32>} : memref<2x16x32xf32, #tpu.memory_space<vmem>>, vector<16xf32>,
        tpu.vector_store %arg7[%swap3A_705, %swap3A_706, %swap3A_707], %gather3A_702 {strides = array<i32>} : memref<2x16x32xf32, #tpu.memory_space<vmem>>, vector<16xf32>,
        %swap3A_709 = arith.constant 0 : i32
        %swap3A_710 = arith.constant 1 : i32
        %swap3A_711 = arith.index_cast %swap3A_709 : i32 to index
        %swap3A_712 = arith.index_cast %swap3A_710 : i32 to index
        %swap3A_713 = arith.constant 16 : index
        %swap3A_714 = tpu.vector_load %arg7[%swap3A_711, %swap3A_712, %swap3A_713] {strides = array<i32>} : memref<2x16x32xf32, #tpu.memory_space<vmem>>, vector<16xf32>,
        tpu.vector_store %arg7[%swap3A_711, %swap3A_712, %swap3A_713], %broadcast_in_dim3A_3 {strides = array<i32>} : memref<2x16x32xf32, #tpu.memory_space<vmem>>, vector<16xf32>,
        %slice3A_715 = vector.extract_strided_slice %and3A_668 {offsets = [2], sizes = [1], strides = [1]} : vector<16xi32> to vector<1xi32>
        %squeeze3A_716 = vector.extract %slice3A_715[0] : i32 from vector<1xi32>
        %broadcast_in_dim3A_717 = vector.broadcast %squeeze3A_716 : i32 to vector<16xi32>
        %broadcast_in_dim3A_718 = arith.constant 2 : i32
        %broadcast_in_dim3A_719 = vector.broadcast %broadcast_in_dim3A_718 : i32 to vector<16xi32>
        %gather3A_720 = arith.constant 0 : i32
        %gather3A_721 = arith.constant 0 : i32
        %gather3A_722 = arith.constant 0 : i32
        %gather3A_723 = arith.constant 0 : i32
        %gather3A_724 = tpu.memref_slice %arg6[%gather3A_720, %gather3A_721, %gather3A_722, %gather3A_723] : memref<2x16x16x128xf32, #tpu.memory_space<vmem>> -> memref<1x16x16x128xf32, #tpu.memory_space<vmem>>
        %gather3A_725 = tpu.memref_squeeze %gather3A_724 : memref<1x16x16x128xf32, #tpu.memory_space<vmem>> -> memref<16x16x128xf32, #tpu.memory_space<vmem>>
        %gather3A_726 = tpu.vector_load_idx %gather3A_725[%broadcast_in_dim3A_719, %iota3A, %broadcast_in_dim3A_717] : memref<16x16x128xf32, #tpu.memory_space<vmem>>[vector<16xi32>, vector<16xi32>, vector<16xi32>], vector<16xf32>,
        %swap3A_727 = arith.constant 0 : i32
        %swap3A_728 = arith.constant 2 : i32
        %swap3A_729 = arith.index_cast %swap3A_727 : i32 to index
        %swap3A_730 = arith.index_cast %swap3A_728 : i32 to index
        %swap3A_731 = arith.constant 0 : index
        %swap3A_732 = tpu.vector_load %arg7[%swap3A_729, %swap3A_730, %swap3A_731] {strides = array<i32>} : memref<2x16x32xf32, #tpu.memory_space<vmem>>, vector<16xf32>,
        tpu.vector_store %arg7[%swap3A_729, %swap3A_730, %swap3A_731], %gather3A_726 {strides = array<i32>} : memref<2x16x32xf32, #tpu.memory_space<vmem>>, vector<16xf32>,
        %swap3A_733 = arith.constant 0 : i32
        %swap3A_734 = arith.constant 2 : i32
        %swap3A_735 = arith.index_cast %swap3A_733 : i32 to index
        %swap3A_736 = arith.index_cast %swap3A_734 : i32 to index
        %swap3A_737 = arith.constant 16 : index
        %swap3A_738 = tpu.vector_load %arg7[%swap3A_735, %swap3A_736, %swap3A_737] {strides = array<i32>} : memref<2x16x32xf32, #tpu.memory_space<vmem>>, vector<16xf32>,
        tpu.vector_store %arg7[%swap3A_735, %swap3A_736, %swap3A_737], %broadcast_in_dim3A_3 {strides = array<i32>} : memref<2x16x32xf32, #tpu.memory_space<vmem>>, vector<16xf32>,
        %slice3A_739 = vector.extract_strided_slice %and3A_668 {offsets = [3], sizes = [1], strides = [1]} : vector<16xi32> to vector<1xi32>
        %squeeze3A_740 = vector.extract %slice3A_739[0] : i32 from vector<1xi32>
        %broadcast_in_dim3A_741 = vector.broadcast %squeeze3A_740 : i32 to vector<16xi32>
        %broadcast_in_dim3A_742 = arith.constant 3 : i32
        %broadcast_in_dim3A_743 = vector.broadcast %broadcast_in_dim3A_742 : i32 to vector<16xi32>
        %gather3A_744 = arith.constant 0 : i32
        %gather3A_745 = arith.constant 0 : i32
        %gather3A_746 = arith.constant 0 : i32
        %gather3A_747 = arith.constant 0 : i32
        %gather3A_748 = tpu.memref_slice %arg6[%gather3A_744, %gather3A_745, %gather3A_746, %gather3A_747] : memref<2x16x16x128xf32, #tpu.memory_space<vmem>> -> memref<1x16x16x128xf32, #tpu.memory_space<vmem>>
        %gather3A_749 = tpu.memref_squeeze %gather3A_748 : memref<1x16x16x128xf32, #tpu.memory_space<vmem>> -> memref<16x16x128xf32, #tpu.memory_space<vmem>>
        %gather3A_750 = tpu.vector_load_idx %gather3A_749[%broadcast_in_dim3A_743, %iota3A, %broadcast_in_dim3A_741] : memref<16x16x128xf32, #tpu.memory_space<vmem>>[vector<16xi32>, vector<16xi32>, vector<16xi32>], vector<16xf32>,
        %swap3A_751 = arith.constant 0 : i32
        %swap3A_752 = arith.constant 3 : i32
        %swap3A_753 = arith.index_cast %swap3A_751 : i32 to index
        %swap3A_754 = arith.index_cast %swap3A_752 : i32 to index
        %swap3A_755 = arith.constant 0 : index
        %swap3A_756 = tpu.vector_load %arg7[%swap3A_753, %swap3A_754, %swap3A_755] {strides = array<i32>} : memref<2x16x32xf32, #tpu.memory_space<vmem>>, vector<16xf32>,
        tpu.vector_store %arg7[%swap3A_753, %swap3A_754, %swap3A_755], %gather3A_750 {strides = array<i32>} : memref<2x16x32xf32, #tpu.memory_space<vmem>>, vector<16xf32>,
        %swap3A_757 = arith.constant 0 : i32
        %swap3A_758 = arith.constant 3 : i32
        %swap3A_759 = arith.index_cast %swap3A_757 : i32 to index
        %swap3A_760 = arith.index_cast %swap3A_758 : i32 to index
        %swap3A_761 = arith.constant 16 : index
        %swap3A_762 = tpu.vector_load %arg7[%swap3A_759, %swap3A_760, %swap3A_761] {strides = array<i32>} : memref<2x16x32xf32, #tpu.memory_space<vmem>>, vector<16xf32>,
        tpu.vector_store %arg7[%swap3A_759, %swap3A_760, %swap3A_761], %broadcast_in_dim3A_3 {strides = array<i32>} : memref<2x16x32xf32, #tpu.memory_space<vmem>>, vector<16xf32>,
        %slice3A_763 = vector.extract_strided_slice %and3A_668 {offsets = [4], sizes = [1], strides = [1]} : vector<16xi32> to vector<1xi32>
        %squeeze3A_764 = vector.extract %slice3A_763[0] : i32 from vector<1xi32>
        %broadcast_in_dim3A_765 = vector.broadcast %squeeze3A_764 : i32 to vector<16xi32>
        %broadcast_in_dim3A_766 = arith.constant 4 : i32
        %broadcast_in_dim3A_767 = vector.broadcast %broadcast_in_dim3A_766 : i32 to vector<16xi32>
        %gather3A_768 = arith.constant 0 : i32
        %gather3A_769 = arith.constant 0 : i32
        %gather3A_770 = arith.constant 0 : i32
        %gather3A_771 = arith.constant 0 : i32
        %gather3A_772 = tpu.memref_slice %arg6[%gather3A_768, %gather3A_769, %gather3A_770, %gather3A_771] : memref<2x16x16x128xf32, #tpu.memory_space<vmem>> -> memref<1x16x16x128xf32, #tpu.memory_space<vmem>>
        %gather3A_773 = tpu.memref_squeeze %gather3A_772 : memref<1x16x16x128xf32, #tpu.memory_space<vmem>> -> memref<16x16x128xf32, #tpu.memory_space<vmem>>
        %gather3A_774 = tpu.vector_load_idx %gather3A_773[%broadcast_in_dim3A_767, %iota3A, %broadcast_in_dim3A_765] : memref<16x16x128xf32, #tpu.memory_space<vmem>>[vector<16xi32>, vector<16xi32>, vector<16xi32>], vector<16xf32>,
        %swap3A_775 = arith.constant 0 : i32
        %swap3A_776 = arith.constant 4 : i32
        %swap3A_777 = arith.index_cast %swap3A_775 : i32 to index
        %swap3A_778 = arith.index_cast %swap3A_776 : i32 to index
        %swap3A_779 = arith.constant 0 : index
        %swap3A_780 = tpu.vector_load %arg7[%swap3A_777, %swap3A_778, %swap3A_779] {strides = array<i32>} : memref<2x16x32xf32, #tpu.memory_space<vmem>>, vector<16xf32>,
        tpu.vector_store %arg7[%swap3A_777, %swap3A_778, %swap3A_779], %gather3A_774 {strides = array<i32>} : memref<2x16x32xf32, #tpu.memory_space<vmem>>, vector<16xf32>,
        %swap3A_781 = arith.constant 0 : i32
        %swap3A_782 = arith.constant 4 : i32
        %swap3A_783 = arith.index_cast %swap3A_781 : i32 to index
        %swap3A_784 = arith.index_cast %swap3A_782 : i32 to index
        %swap3A_785 = arith.constant 16 : index
        %swap3A_786 = tpu.vector_load %arg7[%swap3A_783, %swap3A_784, %swap3A_785] {strides = array<i32>} : memref<2x16x32xf32, #tpu.memory_space<vmem>>, vector<16xf32>,
        tpu.vector_store %arg7[%swap3A_783, %swap3A_784, %swap3A_785], %broadcast_in_dim3A_3 {strides = array<i32>} : memref<2x16x32xf32, #tpu.memory_space<vmem>>, vector<16xf32>,
        %slice3A_787 = vector.extract_strided_slice %and3A_668 {offsets = [5], sizes = [1], strides = [1]} : vector<16xi32> to vector<1xi32>
        %squeeze3A_788 = vector.extract %slice3A_787[0] : i32 from vector<1xi32>
        %broadcast_in_dim3A_789 = vector.broadcast %squeeze3A_788 : i32 to vector<16xi32>
        %broadcast_in_dim3A_790 = arith.constant 5 : i32
        %broadcast_in_dim3A_791 = vector.broadcast %broadcast_in_dim3A_790 : i32 to vector<16xi32>
        %gather3A_792 = arith.constant 0 : i32
        %gather3A_793 = arith.constant 0 : i32
        %gather3A_794 = arith.constant 0 : i32
        %gather3A_795 = arith.constant 0 : i32
        %gather3A_796 = tpu.memref_slice %arg6[%gather3A_792, %gather3A_793, %gather3A_794, %gather3A_795] : memref<2x16x16x128xf32, #tpu.memory_space<vmem>> -> memref<1x16x16x128xf32, #tpu.memory_space<vmem>>
        %gather3A_797 = tpu.memref_squeeze %gather3A_796 : memref<1x16x16x128xf32, #tpu.memory_space<vmem>> -> memref<16x16x128xf32, #tpu.memory_space<vmem>>
        %gather3A_798 = tpu.vector_load_idx %gather3A_797[%broadcast_in_dim3A_791, %iota3A, %broadcast_in_dim3A_789] : memref<16x16x128xf32, #tpu.memory_space<vmem>>[vector<16xi32>, vector<16xi32>, vector<16xi32>], vector<16xf32>,
        %swap3A_799 = arith.constant 0 : i32
        %swap3A_800 = arith.constant 5 : i32
        %swap3A_801 = arith.index_cast %swap3A_799 : i32 to index
        %swap3A_802 = arith.index_cast %swap3A_800 : i32 to index
        %swap3A_803 = arith.constant 0 : index
        %swap3A_804 = tpu.vector_load %arg7[%swap3A_801, %swap3A_802, %swap3A_803] {strides = array<i32>} : memref<2x16x32xf32, #tpu.memory_space<vmem>>, vector<16xf32>,
        tpu.vector_store %arg7[%swap3A_801, %swap3A_802, %swap3A_803], %gather3A_798 {strides = array<i32>} : memref<2x16x32xf32, #tpu.memory_space<vmem>>, vector<16xf32>,
        %swap3A_805 = arith.constant 0 : i32
        %swap3A_806 = arith.constant 5 : i32
        %swap3A_807 = arith.index_cast %swap3A_805 : i32 to index
        %swap3A_808 = arith.index_cast %swap3A_806 : i32 to index
        %swap3A_809 = arith.constant 16 : index
        %swap3A_810 = tpu.vector_load %arg7[%swap3A_807, %swap3A_808, %swap3A_809] {strides = array<i32>} : memref<2x16x32xf32, #tpu.memory_space<vmem>>, vector<16xf32>,
        tpu.vector_store %arg7[%swap3A_807, %swap3A_808, %swap3A_809], %broadcast_in_dim3A_3 {strides = array<i32>} : memref<2x16x32xf32, #tpu.memory_space<vmem>>, vector<16xf32>,
        %slice3A_811 = vector.extract_strided_slice %and3A_668 {offsets = [6], sizes = [1], strides = [1]} : vector<16xi32> to vector<1xi32>
        %squeeze3A_812 = vector.extract %slice3A_811[0] : i32 from vector<1xi32>
        %broadcast_in_dim3A_813 = vector.broadcast %squeeze3A_812 : i32 to vector<16xi32>
        %broadcast_in_dim3A_814 = arith.constant 6 : i32
        %broadcast_in_dim3A_815 = vector.broadcast %broadcast_in_dim3A_814 : i32 to vector<16xi32>
        %gather3A_816 = arith.constant 0 : i32
        %gather3A_817 = arith.constant 0 : i32
        %gather3A_818 = arith.constant 0 : i32
        %gather3A_819 = arith.constant 0 : i32
        %gather3A_820 = tpu.memref_slice %arg6[%gather3A_816, %gather3A_817, %gather3A_818, %gather3A_819] : memref<2x16x16x128xf32, #tpu.memory_space<vmem>> -> memref<1x16x16x128xf32, #tpu.memory_space<vmem>>
        %gather3A_821 = tpu.memref_squeeze %gather3A_820 : memref<1x16x16x128xf32, #tpu.memory_space<vmem>> -> memref<16x16x128xf32, #tpu.memory_space<vmem>>
        %gather3A_822 = tpu.vector_load_idx %gather3A_821[%broadcast_in_dim3A_815, %iota3A, %broadcast_in_dim3A_813] : memref<16x16x128xf32, #tpu.memory_space<vmem>>[vector<16xi32>, vector<16xi32>, vector<16xi32>], vector<16xf32>,
        %swap3A_823 = arith.constant 0 : i32
        %swap3A_824 = arith.constant 6 : i32
        %swap3A_825 = arith.index_cast %swap3A_823 : i32 to index
        %swap3A_826 = arith.index_cast %swap3A_824 : i32 to index
        %swap3A_827 = arith.constant 0 : index
        %swap3A_828 = tpu.vector_load %arg7[%swap3A_825, %swap3A_826, %swap3A_827] {strides = array<i32>} : memref<2x16x32xf32, #tpu.memory_space<vmem>>, vector<16xf32>,
        tpu.vector_store %arg7[%swap3A_825, %swap3A_826, %swap3A_827], %gather3A_822 {strides = array<i32>} : memref<2x16x32xf32, #tpu.memory_space<vmem>>, vector<16xf32>,
        %swap3A_829 = arith.constant 0 : i32
        %swap3A_830 = arith.constant 6 : i32
        %swap3A_831 = arith.index_cast %swap3A_829 : i32 to index
        %swap3A_832 = arith.index_cast %swap3A_830 : i32 to index
        %swap3A_833 = arith.constant 16 : index
        %swap3A_834 = tpu.vector_load %arg7[%swap3A_831, %swap3A_832, %swap3A_833] {strides = array<i32>} : memref<2x16x32xf32, #tpu.memory_space<vmem>>, vector<16xf32>,
        tpu.vector_store %arg7[%swap3A_831, %swap3A_832, %swap3A_833], %broadcast_in_dim3A_3 {strides = array<i32>} : memref<2x16x32xf32, #tpu.memory_space<vmem>>, vector<16xf32>,
        %slice3A_835 = vector.extract_strided_slice %and3A_668 {offsets = [7], sizes = [1], strides = [1]} : vector<16xi32> to vector<1xi32>
        %squeeze3A_836 = vector.extract %slice3A_835[0] : i32 from vector<1xi32>
        %broadcast_in_dim3A_837 = vector.broadcast %squeeze3A_836 : i32 to vector<16xi32>
        %broadcast_in_dim3A_838 = arith.constant 7 : i32
        %broadcast_in_dim3A_839 = vector.broadcast %broadcast_in_dim3A_838 : i32 to vector<16xi32>
        %gather3A_840 = arith.constant 0 : i32
        %gather3A_841 = arith.constant 0 : i32
        %gather3A_842 = arith.constant 0 : i32
        %gather3A_843 = arith.constant 0 : i32
        %gather3A_844 = tpu.memref_slice %arg6[%gather3A_840, %gather3A_841, %gather3A_842, %gather3A_843] : memref<2x16x16x128xf32, #tpu.memory_space<vmem>> -> memref<1x16x16x128xf32, #tpu.memory_space<vmem>>
        %gather3A_845 = tpu.memref_squeeze %gather3A_844 : memref<1x16x16x128xf32, #tpu.memory_space<vmem>> -> memref<16x16x128xf32, #tpu.memory_space<vmem>>
        %gather3A_846 = tpu.vector_load_idx %gather3A_845[%broadcast_in_dim3A_839, %iota3A, %broadcast_in_dim3A_837] : memref<16x16x128xf32, #tpu.memory_space<vmem>>[vector<16xi32>, vector<16xi32>, vector<16xi32>], vector<16xf32>,
        %swap3A_847 = arith.constant 0 : i32
        %swap3A_848 = arith.constant 7 : i32
        %swap3A_849 = arith.index_cast %swap3A_847 : i32 to index
        %swap3A_850 = arith.index_cast %swap3A_848 : i32 to index
        %swap3A_851 = arith.constant 0 : index
        %swap3A_852 = tpu.vector_load %arg7[%swap3A_849, %swap3A_850, %swap3A_851] {strides = array<i32>} : memref<2x16x32xf32, #tpu.memory_space<vmem>>, vector<16xf32>,
        tpu.vector_store %arg7[%swap3A_849, %swap3A_850, %swap3A_851], %gather3A_846 {strides = array<i32>} : memref<2x16x32xf32, #tpu.memory_space<vmem>>, vector<16xf32>,
        %swap3A_853 = arith.constant 0 : i32
        %swap3A_854 = arith.constant 7 : i32
        %swap3A_855 = arith.index_cast %swap3A_853 : i32 to index
        %swap3A_856 = arith.index_cast %swap3A_854 : i32 to index
        %swap3A_857 = arith.constant 16 : index
        %swap3A_858 = tpu.vector_load %arg7[%swap3A_855, %swap3A_856, %swap3A_857] {strides = array<i32>} : memref<2x16x32xf32, #tpu.memory_space<vmem>>, vector<16xf32>,
        tpu.vector_store %arg7[%swap3A_855, %swap3A_856, %swap3A_857], %broadcast_in_dim3A_3 {strides = array<i32>} : memref<2x16x32xf32, #tpu.memory_space<vmem>>, vector<16xf32>,
        %slice3A_859 = vector.extract_strided_slice %and3A_668 {offsets = [8], sizes = [1], strides = [1]} : vector<16xi32> to vector<1xi32>
        %squeeze3A_860 = vector.extract %slice3A_859[0] : i32 from vector<1xi32>
        %broadcast_in_dim3A_861 = vector.broadcast %squeeze3A_860 : i32 to vector<16xi32>
        %broadcast_in_dim3A_862 = arith.constant 8 : i32
        %broadcast_in_dim3A_863 = vector.broadcast %broadcast_in_dim3A_862 : i32 to vector<16xi32>
        %gather3A_864 = arith.constant 0 : i32
        %gather3A_865 = arith.constant 0 : i32
        %gather3A_866 = arith.constant 0 : i32
        %gather3A_867 = arith.constant 0 : i32
        %gather3A_868 = tpu.memref_slice %arg6[%gather3A_864, %gather3A_865, %gather3A_866, %gather3A_867] : memref<2x16x16x128xf32, #tpu.memory_space<vmem>> -> memref<1x16x16x128xf32, #tpu.memory_space<vmem>>
        %gather3A_869 = tpu.memref_squeeze %gather3A_868 : memref<1x16x16x128xf32, #tpu.memory_space<vmem>> -> memref<16x16x128xf32, #tpu.memory_space<vmem>>
        %gather3A_870 = tpu.vector_load_idx %gather3A_869[%broadcast_in_dim3A_863, %iota3A, %broadcast_in_dim3A_861] : memref<16x16x128xf32, #tpu.memory_space<vmem>>[vector<16xi32>, vector<16xi32>, vector<16xi32>], vector<16xf32>,
        %swap3A_871 = arith.constant 0 : i32
        %swap3A_872 = arith.constant 8 : i32
        %swap3A_873 = arith.index_cast %swap3A_871 : i32 to index
        %swap3A_874 = arith.index_cast %swap3A_872 : i32 to index
        %swap3A_875 = arith.constant 0 : index
        %swap3A_876 = tpu.vector_load %arg7[%swap3A_873, %swap3A_874, %swap3A_875] {strides = array<i32>} : memref<2x16x32xf32, #tpu.memory_space<vmem>>, vector<16xf32>,
        tpu.vector_store %arg7[%swap3A_873, %swap3A_874, %swap3A_875], %gather3A_870 {strides = array<i32>} : memref<2x16x32xf32, #tpu.memory_space<vmem>>, vector<16xf32>,
        %swap3A_877 = arith.constant 0 : i32
        %swap3A_878 = arith.constant 8 : i32
        %swap3A_879 = arith.index_cast %swap3A_877 : i32 to index
        %swap3A_880 = arith.index_cast %swap3A_878 : i32 to index
        %swap3A_881 = arith.constant 16 : index
        %swap3A_882 = tpu.vector_load %arg7[%swap3A_879, %swap3A_880, %swap3A_881] {strides = array<i32>} : memref<2x16x32xf32, #tpu.memory_space<vmem>>, vector<16xf32>,
        tpu.vector_store %arg7[%swap3A_879, %swap3A_880, %swap3A_881], %broadcast_in_dim3A_3 {strides = array<i32>} : memref<2x16x32xf32, #tpu.memory_space<vmem>>, vector<16xf32>,
        %slice3A_883 = vector.extract_strided_slice %and3A_668 {offsets = [9], sizes = [1], strides = [1]} : vector<16xi32> to vector<1xi32>
        %squeeze3A_884 = vector.extract %slice3A_883[0] : i32 from vector<1xi32>
        %broadcast_in_dim3A_885 = vector.broadcast %squeeze3A_884 : i32 to vector<16xi32>
        %broadcast_in_dim3A_886 = arith.constant 9 : i32
        %broadcast_in_dim3A_887 = vector.broadcast %broadcast_in_dim3A_886 : i32 to vector<16xi32>
        %gather3A_888 = arith.constant 0 : i32
        %gather3A_889 = arith.constant 0 : i32
        %gather3A_890 = arith.constant 0 : i32
        %gather3A_891 = arith.constant 0 : i32
        %gather3A_892 = tpu.memref_slice %arg6[%gather3A_888, %gather3A_889, %gather3A_890, %gather3A_891] : memref<2x16x16x128xf32, #tpu.memory_space<vmem>> -> memref<1x16x16x128xf32, #tpu.memory_space<vmem>>
        %gather3A_893 = tpu.memref_squeeze %gather3A_892 : memref<1x16x16x128xf32, #tpu.memory_space<vmem>> -> memref<16x16x128xf32, #tpu.memory_space<vmem>>
        %gather3A_894 = tpu.vector_load_idx %gather3A_893[%broadcast_in_dim3A_887, %iota3A, %broadcast_in_dim3A_885] : memref<16x16x128xf32, #tpu.memory_space<vmem>>[vector<16xi32>, vector<16xi32>, vector<16xi32>], vector<16xf32>,
        %swap3A_895 = arith.constant 0 : i32
        %swap3A_896 = arith.constant 9 : i32
        %swap3A_897 = arith.index_cast %swap3A_895 : i32 to index
        %swap3A_898 = arith.index_cast %swap3A_896 : i32 to index
        %swap3A_899 = arith.constant 0 : index
        %swap3A_900 = tpu.vector_load %arg7[%swap3A_897, %swap3A_898, %swap3A_899] {strides = array<i32>} : memref<2x16x32xf32, #tpu.memory_space<vmem>>, vector<16xf32>,
        tpu.vector_store %arg7[%swap3A_897, %swap3A_898, %swap3A_899], %gather3A_894 {strides = array<i32>} : memref<2x16x32xf32, #tpu.memory_space<vmem>>, vector<16xf32>,
        %swap3A_901 = arith.constant 0 : i32
        %swap3A_902 = arith.constant 9 : i32
        %swap3A_903 = arith.index_cast %swap3A_901 : i32 to index
        %swap3A_904 = arith.index_cast %swap3A_902 : i32 to index
        %swap3A_905 = arith.constant 16 : index
        %swap3A_906 = tpu.vector_load %arg7[%swap3A_903, %swap3A_904, %swap3A_905] {strides = array<i32>} : memref<2x16x32xf32, #tpu.memory_space<vmem>>, vector<16xf32>,
        tpu.vector_store %arg7[%swap3A_903, %swap3A_904, %swap3A_905], %broadcast_in_dim3A_3 {strides = array<i32>} : memref<2x16x32xf32, #tpu.memory_space<vmem>>, vector<16xf32>,
        %slice3A_907 = vector.extract_strided_slice %and3A_668 {offsets = [10], sizes = [1], strides = [1]} : vector<16xi32> to vector<1xi32>
        %squeeze3A_908 = vector.extract %slice3A_907[0] : i32 from vector<1xi32>
        %broadcast_in_dim3A_909 = vector.broadcast %squeeze3A_908 : i32 to vector<16xi32>
        %broadcast_in_dim3A_910 = arith.constant 10 : i32
        %broadcast_in_dim3A_911 = vector.broadcast %broadcast_in_dim3A_910 : i32 to vector<16xi32>
        %gather3A_912 = arith.constant 0 : i32
        %gather3A_913 = arith.constant 0 : i32
        %gather3A_914 = arith.constant 0 : i32
        %gather3A_915 = arith.constant 0 : i32
        %gather3A_916 = tpu.memref_slice %arg6[%gather3A_912, %gather3A_913, %gather3A_914, %gather3A_915] : memref<2x16x16x128xf32, #tpu.memory_space<vmem>> -> memref<1x16x16x128xf32, #tpu.memory_space<vmem>>
        %gather3A_917 = tpu.memref_squeeze %gather3A_916 : memref<1x16x16x128xf32, #tpu.memory_space<vmem>> -> memref<16x16x128xf32, #tpu.memory_space<vmem>>
        %gather3A_918 = tpu.vector_load_idx %gather3A_917[%broadcast_in_dim3A_911, %iota3A, %broadcast_in_dim3A_909] : memref<16x16x128xf32, #tpu.memory_space<vmem>>[vector<16xi32>, vector<16xi32>, vector<16xi32>], vector<16xf32>,
        %swap3A_919 = arith.constant 0 : i32
        %swap3A_920 = arith.constant 10 : i32
        %swap3A_921 = arith.index_cast %swap3A_919 : i32 to index
        %swap3A_922 = arith.index_cast %swap3A_920 : i32 to index
        %swap3A_923 = arith.constant 0 : index
        %swap3A_924 = tpu.vector_load %arg7[%swap3A_921, %swap3A_922, %swap3A_923] {strides = array<i32>} : memref<2x16x32xf32, #tpu.memory_space<vmem>>, vector<16xf32>,
        tpu.vector_store %arg7[%swap3A_921, %swap3A_922, %swap3A_923], %gather3A_918 {strides = array<i32>} : memref<2x16x32xf32, #tpu.memory_space<vmem>>, vector<16xf32>,
        %swap3A_925 = arith.constant 0 : i32
        %swap3A_926 = arith.constant 10 : i32
        %swap3A_927 = arith.index_cast %swap3A_925 : i32 to index
        %swap3A_928 = arith.index_cast %swap3A_926 : i32 to index
        %swap3A_929 = arith.constant 16 : index
        %swap3A_930 = tpu.vector_load %arg7[%swap3A_927, %swap3A_928, %swap3A_929] {strides = array<i32>} : memref<2x16x32xf32, #tpu.memory_space<vmem>>, vector<16xf32>,
        tpu.vector_store %arg7[%swap3A_927, %swap3A_928, %swap3A_929], %broadcast_in_dim3A_3 {strides = array<i32>} : memref<2x16x32xf32, #tpu.memory_space<vmem>>, vector<16xf32>,
        %slice3A_931 = vector.extract_strided_slice %and3A_668 {offsets = [11], sizes = [1], strides = [1]} : vector<16xi32> to vector<1xi32>
        %squeeze3A_932 = vector.extract %slice3A_931[0] : i32 from vector<1xi32>
        %broadcast_in_dim3A_933 = vector.broadcast %squeeze3A_932 : i32 to vector<16xi32>
        %broadcast_in_dim3A_934 = arith.constant 11 : i32
        %broadcast_in_dim3A_935 = vector.broadcast %broadcast_in_dim3A_934 : i32 to vector<16xi32>
        %gather3A_936 = arith.constant 0 : i32
        %gather3A_937 = arith.constant 0 : i32
        %gather3A_938 = arith.constant 0 : i32
        %gather3A_939 = arith.constant 0 : i32
        %gather3A_940 = tpu.memref_slice %arg6[%gather3A_936, %gather3A_937, %gather3A_938, %gather3A_939] : memref<2x16x16x128xf32, #tpu.memory_space<vmem>> -> memref<1x16x16x128xf32, #tpu.memory_space<vmem>>
        %gather3A_941 = tpu.memref_squeeze %gather3A_940 : memref<1x16x16x128xf32, #tpu.memory_space<vmem>> -> memref<16x16x128xf32, #tpu.memory_space<vmem>>
        %gather3A_942 = tpu.vector_load_idx %gather3A_941[%broadcast_in_dim3A_935, %iota3A, %broadcast_in_dim3A_933] : memref<16x16x128xf32, #tpu.memory_space<vmem>>[vector<16xi32>, vector<16xi32>, vector<16xi32>], vector<16xf32>,
        %swap3A_943 = arith.constant 0 : i32
        %swap3A_944 = arith.constant 11 : i32
        %swap3A_945 = arith.index_cast %swap3A_943 : i32 to index
        %swap3A_946 = arith.index_cast %swap3A_944 : i32 to index
        %swap3A_947 = arith.constant 0 : index
        %swap3A_948 = tpu.vector_load %arg7[%swap3A_945, %swap3A_946, %swap3A_947] {strides = array<i32>} : memref<2x16x32xf32, #tpu.memory_space<vmem>>, vector<16xf32>,
        tpu.vector_store %arg7[%swap3A_945, %swap3A_946, %swap3A_947], %gather3A_942 {strides = array<i32>} : memref<2x16x32xf32, #tpu.memory_space<vmem>>, vector<16xf32>,
        %swap3A_949 = arith.constant 0 : i32
        %swap3A_950 = arith.constant 11 : i32
        %swap3A_951 = arith.index_cast %swap3A_949 : i32 to index
        %swap3A_952 = arith.index_cast %swap3A_950 : i32 to index
        %swap3A_953 = arith.constant 16 : index
        %swap3A_954 = tpu.vector_load %arg7[%swap3A_951, %swap3A_952, %swap3A_953] {strides = array<i32>} : memref<2x16x32xf32, #tpu.memory_space<vmem>>, vector<16xf32>,
        tpu.vector_store %arg7[%swap3A_951, %swap3A_952, %swap3A_953], %broadcast_in_dim3A_3 {strides = array<i32>} : memref<2x16x32xf32, #tpu.memory_space<vmem>>, vector<16xf32>,
        %slice3A_955 = vector.extract_strided_slice %and3A_668 {offsets = [12], sizes = [1], strides = [1]} : vector<16xi32> to vector<1xi32>
        %squeeze3A_956 = vector.extract %slice3A_955[0] : i32 from vector<1xi32>
        %broadcast_in_dim3A_957 = vector.broadcast %squeeze3A_956 : i32 to vector<16xi32>
        %broadcast_in_dim3A_958 = arith.constant 12 : i32
        %broadcast_in_dim3A_959 = vector.broadcast %broadcast_in_dim3A_958 : i32 to vector<16xi32>
        %gather3A_960 = arith.constant 0 : i32
        %gather3A_961 = arith.constant 0 : i32
        %gather3A_962 = arith.constant 0 : i32
        %gather3A_963 = arith.constant 0 : i32
        %gather3A_964 = tpu.memref_slice %arg6[%gather3A_960, %gather3A_961, %gather3A_962, %gather3A_963] : memref<2x16x16x128xf32, #tpu.memory_space<vmem>> -> memref<1x16x16x128xf32, #tpu.memory_space<vmem>>
        %gather3A_965 = tpu.memref_squeeze %gather3A_964 : memref<1x16x16x128xf32, #tpu.memory_space<vmem>> -> memref<16x16x128xf32, #tpu.memory_space<vmem>>
        %gather3A_966 = tpu.vector_load_idx %gather3A_965[%broadcast_in_dim3A_959, %iota3A, %broadcast_in_dim3A_957] : memref<16x16x128xf32, #tpu.memory_space<vmem>>[vector<16xi32>, vector<16xi32>, vector<16xi32>], vector<16xf32>,
        %swap3A_967 = arith.constant 0 : i32
        %swap3A_968 = arith.constant 12 : i32
        %swap3A_969 = arith.index_cast %swap3A_967 : i32 to index
        %swap3A_970 = arith.index_cast %swap3A_968 : i32 to index
        %swap3A_971 = arith.constant 0 : index
        %swap3A_972 = tpu.vector_load %arg7[%swap3A_969, %swap3A_970, %swap3A_971] {strides = array<i32>} : memref<2x16x32xf32, #tpu.memory_space<vmem>>, vector<16xf32>,
        tpu.vector_store %arg7[%swap3A_969, %swap3A_970, %swap3A_971], %gather3A_966 {strides = array<i32>} : memref<2x16x32xf32, #tpu.memory_space<vmem>>, vector<16xf32>,
        %swap3A_973 = arith.constant 0 : i32
        %swap3A_974 = arith.constant 12 : i32
        %swap3A_975 = arith.index_cast %swap3A_973 : i32 to index
        %swap3A_976 = arith.index_cast %swap3A_974 : i32 to index
        %swap3A_977 = arith.constant 16 : index
        %swap3A_978 = tpu.vector_load %arg7[%swap3A_975, %swap3A_976, %swap3A_977] {strides = array<i32>} : memref<2x16x32xf32, #tpu.memory_space<vmem>>, vector<16xf32>,
        tpu.vector_store %arg7[%swap3A_975, %swap3A_976, %swap3A_977], %broadcast_in_dim3A_3 {strides = array<i32>} : memref<2x16x32xf32, #tpu.memory_space<vmem>>, vector<16xf32>,
        %slice3A_979 = vector.extract_strided_slice %and3A_668 {offsets = [13], sizes = [1], strides = [1]} : vector<16xi32> to vector<1xi32>
        %squeeze3A_980 = vector.extract %slice3A_979[0] : i32 from vector<1xi32>
        %broadcast_in_dim3A_981 = vector.broadcast %squeeze3A_980 : i32 to vector<16xi32>
        %broadcast_in_dim3A_982 = arith.constant 13 : i32
        %broadcast_in_dim3A_983 = vector.broadcast %broadcast_in_dim3A_982 : i32 to vector<16xi32>
        %gather3A_984 = arith.constant 0 : i32
        %gather3A_985 = arith.constant 0 : i32
        %gather3A_986 = arith.constant 0 : i32
        %gather3A_987 = arith.constant 0 : i32
        %gather3A_988 = tpu.memref_slice %arg6[%gather3A_984, %gather3A_985, %gather3A_986, %gather3A_987] : memref<2x16x16x128xf32, #tpu.memory_space<vmem>> -> memref<1x16x16x128xf32, #tpu.memory_space<vmem>>
        %gather3A_989 = tpu.memref_squeeze %gather3A_988 : memref<1x16x16x128xf32, #tpu.memory_space<vmem>> -> memref<16x16x128xf32, #tpu.memory_space<vmem>>
        %gather3A_990 = tpu.vector_load_idx %gather3A_989[%broadcast_in_dim3A_983, %iota3A, %broadcast_in_dim3A_981] : memref<16x16x128xf32, #tpu.memory_space<vmem>>[vector<16xi32>, vector<16xi32>, vector<16xi32>], vector<16xf32>,
        %swap3A_991 = arith.constant 0 : i32
        %swap3A_992 = arith.constant 13 : i32
        %swap3A_993 = arith.index_cast %swap3A_991 : i32 to index
        %swap3A_994 = arith.index_cast %swap3A_992 : i32 to index
        %swap3A_995 = arith.constant 0 : index
        %swap3A_996 = tpu.vector_load %arg7[%swap3A_993, %swap3A_994, %swap3A_995] {strides = array<i32>} : memref<2x16x32xf32, #tpu.memory_space<vmem>>, vector<16xf32>,
        tpu.vector_store %arg7[%swap3A_993, %swap3A_994, %swap3A_995], %gather3A_990 {strides = array<i32>} : memref<2x16x32xf32, #tpu.memory_space<vmem>>, vector<16xf32>,
        %swap3A_997 = arith.constant 0 : i32
        %swap3A_998 = arith.constant 13 : i32
        %swap3A_999 = arith.index_cast %swap3A_997 : i32 to index
        %swap3A_1000 = arith.index_cast %swap3A_998 : i32 to index
        %swap3A_1001 = arith.constant 16 : index
        %swap3A_1002 = tpu.vector_load %arg7[%swap3A_999, %swap3A_1000, %swap3A_1001] {strides = array<i32>} : memref<2x16x32xf32, #tpu.memory_space<vmem>>, vector<16xf32>,
        tpu.vector_store %arg7[%swap3A_999, %swap3A_1000, %swap3A_1001], %broadcast_in_dim3A_3 {strides = array<i32>} : memref<2x16x32xf32, #tpu.memory_space<vmem>>, vector<16xf32>,
        %slice3A_1003 = vector.extract_strided_slice %and3A_668 {offsets = [14], sizes = [1], strides = [1]} : vector<16xi32> to vector<1xi32>
        %squeeze3A_1004 = vector.extract %slice3A_1003[0] : i32 from vector<1xi32>
        %broadcast_in_dim3A_1005 = vector.broadcast %squeeze3A_1004 : i32 to vector<16xi32>
        %broadcast_in_dim3A_1006 = arith.constant 14 : i32
        %broadcast_in_dim3A_1007 = vector.broadcast %broadcast_in_dim3A_1006 : i32 to vector<16xi32>
        %gather3A_1008 = arith.constant 0 : i32
        %gather3A_1009 = arith.constant 0 : i32
        %gather3A_1010 = arith.constant 0 : i32
        %gather3A_1011 = arith.constant 0 : i32
        %gather3A_1012 = tpu.memref_slice %arg6[%gather3A_1008, %gather3A_1009, %gather3A_1010, %gather3A_1011] : memref<2x16x16x128xf32, #tpu.memory_space<vmem>> -> memref<1x16x16x128xf32, #tpu.memory_space<vmem>>
        %gather3A_1013 = tpu.memref_squeeze %gather3A_1012 : memref<1x16x16x128xf32, #tpu.memory_space<vmem>> -> memref<16x16x128xf32, #tpu.memory_space<vmem>>
        %gather3A_1014 = tpu.vector_load_idx %gather3A_1013[%broadcast_in_dim3A_1007, %iota3A, %broadcast_in_dim3A_1005] : memref<16x16x128xf32, #tpu.memory_space<vmem>>[vector<16xi32>, vector<16xi32>, vector<16xi32>], vector<16xf32>,
        %swap3A_1015 = arith.constant 0 : i32
        %swap3A_1016 = arith.constant 14 : i32
        %swap3A_1017 = arith.index_cast %swap3A_1015 : i32 to index
        %swap3A_1018 = arith.index_cast %swap3A_1016 : i32 to index
        %swap3A_1019 = arith.constant 0 : index
        %swap3A_1020 = tpu.vector_load %arg7[%swap3A_1017, %swap3A_1018, %swap3A_1019] {strides = array<i32>} : memref<2x16x32xf32, #tpu.memory_space<vmem>>, vector<16xf32>,
        tpu.vector_store %arg7[%swap3A_1017, %swap3A_1018, %swap3A_1019], %gather3A_1014 {strides = array<i32>} : memref<2x16x32xf32, #tpu.memory_space<vmem>>, vector<16xf32>,
        %swap3A_1021 = arith.constant 0 : i32
        %swap3A_1022 = arith.constant 14 : i32
        %swap3A_1023 = arith.index_cast %swap3A_1021 : i32 to index
        %swap3A_1024 = arith.index_cast %swap3A_1022 : i32 to index
        %swap3A_1025 = arith.constant 16 : index
        %swap3A_1026 = tpu.vector_load %arg7[%swap3A_1023, %swap3A_1024, %swap3A_1025] {strides = array<i32>} : memref<2x16x32xf32, #tpu.memory_space<vmem>>, vector<16xf32>,
        tpu.vector_store %arg7[%swap3A_1023, %swap3A_1024, %swap3A_1025], %broadcast_in_dim3A_3 {strides = array<i32>} : memref<2x16x32xf32, #tpu.memory_space<vmem>>, vector<16xf32>,
        %slice3A_1027 = vector.extract_strided_slice %and3A_668 {offsets = [15], sizes = [1], strides = [1]} : vector<16xi32> to vector<1xi32>
        %squeeze3A_1028 = vector.extract %slice3A_1027[0] : i32 from vector<1xi32>
        %broadcast_in_dim3A_1029 = vector.broadcast %squeeze3A_1028 : i32 to vector<16xi32>
        %broadcast_in_dim3A_1030 = arith.constant 15 : i32
        %broadcast_in_dim3A_1031 = vector.broadcast %broadcast_in_dim3A_1030 : i32 to vector<16xi32>
        %gather3A_1032 = arith.constant 0 : i32
        %gather3A_1033 = arith.constant 0 : i32
        %gather3A_1034 = arith.constant 0 : i32
        %gather3A_1035 = arith.constant 0 : i32
        %gather3A_1036 = tpu.memref_slice %arg6[%gather3A_1032, %gather3A_1033, %gather3A_1034, %gather3A_1035] : memref<2x16x16x128xf32, #tpu.memory_space<vmem>> -> memref<1x16x16x128xf32, #tpu.memory_space<vmem>>
        %gather3A_1037 = tpu.memref_squeeze %gather3A_1036 : memref<1x16x16x128xf32, #tpu.memory_space<vmem>> -> memref<16x16x128xf32, #tpu.memory_space<vmem>>
        %gather3A_1038 = tpu.vector_load_idx %gather3A_1037[%broadcast_in_dim3A_1031, %iota3A, %broadcast_in_dim3A_1029] : memref<16x16x128xf32, #tpu.memory_space<vmem>>[vector<16xi32>, vector<16xi32>, vector<16xi32>], vector<16xf32>,
        %swap3A_1039 = arith.constant 0 : i32
        %swap3A_1040 = arith.constant 15 : i32
        %swap3A_1041 = arith.index_cast %swap3A_1039 : i32 to index
        %swap3A_1042 = arith.index_cast %swap3A_1040 : i32 to index
        %swap3A_1043 = arith.constant 0 : index
        %swap3A_1044 = tpu.vector_load %arg7[%swap3A_1041, %swap3A_1042, %swap3A_1043] {strides = array<i32>} : memref<2x16x32xf32, #tpu.memory_space<vmem>>, vector<16xf32>,
        tpu.vector_store %arg7[%swap3A_1041, %swap3A_1042, %swap3A_1043], %gather3A_1038 {strides = array<i32>} : memref<2x16x32xf32, #tpu.memory_space<vmem>>, vector<16xf32>,
        %swap3A_1045 = arith.constant 0 : i32
        %swap3A_1046 = arith.constant 15 : i32
        %swap3A_1047 = arith.index_cast %swap3A_1045 : i32 to index
        %swap3A_1048 = arith.index_cast %swap3A_1046 : i32 to index
        %swap3A_1049 = arith.constant 16 : index
        %swap3A_1050 = tpu.vector_load %arg7[%swap3A_1047, %swap3A_1048, %swap3A_1049] {strides = array<i32>} : memref<2x16x32xf32, #tpu.memory_space<vmem>>, vector<16xf32>,
        tpu.vector_store %arg7[%swap3A_1047, %swap3A_1048, %swap3A_1049], %broadcast_in_dim3A_3 {strides = array<i32>} : memref<2x16x32xf32, #tpu.memory_space<vmem>>, vector<16xf32>,
        %add3A_1051 = arith.addi %mul3A_2, %mul3A_663 : i32
        %dma_start3A_1052 = arith.constant 0 : i32
        %dma_start3A_1053 = arith.constant 0 : i32
        %dma_start3A_1054 = arith.constant 0 : i32
        %dma_start3A_1055 = tpu.memref_slice %arg7[%dma_start3A_1052, %dma_start3A_1053, %dma_start3A_1054] : memref<2x16x32xf32, #tpu.memory_space<vmem>> -> memref<1x16x32xf32, #tpu.memory_space<vmem>>
        %dma_start3A_1056 = tpu.memref_squeeze %dma_start3A_1055 : memref<1x16x32xf32, #tpu.memory_space<vmem>> -> memref<16x32xf32, #tpu.memory_space<vmem>>
        %dma_start3A_1057 = arith.constant 0 : i32
        %dma_start3A_1058 = tpu.memref_slice %arg4[%add3A_1051, %dma_start3A_1057] : memref<16384x32xf32, #tpu.memory_space<hbm>> -> memref<16x32xf32, #tpu.memory_space<hbm>>
        %dma_start3A_1059 = arith.constant 0 : i32
        %dma_start3A_1060 = tpu.memref_slice %arg4[%add3A_1051, %dma_start3A_1059] : memref<16384x32xf32, #tpu.memory_space<hbm>> -> memref<16x32xf32, #tpu.memory_space<hbm>>
        %dma_start3A_1061 = arith.constant 0 : i32
        %dma_start3A_1062 = arith.constant 0 : i32
        %dma_start3A_1063 = tpu.memref_slice %arg7[%dma_start3A_1052, %dma_start3A_1061, %dma_start3A_1062] : memref<2x16x32xf32, #tpu.memory_space<vmem>> -> memref<1x16x32xf32, #tpu.memory_space<vmem>>
        %dma_start3A_1064 = tpu.memref_squeeze %dma_start3A_1063 : memref<1x16x32xf32, #tpu.memory_space<vmem>> -> memref<16x32xf32, #tpu.memory_space<vmem>>
        tpu.enqueue_dma source(%dma_start3A_1064 : memref<16x32xf32, #tpu.memory_space<vmem>>) target(%dma_start3A_1060 : memref<16x32xf32, #tpu.memory_space<hbm>>) target_semaphore(%arg10 : memref<!tpu.dma_semaphore, #tpu.memory_space<semaphore_mem>>)
      } else {
      }
      %eq3A_401 = arith.constant 1 : i32
      %eq3A_402 = arith.cmpi eq, %rem3A_365, %eq3A_401 : i32
      %convert_element_type3A_403 = arith.extui %eq3A_402 : i1 to i32
      %cond3A_404 = arith.constant 0 : i32
      %cond3A_405 = arith.cmpi ne, %convert_element_type3A_403, %cond3A_404 : i32
      scf.if %cond3A_405 {
        %dma_wait3A_406 = arith.constant 1 : i32
        %dma_wait3A_407 = arith.constant 0 : i32
        %dma_wait3A_408 = arith.constant 0 : i32
        %dma_wait3A_409 = arith.constant 0 : i32
        %dma_wait3A_410 = tpu.memref_slice %arg6[%dma_wait3A_406, %dma_wait3A_407, %dma_wait3A_408, %dma_wait3A_409] : memref<2x16x16x128xf32, #tpu.memory_space<vmem>> -> memref<1x1x16x128xf32, #tpu.memory_space<vmem>>
        %dma_wait3A_411 = tpu.memref_squeeze %dma_wait3A_410 : memref<1x1x16x128xf32, #tpu.memory_space<vmem>> -> memref<16x128xf32, #tpu.memory_space<vmem>>
        %dma_wait3A_412 = arith.constant 0 : i32
        %dma_wait3A_413 = arith.constant 0 : i32
        %dma_wait3A_414 = tpu.memref_slice %arg3[%dma_wait3A_412, %dma_wait3A_413] : memref<16x1000000xf32, #tpu.memory_space<hbm>> -> memref<16x128xf32, #tpu.memory_space<hbm>>
        %dma_wait3A_415 = arith.constant 0 : i32
        %dma_wait3A_416 = arith.constant 0 : i32
        %dma_wait3A_417 = tpu.memref_slice %arg6[%dma_wait3A_406, %dma_wait3A_407, %dma_wait3A_415, %dma_wait3A_416] : memref<2x16x16x128xf32, #tpu.memory_space<vmem>> -> memref<1x1x16x128xf32, #tpu.memory_space<vmem>>
        %dma_wait3A_418 = tpu.memref_squeeze %dma_wait3A_417 : memref<1x1x16x128xf32, #tpu.memory_space<vmem>> -> memref<16x128xf32, #tpu.memory_space<vmem>>
        %dma_wait3A_419 = arith.constant 0 : i32
        %dma_wait3A_420 = arith.constant 0 : i32
        %dma_wait3A_421 = tpu.memref_slice %arg3[%dma_wait3A_419, %dma_wait3A_420] : memref<16x1000000xf32, #tpu.memory_space<hbm>> -> memref<16x128xf32, #tpu.memory_space<hbm>>
        tpu.wait_dma2 semaphore(%arg9 : memref<!tpu.dma_semaphore, #tpu.memory_space<semaphore_mem>>) src(%dma_wait3A_421 : memref<16x128xf32, #tpu.memory_space<hbm>>) dst(%dma_wait3A_418 : memref<16x128xf32, #tpu.memory_space<vmem>>)
        %dma_wait3A_422 = arith.constant 1 : i32
        %dma_wait3A_423 = arith.constant 1 : i32
        %dma_wait3A_424 = arith.constant 0 : i32
        %dma_wait3A_425 = arith.constant 0 : i32
        %dma_wait3A_426 = tpu.memref_slice %arg6[%dma_wait3A_422, %dma_wait3A_423, %dma_wait3A_424, %dma_wait3A_425] : memref<2x16x16x128xf32, #tpu.memory_space<vmem>> -> memref<1x1x16x128xf32, #tpu.memory_space<vmem>>
        %dma_wait3A_427 = tpu.memref_squeeze %dma_wait3A_426 : memref<1x1x16x128xf32, #tpu.memory_space<vmem>> -> memref<16x128xf32, #tpu.memory_space<vmem>>
        %dma_wait3A_428 = arith.constant 0 : i32
        %dma_wait3A_429 = arith.constant 0 : i32
        %dma_wait3A_430 = tpu.memref_slice %arg3[%dma_wait3A_428, %dma_wait3A_429] : memref<16x1000000xf32, #tpu.memory_space<hbm>> -> memref<16x128xf32, #tpu.memory_space<hbm>>
        %dma_wait3A_431 = arith.constant 0 : i32
        %dma_wait3A_432 = arith.constant 0 : i32
        %dma_wait3A_433 = tpu.memref_slice %arg6[%dma_wait3A_422, %dma_wait3A_423, %dma_wait3A_431, %dma_wait3A_432] : memref<2x16x16x128xf32, #tpu.memory_space<vmem>> -> memref<1x1x16x128xf32, #tpu.memory_space<vmem>>
        %dma_wait3A_434 = tpu.memref_squeeze %dma_wait3A_433 : memref<1x1x16x128xf32, #tpu.memory_space<vmem>> -> memref<16x128xf32, #tpu.memory_space<vmem>>
        %dma_wait3A_435 = arith.constant 0 : i32
        %dma_wait3A_436 = arith.constant 0 : i32
        %dma_wait3A_437 = tpu.memref_slice %arg3[%dma_wait3A_435, %dma_wait3A_436] : memref<16x1000000xf32, #tpu.memory_space<hbm>> -> memref<16x128xf32, #tpu.memory_space<hbm>>
        tpu.wait_dma2 semaphore(%arg9 : memref<!tpu.dma_semaphore, #tpu.memory_space<semaphore_mem>>) src(%dma_wait3A_437 : memref<16x128xf32, #tpu.memory_space<hbm>>) dst(%dma_wait3A_434 : memref<16x128xf32, #tpu.memory_space<vmem>>)
        %dma_wait3A_438 = arith.constant 1 : i32
        %dma_wait3A_439 = arith.constant 2 : i32
        %dma_wait3A_440 = arith.constant 0 : i32
        %dma_wait3A_441 = arith.constant 0 : i32
        %dma_wait3A_442 = tpu.memref_slice %arg6[%dma_wait3A_438, %dma_wait3A_439, %dma_wait3A_440, %dma_wait3A_441] : memref<2x16x16x128xf32, #tpu.memory_space<vmem>> -> memref<1x1x16x128xf32, #tpu.memory_space<vmem>>
        %dma_wait3A_443 = tpu.memref_squeeze %dma_wait3A_442 : memref<1x1x16x128xf32, #tpu.memory_space<vmem>> -> memref<16x128xf32, #tpu.memory_space<vmem>>
        %dma_wait3A_444 = arith.constant 0 : i32
        %dma_wait3A_445 = arith.constant 0 : i32
        %dma_wait3A_446 = tpu.memref_slice %arg3[%dma_wait3A_444, %dma_wait3A_445] : memref<16x1000000xf32, #tpu.memory_space<hbm>> -> memref<16x128xf32, #tpu.memory_space<hbm>>
        %dma_wait3A_447 = arith.constant 0 : i32
        %dma_wait3A_448 = arith.constant 0 : i32
        %dma_wait3A_449 = tpu.memref_slice %arg6[%dma_wait3A_438, %dma_wait3A_439, %dma_wait3A_447, %dma_wait3A_448] : memref<2x16x16x128xf32, #tpu.memory_space<vmem>> -> memref<1x1x16x128xf32, #tpu.memory_space<vmem>>
        %dma_wait3A_450 = tpu.memref_squeeze %dma_wait3A_449 : memref<1x1x16x128xf32, #tpu.memory_space<vmem>> -> memref<16x128xf32, #tpu.memory_space<vmem>>
        %dma_wait3A_451 = arith.constant 0 : i32
        %dma_wait3A_452 = arith.constant 0 : i32
        %dma_wait3A_453 = tpu.memref_slice %arg3[%dma_wait3A_451, %dma_wait3A_452] : memref<16x1000000xf32, #tpu.memory_space<hbm>> -> memref<16x128xf32, #tpu.memory_space<hbm>>
        tpu.wait_dma2 semaphore(%arg9 : memref<!tpu.dma_semaphore, #tpu.memory_space<semaphore_mem>>) src(%dma_wait3A_453 : memref<16x128xf32, #tpu.memory_space<hbm>>) dst(%dma_wait3A_450 : memref<16x128xf32, #tpu.memory_space<vmem>>)
        %dma_wait3A_454 = arith.constant 1 : i32
        %dma_wait3A_455 = arith.constant 3 : i32
        %dma_wait3A_456 = arith.constant 0 : i32
        %dma_wait3A_457 = arith.constant 0 : i32
        %dma_wait3A_458 = tpu.memref_slice %arg6[%dma_wait3A_454, %dma_wait3A_455, %dma_wait3A_456, %dma_wait3A_457] : memref<2x16x16x128xf32, #tpu.memory_space<vmem>> -> memref<1x1x16x128xf32, #tpu.memory_space<vmem>>
        %dma_wait3A_459 = tpu.memref_squeeze %dma_wait3A_458 : memref<1x1x16x128xf32, #tpu.memory_space<vmem>> -> memref<16x128xf32, #tpu.memory_space<vmem>>
        %dma_wait3A_460 = arith.constant 0 : i32
        %dma_wait3A_461 = arith.constant 0 : i32
        %dma_wait3A_462 = tpu.memref_slice %arg3[%dma_wait3A_460, %dma_wait3A_461] : memref<16x1000000xf32, #tpu.memory_space<hbm>> -> memref<16x128xf32, #tpu.memory_space<hbm>>
        %dma_wait3A_463 = arith.constant 0 : i32
        %dma_wait3A_464 = arith.constant 0 : i32
        %dma_wait3A_465 = tpu.memref_slice %arg6[%dma_wait3A_454, %dma_wait3A_455, %dma_wait3A_463, %dma_wait3A_464] : memref<2x16x16x128xf32, #tpu.memory_space<vmem>> -> memref<1x1x16x128xf32, #tpu.memory_space<vmem>>
        %dma_wait3A_466 = tpu.memref_squeeze %dma_wait3A_465 : memref<1x1x16x128xf32, #tpu.memory_space<vmem>> -> memref<16x128xf32, #tpu.memory_space<vmem>>
        %dma_wait3A_467 = arith.constant 0 : i32
        %dma_wait3A_468 = arith.constant 0 : i32
        %dma_wait3A_469 = tpu.memref_slice %arg3[%dma_wait3A_467, %dma_wait3A_468] : memref<16x1000000xf32, #tpu.memory_space<hbm>> -> memref<16x128xf32, #tpu.memory_space<hbm>>
        tpu.wait_dma2 semaphore(%arg9 : memref<!tpu.dma_semaphore, #tpu.memory_space<semaphore_mem>>) src(%dma_wait3A_469 : memref<16x128xf32, #tpu.memory_space<hbm>>) dst(%dma_wait3A_466 : memref<16x128xf32, #tpu.memory_space<vmem>>)
        %dma_wait3A_470 = arith.constant 1 : i32
        %dma_wait3A_471 = arith.constant 4 : i32
        %dma_wait3A_472 = arith.constant 0 : i32
        %dma_wait3A_473 = arith.constant 0 : i32
        %dma_wait3A_474 = tpu.memref_slice %arg6[%dma_wait3A_470, %dma_wait3A_471, %dma_wait3A_472, %dma_wait3A_473] : memref<2x16x16x128xf32, #tpu.memory_space<vmem>> -> memref<1x1x16x128xf32, #tpu.memory_space<vmem>>
        %dma_wait3A_475 = tpu.memref_squeeze %dma_wait3A_474 : memref<1x1x16x128xf32, #tpu.memory_space<vmem>> -> memref<16x128xf32, #tpu.memory_space<vmem>>
        %dma_wait3A_476 = arith.constant 0 : i32
        %dma_wait3A_477 = arith.constant 0 : i32
        %dma_wait3A_478 = tpu.memref_slice %arg3[%dma_wait3A_476, %dma_wait3A_477] : memref<16x1000000xf32, #tpu.memory_space<hbm>> -> memref<16x128xf32, #tpu.memory_space<hbm>>
        %dma_wait3A_479 = arith.constant 0 : i32
        %dma_wait3A_480 = arith.constant 0 : i32
        %dma_wait3A_481 = tpu.memref_slice %arg6[%dma_wait3A_470, %dma_wait3A_471, %dma_wait3A_479, %dma_wait3A_480] : memref<2x16x16x128xf32, #tpu.memory_space<vmem>> -> memref<1x1x16x128xf32, #tpu.memory_space<vmem>>
        %dma_wait3A_482 = tpu.memref_squeeze %dma_wait3A_481 : memref<1x1x16x128xf32, #tpu.memory_space<vmem>> -> memref<16x128xf32, #tpu.memory_space<vmem>>
        %dma_wait3A_483 = arith.constant 0 : i32
        %dma_wait3A_484 = arith.constant 0 : i32
        %dma_wait3A_485 = tpu.memref_slice %arg3[%dma_wait3A_483, %dma_wait3A_484] : memref<16x1000000xf32, #tpu.memory_space<hbm>> -> memref<16x128xf32, #tpu.memory_space<hbm>>
        tpu.wait_dma2 semaphore(%arg9 : memref<!tpu.dma_semaphore, #tpu.memory_space<semaphore_mem>>) src(%dma_wait3A_485 : memref<16x128xf32, #tpu.memory_space<hbm>>) dst(%dma_wait3A_482 : memref<16x128xf32, #tpu.memory_space<vmem>>)
        %dma_wait3A_486 = arith.constant 1 : i32
        %dma_wait3A_487 = arith.constant 5 : i32
        %dma_wait3A_488 = arith.constant 0 : i32
        %dma_wait3A_489 = arith.constant 0 : i32
        %dma_wait3A_490 = tpu.memref_slice %arg6[%dma_wait3A_486, %dma_wait3A_487, %dma_wait3A_488, %dma_wait3A_489] : memref<2x16x16x128xf32, #tpu.memory_space<vmem>> -> memref<1x1x16x128xf32, #tpu.memory_space<vmem>>
        %dma_wait3A_491 = tpu.memref_squeeze %dma_wait3A_490 : memref<1x1x16x128xf32, #tpu.memory_space<vmem>> -> memref<16x128xf32, #tpu.memory_space<vmem>>
        %dma_wait3A_492 = arith.constant 0 : i32
        %dma_wait3A_493 = arith.constant 0 : i32
        %dma_wait3A_494 = tpu.memref_slice %arg3[%dma_wait3A_492, %dma_wait3A_493] : memref<16x1000000xf32, #tpu.memory_space<hbm>> -> memref<16x128xf32, #tpu.memory_space<hbm>>
        %dma_wait3A_495 = arith.constant 0 : i32
        %dma_wait3A_496 = arith.constant 0 : i32
        %dma_wait3A_497 = tpu.memref_slice %arg6[%dma_wait3A_486, %dma_wait3A_487, %dma_wait3A_495, %dma_wait3A_496] : memref<2x16x16x128xf32, #tpu.memory_space<vmem>> -> memref<1x1x16x128xf32, #tpu.memory_space<vmem>>
        %dma_wait3A_498 = tpu.memref_squeeze %dma_wait3A_497 : memref<1x1x16x128xf32, #tpu.memory_space<vmem>> -> memref<16x128xf32, #tpu.memory_space<vmem>>
        %dma_wait3A_499 = arith.constant 0 : i32
        %dma_wait3A_500 = arith.constant 0 : i32
        %dma_wait3A_501 = tpu.memref_slice %arg3[%dma_wait3A_499, %dma_wait3A_500] : memref<16x1000000xf32, #tpu.memory_space<hbm>> -> memref<16x128xf32, #tpu.memory_space<hbm>>
        tpu.wait_dma2 semaphore(%arg9 : memref<!tpu.dma_semaphore, #tpu.memory_space<semaphore_mem>>) src(%dma_wait3A_501 : memref<16x128xf32, #tpu.memory_space<hbm>>) dst(%dma_wait3A_498 : memref<16x128xf32, #tpu.memory_space<vmem>>)
        %dma_wait3A_502 = arith.constant 1 : i32
        %dma_wait3A_503 = arith.constant 6 : i32
        %dma_wait3A_504 = arith.constant 0 : i32
        %dma_wait3A_505 = arith.constant 0 : i32
        %dma_wait3A_506 = tpu.memref_slice %arg6[%dma_wait3A_502, %dma_wait3A_503, %dma_wait3A_504, %dma_wait3A_505] : memref<2x16x16x128xf32, #tpu.memory_space<vmem>> -> memref<1x1x16x128xf32, #tpu.memory_space<vmem>>
        %dma_wait3A_507 = tpu.memref_squeeze %dma_wait3A_506 : memref<1x1x16x128xf32, #tpu.memory_space<vmem>> -> memref<16x128xf32, #tpu.memory_space<vmem>>
        %dma_wait3A_508 = arith.constant 0 : i32
        %dma_wait3A_509 = arith.constant 0 : i32
        %dma_wait3A_510 = tpu.memref_slice %arg3[%dma_wait3A_508, %dma_wait3A_509] : memref<16x1000000xf32, #tpu.memory_space<hbm>> -> memref<16x128xf32, #tpu.memory_space<hbm>>
        %dma_wait3A_511 = arith.constant 0 : i32
        %dma_wait3A_512 = arith.constant 0 : i32
        %dma_wait3A_513 = tpu.memref_slice %arg6[%dma_wait3A_502, %dma_wait3A_503, %dma_wait3A_511, %dma_wait3A_512] : memref<2x16x16x128xf32, #tpu.memory_space<vmem>> -> memref<1x1x16x128xf32, #tpu.memory_space<vmem>>
        %dma_wait3A_514 = tpu.memref_squeeze %dma_wait3A_513 : memref<1x1x16x128xf32, #tpu.memory_space<vmem>> -> memref<16x128xf32, #tpu.memory_space<vmem>>
        %dma_wait3A_515 = arith.constant 0 : i32
        %dma_wait3A_516 = arith.constant 0 : i32
        %dma_wait3A_517 = tpu.memref_slice %arg3[%dma_wait3A_515, %dma_wait3A_516] : memref<16x1000000xf32, #tpu.memory_space<hbm>> -> memref<16x128xf32, #tpu.memory_space<hbm>>
        tpu.wait_dma2 semaphore(%arg9 : memref<!tpu.dma_semaphore, #tpu.memory_space<semaphore_mem>>) src(%dma_wait3A_517 : memref<16x128xf32, #tpu.memory_space<hbm>>) dst(%dma_wait3A_514 : memref<16x128xf32, #tpu.memory_space<vmem>>)
        %dma_wait3A_518 = arith.constant 1 : i32
        %dma_wait3A_519 = arith.constant 7 : i32
        %dma_wait3A_520 = arith.constant 0 : i32
        %dma_wait3A_521 = arith.constant 0 : i32
        %dma_wait3A_522 = tpu.memref_slice %arg6[%dma_wait3A_518, %dma_wait3A_519, %dma_wait3A_520, %dma_wait3A_521] : memref<2x16x16x128xf32, #tpu.memory_space<vmem>> -> memref<1x1x16x128xf32, #tpu.memory_space<vmem>>
        %dma_wait3A_523 = tpu.memref_squeeze %dma_wait3A_522 : memref<1x1x16x128xf32, #tpu.memory_space<vmem>> -> memref<16x128xf32, #tpu.memory_space<vmem>>
        %dma_wait3A_524 = arith.constant 0 : i32
        %dma_wait3A_525 = arith.constant 0 : i32
        %dma_wait3A_526 = tpu.memref_slice %arg3[%dma_wait3A_524, %dma_wait3A_525] : memref<16x1000000xf32, #tpu.memory_space<hbm>> -> memref<16x128xf32, #tpu.memory_space<hbm>>
        %dma_wait3A_527 = arith.constant 0 : i32
        %dma_wait3A_528 = arith.constant 0 : i32
        %dma_wait3A_529 = tpu.memref_slice %arg6[%dma_wait3A_518, %dma_wait3A_519, %dma_wait3A_527, %dma_wait3A_528] : memref<2x16x16x128xf32, #tpu.memory_space<vmem>> -> memref<1x1x16x128xf32, #tpu.memory_space<vmem>>
        %dma_wait3A_530 = tpu.memref_squeeze %dma_wait3A_529 : memref<1x1x16x128xf32, #tpu.memory_space<vmem>> -> memref<16x128xf32, #tpu.memory_space<vmem>>
        %dma_wait3A_531 = arith.constant 0 : i32
        %dma_wait3A_532 = arith.constant 0 : i32
        %dma_wait3A_533 = tpu.memref_slice %arg3[%dma_wait3A_531, %dma_wait3A_532] : memref<16x1000000xf32, #tpu.memory_space<hbm>> -> memref<16x128xf32, #tpu.memory_space<hbm>>
        tpu.wait_dma2 semaphore(%arg9 : memref<!tpu.dma_semaphore, #tpu.memory_space<semaphore_mem>>) src(%dma_wait3A_533 : memref<16x128xf32, #tpu.memory_space<hbm>>) dst(%dma_wait3A_530 : memref<16x128xf32, #tpu.memory_space<vmem>>)
        %dma_wait3A_534 = arith.constant 1 : i32
        %dma_wait3A_535 = arith.constant 8 : i32
        %dma_wait3A_536 = arith.constant 0 : i32
        %dma_wait3A_537 = arith.constant 0 : i32
        %dma_wait3A_538 = tpu.memref_slice %arg6[%dma_wait3A_534, %dma_wait3A_535, %dma_wait3A_536, %dma_wait3A_537] : memref<2x16x16x128xf32, #tpu.memory_space<vmem>> -> memref<1x1x16x128xf32, #tpu.memory_space<vmem>>
        %dma_wait3A_539 = tpu.memref_squeeze %dma_wait3A_538 : memref<1x1x16x128xf32, #tpu.memory_space<vmem>> -> memref<16x128xf32, #tpu.memory_space<vmem>>
        %dma_wait3A_540 = arith.constant 0 : i32
        %dma_wait3A_541 = arith.constant 0 : i32
        %dma_wait3A_542 = tpu.memref_slice %arg3[%dma_wait3A_540, %dma_wait3A_541] : memref<16x1000000xf32, #tpu.memory_space<hbm>> -> memref<16x128xf32, #tpu.memory_space<hbm>>
        %dma_wait3A_543 = arith.constant 0 : i32
        %dma_wait3A_544 = arith.constant 0 : i32
        %dma_wait3A_545 = tpu.memref_slice %arg6[%dma_wait3A_534, %dma_wait3A_535, %dma_wait3A_543, %dma_wait3A_544] : memref<2x16x16x128xf32, #tpu.memory_space<vmem>> -> memref<1x1x16x128xf32, #tpu.memory_space<vmem>>
        %dma_wait3A_546 = tpu.memref_squeeze %dma_wait3A_545 : memref<1x1x16x128xf32, #tpu.memory_space<vmem>> -> memref<16x128xf32, #tpu.memory_space<vmem>>
        %dma_wait3A_547 = arith.constant 0 : i32
        %dma_wait3A_548 = arith.constant 0 : i32
        %dma_wait3A_549 = tpu.memref_slice %arg3[%dma_wait3A_547, %dma_wait3A_548] : memref<16x1000000xf32, #tpu.memory_space<hbm>> -> memref<16x128xf32, #tpu.memory_space<hbm>>
        tpu.wait_dma2 semaphore(%arg9 : memref<!tpu.dma_semaphore, #tpu.memory_space<semaphore_mem>>) src(%dma_wait3A_549 : memref<16x128xf32, #tpu.memory_space<hbm>>) dst(%dma_wait3A_546 : memref<16x128xf32, #tpu.memory_space<vmem>>)
        %dma_wait3A_550 = arith.constant 1 : i32
        %dma_wait3A_551 = arith.constant 9 : i32
        %dma_wait3A_552 = arith.constant 0 : i32
        %dma_wait3A_553 = arith.constant 0 : i32
        %dma_wait3A_554 = tpu.memref_slice %arg6[%dma_wait3A_550, %dma_wait3A_551, %dma_wait3A_552, %dma_wait3A_553] : memref<2x16x16x128xf32, #tpu.memory_space<vmem>> -> memref<1x1x16x128xf32, #tpu.memory_space<vmem>>
        %dma_wait3A_555 = tpu.memref_squeeze %dma_wait3A_554 : memref<1x1x16x128xf32, #tpu.memory_space<vmem>> -> memref<16x128xf32, #tpu.memory_space<vmem>>
        %dma_wait3A_556 = arith.constant 0 : i32
        %dma_wait3A_557 = arith.constant 0 : i32
        %dma_wait3A_558 = tpu.memref_slice %arg3[%dma_wait3A_556, %dma_wait3A_557] : memref<16x1000000xf32, #tpu.memory_space<hbm>> -> memref<16x128xf32, #tpu.memory_space<hbm>>
        %dma_wait3A_559 = arith.constant 0 : i32
        %dma_wait3A_560 = arith.constant 0 : i32
        %dma_wait3A_561 = tpu.memref_slice %arg6[%dma_wait3A_550, %dma_wait3A_551, %dma_wait3A_559, %dma_wait3A_560] : memref<2x16x16x128xf32, #tpu.memory_space<vmem>> -> memref<1x1x16x128xf32, #tpu.memory_space<vmem>>
        %dma_wait3A_562 = tpu.memref_squeeze %dma_wait3A_561 : memref<1x1x16x128xf32, #tpu.memory_space<vmem>> -> memref<16x128xf32, #tpu.memory_space<vmem>>
        %dma_wait3A_563 = arith.constant 0 : i32
        %dma_wait3A_564 = arith.constant 0 : i32
        %dma_wait3A_565 = tpu.memref_slice %arg3[%dma_wait3A_563, %dma_wait3A_564] : memref<16x1000000xf32, #tpu.memory_space<hbm>> -> memref<16x128xf32, #tpu.memory_space<hbm>>
        tpu.wait_dma2 semaphore(%arg9 : memref<!tpu.dma_semaphore, #tpu.memory_space<semaphore_mem>>) src(%dma_wait3A_565 : memref<16x128xf32, #tpu.memory_space<hbm>>) dst(%dma_wait3A_562 : memref<16x128xf32, #tpu.memory_space<vmem>>)
        %dma_wait3A_566 = arith.constant 1 : i32
        %dma_wait3A_567 = arith.constant 10 : i32
        %dma_wait3A_568 = arith.constant 0 : i32
        %dma_wait3A_569 = arith.constant 0 : i32
        %dma_wait3A_570 = tpu.memref_slice %arg6[%dma_wait3A_566, %dma_wait3A_567, %dma_wait3A_568, %dma_wait3A_569] : memref<2x16x16x128xf32, #tpu.memory_space<vmem>> -> memref<1x1x16x128xf32, #tpu.memory_space<vmem>>
        %dma_wait3A_571 = tpu.memref_squeeze %dma_wait3A_570 : memref<1x1x16x128xf32, #tpu.memory_space<vmem>> -> memref<16x128xf32, #tpu.memory_space<vmem>>
        %dma_wait3A_572 = arith.constant 0 : i32
        %dma_wait3A_573 = arith.constant 0 : i32
        %dma_wait3A_574 = tpu.memref_slice %arg3[%dma_wait3A_572, %dma_wait3A_573] : memref<16x1000000xf32, #tpu.memory_space<hbm>> -> memref<16x128xf32, #tpu.memory_space<hbm>>
        %dma_wait3A_575 = arith.constant 0 : i32
        %dma_wait3A_576 = arith.constant 0 : i32
        %dma_wait3A_577 = tpu.memref_slice %arg6[%dma_wait3A_566, %dma_wait3A_567, %dma_wait3A_575, %dma_wait3A_576] : memref<2x16x16x128xf32, #tpu.memory_space<vmem>> -> memref<1x1x16x128xf32, #tpu.memory_space<vmem>>
        %dma_wait3A_578 = tpu.memref_squeeze %dma_wait3A_577 : memref<1x1x16x128xf32, #tpu.memory_space<vmem>> -> memref<16x128xf32, #tpu.memory_space<vmem>>
        %dma_wait3A_579 = arith.constant 0 : i32
        %dma_wait3A_580 = arith.constant 0 : i32
        %dma_wait3A_581 = tpu.memref_slice %arg3[%dma_wait3A_579, %dma_wait3A_580] : memref<16x1000000xf32, #tpu.memory_space<hbm>> -> memref<16x128xf32, #tpu.memory_space<hbm>>
        tpu.wait_dma2 semaphore(%arg9 : memref<!tpu.dma_semaphore, #tpu.memory_space<semaphore_mem>>) src(%dma_wait3A_581 : memref<16x128xf32, #tpu.memory_space<hbm>>) dst(%dma_wait3A_578 : memref<16x128xf32, #tpu.memory_space<vmem>>)
        %dma_wait3A_582 = arith.constant 1 : i32
        %dma_wait3A_583 = arith.constant 11 : i32
        %dma_wait3A_584 = arith.constant 0 : i32
        %dma_wait3A_585 = arith.constant 0 : i32
        %dma_wait3A_586 = tpu.memref_slice %arg6[%dma_wait3A_582, %dma_wait3A_583, %dma_wait3A_584, %dma_wait3A_585] : memref<2x16x16x128xf32, #tpu.memory_space<vmem>> -> memref<1x1x16x128xf32, #tpu.memory_space<vmem>>
        %dma_wait3A_587 = tpu.memref_squeeze %dma_wait3A_586 : memref<1x1x16x128xf32, #tpu.memory_space<vmem>> -> memref<16x128xf32, #tpu.memory_space<vmem>>
        %dma_wait3A_588 = arith.constant 0 : i32
        %dma_wait3A_589 = arith.constant 0 : i32
        %dma_wait3A_590 = tpu.memref_slice %arg3[%dma_wait3A_588, %dma_wait3A_589] : memref<16x1000000xf32, #tpu.memory_space<hbm>> -> memref<16x128xf32, #tpu.memory_space<hbm>>
        %dma_wait3A_591 = arith.constant 0 : i32
        %dma_wait3A_592 = arith.constant 0 : i32
        %dma_wait3A_593 = tpu.memref_slice %arg6[%dma_wait3A_582, %dma_wait3A_583, %dma_wait3A_591, %dma_wait3A_592] : memref<2x16x16x128xf32, #tpu.memory_space<vmem>> -> memref<1x1x16x128xf32, #tpu.memory_space<vmem>>
        %dma_wait3A_594 = tpu.memref_squeeze %dma_wait3A_593 : memref<1x1x16x128xf32, #tpu.memory_space<vmem>> -> memref<16x128xf32, #tpu.memory_space<vmem>>
        %dma_wait3A_595 = arith.constant 0 : i32
        %dma_wait3A_596 = arith.constant 0 : i32
        %dma_wait3A_597 = tpu.memref_slice %arg3[%dma_wait3A_595, %dma_wait3A_596] : memref<16x1000000xf32, #tpu.memory_space<hbm>> -> memref<16x128xf32, #tpu.memory_space<hbm>>
        tpu.wait_dma2 semaphore(%arg9 : memref<!tpu.dma_semaphore, #tpu.memory_space<semaphore_mem>>) src(%dma_wait3A_597 : memref<16x128xf32, #tpu.memory_space<hbm>>) dst(%dma_wait3A_594 : memref<16x128xf32, #tpu.memory_space<vmem>>)
        %dma_wait3A_598 = arith.constant 1 : i32
        %dma_wait3A_599 = arith.constant 12 : i32
        %dma_wait3A_600 = arith.constant 0 : i32
        %dma_wait3A_601 = arith.constant 0 : i32
        %dma_wait3A_602 = tpu.memref_slice %arg6[%dma_wait3A_598, %dma_wait3A_599, %dma_wait3A_600, %dma_wait3A_601] : memref<2x16x16x128xf32, #tpu.memory_space<vmem>> -> memref<1x1x16x128xf32, #tpu.memory_space<vmem>>
        %dma_wait3A_603 = tpu.memref_squeeze %dma_wait3A_602 : memref<1x1x16x128xf32, #tpu.memory_space<vmem>> -> memref<16x128xf32, #tpu.memory_space<vmem>>
        %dma_wait3A_604 = arith.constant 0 : i32
        %dma_wait3A_605 = arith.constant 0 : i32
        %dma_wait3A_606 = tpu.memref_slice %arg3[%dma_wait3A_604, %dma_wait3A_605] : memref<16x1000000xf32, #tpu.memory_space<hbm>> -> memref<16x128xf32, #tpu.memory_space<hbm>>
        %dma_wait3A_607 = arith.constant 0 : i32
        %dma_wait3A_608 = arith.constant 0 : i32
        %dma_wait3A_609 = tpu.memref_slice %arg6[%dma_wait3A_598, %dma_wait3A_599, %dma_wait3A_607, %dma_wait3A_608] : memref<2x16x16x128xf32, #tpu.memory_space<vmem>> -> memref<1x1x16x128xf32, #tpu.memory_space<vmem>>
        %dma_wait3A_610 = tpu.memref_squeeze %dma_wait3A_609 : memref<1x1x16x128xf32, #tpu.memory_space<vmem>> -> memref<16x128xf32, #tpu.memory_space<vmem>>
        %dma_wait3A_611 = arith.constant 0 : i32
        %dma_wait3A_612 = arith.constant 0 : i32
        %dma_wait3A_613 = tpu.memref_slice %arg3[%dma_wait3A_611, %dma_wait3A_612] : memref<16x1000000xf32, #tpu.memory_space<hbm>> -> memref<16x128xf32, #tpu.memory_space<hbm>>
        tpu.wait_dma2 semaphore(%arg9 : memref<!tpu.dma_semaphore, #tpu.memory_space<semaphore_mem>>) src(%dma_wait3A_613 : memref<16x128xf32, #tpu.memory_space<hbm>>) dst(%dma_wait3A_610 : memref<16x128xf32, #tpu.memory_space<vmem>>)
        %dma_wait3A_614 = arith.constant 1 : i32
        %dma_wait3A_615 = arith.constant 13 : i32
        %dma_wait3A_616 = arith.constant 0 : i32
        %dma_wait3A_617 = arith.constant 0 : i32
        %dma_wait3A_618 = tpu.memref_slice %arg6[%dma_wait3A_614, %dma_wait3A_615, %dma_wait3A_616, %dma_wait3A_617] : memref<2x16x16x128xf32, #tpu.memory_space<vmem>> -> memref<1x1x16x128xf32, #tpu.memory_space<vmem>>
        %dma_wait3A_619 = tpu.memref_squeeze %dma_wait3A_618 : memref<1x1x16x128xf32, #tpu.memory_space<vmem>> -> memref<16x128xf32, #tpu.memory_space<vmem>>
        %dma_wait3A_620 = arith.constant 0 : i32
        %dma_wait3A_621 = arith.constant 0 : i32
        %dma_wait3A_622 = tpu.memref_slice %arg3[%dma_wait3A_620, %dma_wait3A_621] : memref<16x1000000xf32, #tpu.memory_space<hbm>> -> memref<16x128xf32, #tpu.memory_space<hbm>>
        %dma_wait3A_623 = arith.constant 0 : i32
        %dma_wait3A_624 = arith.constant 0 : i32
        %dma_wait3A_625 = tpu.memref_slice %arg6[%dma_wait3A_614, %dma_wait3A_615, %dma_wait3A_623, %dma_wait3A_624] : memref<2x16x16x128xf32, #tpu.memory_space<vmem>> -> memref<1x1x16x128xf32, #tpu.memory_space<vmem>>
        %dma_wait3A_626 = tpu.memref_squeeze %dma_wait3A_625 : memref<1x1x16x128xf32, #tpu.memory_space<vmem>> -> memref<16x128xf32, #tpu.memory_space<vmem>>
        %dma_wait3A_627 = arith.constant 0 : i32
        %dma_wait3A_628 = arith.constant 0 : i32
        %dma_wait3A_629 = tpu.memref_slice %arg3[%dma_wait3A_627, %dma_wait3A_628] : memref<16x1000000xf32, #tpu.memory_space<hbm>> -> memref<16x128xf32, #tpu.memory_space<hbm>>
        tpu.wait_dma2 semaphore(%arg9 : memref<!tpu.dma_semaphore, #tpu.memory_space<semaphore_mem>>) src(%dma_wait3A_629 : memref<16x128xf32, #tpu.memory_space<hbm>>) dst(%dma_wait3A_626 : memref<16x128xf32, #tpu.memory_space<vmem>>)
        %dma_wait3A_630 = arith.constant 1 : i32
        %dma_wait3A_631 = arith.constant 14 : i32
        %dma_wait3A_632 = arith.constant 0 : i32
        %dma_wait3A_633 = arith.constant 0 : i32
        %dma_wait3A_634 = tpu.memref_slice %arg6[%dma_wait3A_630, %dma_wait3A_631, %dma_wait3A_632, %dma_wait3A_633] : memref<2x16x16x128xf32, #tpu.memory_space<vmem>> -> memref<1x1x16x128xf32, #tpu.memory_space<vmem>>
        %dma_wait3A_635 = tpu.memref_squeeze %dma_wait3A_634 : memref<1x1x16x128xf32, #tpu.memory_space<vmem>> -> memref<16x128xf32, #tpu.memory_space<vmem>>
        %dma_wait3A_636 = arith.constant 0 : i32
        %dma_wait3A_637 = arith.constant 0 : i32
        %dma_wait3A_638 = tpu.memref_slice %arg3[%dma_wait3A_636, %dma_wait3A_637] : memref<16x1000000xf32, #tpu.memory_space<hbm>> -> memref<16x128xf32, #tpu.memory_space<hbm>>
        %dma_wait3A_639 = arith.constant 0 : i32
        %dma_wait3A_640 = arith.constant 0 : i32
        %dma_wait3A_641 = tpu.memref_slice %arg6[%dma_wait3A_630, %dma_wait3A_631, %dma_wait3A_639, %dma_wait3A_640] : memref<2x16x16x128xf32, #tpu.memory_space<vmem>> -> memref<1x1x16x128xf32, #tpu.memory_space<vmem>>
        %dma_wait3A_642 = tpu.memref_squeeze %dma_wait3A_641 : memref<1x1x16x128xf32, #tpu.memory_space<vmem>> -> memref<16x128xf32, #tpu.memory_space<vmem>>
        %dma_wait3A_643 = arith.constant 0 : i32
        %dma_wait3A_644 = arith.constant 0 : i32
        %dma_wait3A_645 = tpu.memref_slice %arg3[%dma_wait3A_643, %dma_wait3A_644] : memref<16x1000000xf32, #tpu.memory_space<hbm>> -> memref<16x128xf32, #tpu.memory_space<hbm>>
        tpu.wait_dma2 semaphore(%arg9 : memref<!tpu.dma_semaphore, #tpu.memory_space<semaphore_mem>>) src(%dma_wait3A_645 : memref<16x128xf32, #tpu.memory_space<hbm>>) dst(%dma_wait3A_642 : memref<16x128xf32, #tpu.memory_space<vmem>>)
        %dma_wait3A_646 = arith.constant 1 : i32
        %dma_wait3A_647 = arith.constant 15 : i32
        %dma_wait3A_648 = arith.constant 0 : i32
        %dma_wait3A_649 = arith.constant 0 : i32
        %dma_wait3A_650 = tpu.memref_slice %arg6[%dma_wait3A_646, %dma_wait3A_647, %dma_wait3A_648, %dma_wait3A_649] : memref<2x16x16x128xf32, #tpu.memory_space<vmem>> -> memref<1x1x16x128xf32, #tpu.memory_space<vmem>>
        %dma_wait3A_651 = tpu.memref_squeeze %dma_wait3A_650 : memref<1x1x16x128xf32, #tpu.memory_space<vmem>> -> memref<16x128xf32, #tpu.memory_space<vmem>>
        %dma_wait3A_652 = arith.constant 0 : i32
        %dma_wait3A_653 = arith.constant 0 : i32
        %dma_wait3A_654 = tpu.memref_slice %arg3[%dma_wait3A_652, %dma_wait3A_653] : memref<16x1000000xf32, #tpu.memory_space<hbm>> -> memref<16x128xf32, #tpu.memory_space<hbm>>
        %dma_wait3A_655 = arith.constant 0 : i32
        %dma_wait3A_656 = arith.constant 0 : i32
        %dma_wait3A_657 = tpu.memref_slice %arg6[%dma_wait3A_646, %dma_wait3A_647, %dma_wait3A_655, %dma_wait3A_656] : memref<2x16x16x128xf32, #tpu.memory_space<vmem>> -> memref<1x1x16x128xf32, #tpu.memory_space<vmem>>
        %dma_wait3A_658 = tpu.memref_squeeze %dma_wait3A_657 : memref<1x1x16x128xf32, #tpu.memory_space<vmem>> -> memref<16x128xf32, #tpu.memory_space<vmem>>
        %dma_wait3A_659 = arith.constant 0 : i32
        %dma_wait3A_660 = arith.constant 0 : i32
        %dma_wait3A_661 = tpu.memref_slice %arg3[%dma_wait3A_659, %dma_wait3A_660] : memref<16x1000000xf32, #tpu.memory_space<hbm>> -> memref<16x128xf32, #tpu.memory_space<hbm>>
        tpu.wait_dma2 semaphore(%arg9 : memref<!tpu.dma_semaphore, #tpu.memory_space<semaphore_mem>>) src(%dma_wait3A_661 : memref<16x128xf32, #tpu.memory_space<hbm>>) dst(%dma_wait3A_658 : memref<16x128xf32, #tpu.memory_space<vmem>>)
        %mul3A_662 = arith.constant 16 : i32
        %mul3A_663 = arith.muli %scan3A_364, %mul3A_662 : i32
        %get3A_664 = arith.index_cast %mul3A_663 : i32 to index
        %get3A_665 = tpu.vector_load %arg5[%get3A_664] {strides = array<i32>} : memref<512xi32, #tpu.memory_space<vmem>>, vector<16xi32>,
        %and3A_666 = arith.constant 127 : i32
        %and3A_667 = vector.broadcast %and3A_666 : i32 to vector<16xi32>
        %and3A_668 = arith.andi %get3A_665, %and3A_667 : vector<16xi32>
        %slice3A_669 = vector.extract_strided_slice %and3A_668 {offsets = [0], sizes = [1], strides = [1]} : vector<16xi32> to vector<1xi32>
        %squeeze3A_670 = vector.extract %slice3A_669[0] : i32 from vector<1xi32>
        %broadcast_in_dim3A_671 = vector.broadcast %squeeze3A_670 : i32 to vector<16xi32>
        %broadcast_in_dim3A_672 = arith.constant 0 : i32
        %broadcast_in_dim3A_673 = vector.broadcast %broadcast_in_dim3A_672 : i32 to vector<16xi32>
        %gather3A = arith.constant 1 : i32
        %gather3A_674 = arith.constant 0 : i32
        %gather3A_675 = arith.constant 0 : i32
        %gather3A_676 = arith.constant 0 : i32
        %gather3A_677 = tpu.memref_slice %arg6[%gather3A, %gather3A_674, %gather3A_675, %gather3A_676] : memref<2x16x16x128xf32, #tpu.memory_space<vmem>> -> memref<1x16x16x128xf32, #tpu.memory_space<vmem>>
        %gather3A_678 = tpu.memref_squeeze %gather3A_677 : memref<1x16x16x128xf32, #tpu.memory_space<vmem>> -> memref<16x16x128xf32, #tpu.memory_space<vmem>>
        %gather3A_679 = tpu.vector_load_idx %gather3A_678[%broadcast_in_dim3A_673, %iota3A, %broadcast_in_dim3A_671] : memref<16x16x128xf32, #tpu.memory_space<vmem>>[vector<16xi32>, vector<16xi32>, vector<16xi32>], vector<16xf32>,
        %swap3A = arith.constant 1 : i32
        %swap3A_680 = arith.constant 0 : i32
        %swap3A_681 = arith.index_cast %swap3A : i32 to index
        %swap3A_682 = arith.index_cast %swap3A_680 : i32 to index
        %swap3A_683 = arith.constant 0 : index
        %swap3A_684 = tpu.vector_load %arg7[%swap3A_681, %swap3A_682, %swap3A_683] {strides = array<i32>} : memref<2x16x32xf32, #tpu.memory_space<vmem>>, vector<16xf32>,
        tpu.vector_store %arg7[%swap3A_681, %swap3A_682, %swap3A_683], %gather3A_679 {strides = array<i32>} : memref<2x16x32xf32, #tpu.memory_space<vmem>>, vector<16xf32>,
        %swap3A_685 = arith.constant 1 : i32
        %swap3A_686 = arith.constant 0 : i32
        %swap3A_687 = arith.index_cast %swap3A_685 : i32 to index
        %swap3A_688 = arith.index_cast %swap3A_686 : i32 to index
        %swap3A_689 = arith.constant 16 : index
        %swap3A_690 = tpu.vector_load %arg7[%swap3A_687, %swap3A_688, %swap3A_689] {strides = array<i32>} : memref<2x16x32xf32, #tpu.memory_space<vmem>>, vector<16xf32>,
        tpu.vector_store %arg7[%swap3A_687, %swap3A_688, %swap3A_689], %broadcast_in_dim3A_3 {strides = array<i32>} : memref<2x16x32xf32, #tpu.memory_space<vmem>>, vector<16xf32>,
        %slice3A_691 = vector.extract_strided_slice %and3A_668 {offsets = [1], sizes = [1], strides = [1]} : vector<16xi32> to vector<1xi32>
        %squeeze3A_692 = vector.extract %slice3A_691[0] : i32 from vector<1xi32>
        %broadcast_in_dim3A_693 = vector.broadcast %squeeze3A_692 : i32 to vector<16xi32>
        %broadcast_in_dim3A_694 = arith.constant 1 : i32
        %broadcast_in_dim3A_695 = vector.broadcast %broadcast_in_dim3A_694 : i32 to vector<16xi32>
        %gather3A_696 = arith.constant 1 : i32
        %gather3A_697 = arith.constant 0 : i32
        %gather3A_698 = arith.constant 0 : i32
        %gather3A_699 = arith.constant 0 : i32
        %gather3A_700 = tpu.memref_slice %arg6[%gather3A_696, %gather3A_697, %gather3A_698, %gather3A_699] : memref<2x16x16x128xf32, #tpu.memory_space<vmem>> -> memref<1x16x16x128xf32, #tpu.memory_space<vmem>>
        %gather3A_701 = tpu.memref_squeeze %gather3A_700 : memref<1x16x16x128xf32, #tpu.memory_space<vmem>> -> memref<16x16x128xf32, #tpu.memory_space<vmem>>
        %gather3A_702 = tpu.vector_load_idx %gather3A_701[%broadcast_in_dim3A_695, %iota3A, %broadcast_in_dim3A_693] : memref<16x16x128xf32, #tpu.memory_space<vmem>>[vector<16xi32>, vector<16xi32>, vector<16xi32>], vector<16xf32>,
        %swap3A_703 = arith.constant 1 : i32
        %swap3A_704 = arith.constant 1 : i32
        %swap3A_705 = arith.index_cast %swap3A_703 : i32 to index
        %swap3A_706 = arith.index_cast %swap3A_704 : i32 to index
        %swap3A_707 = arith.constant 0 : index
        %swap3A_708 = tpu.vector_load %arg7[%swap3A_705, %swap3A_706, %swap3A_707] {strides = array<i32>} : memref<2x16x32xf32, #tpu.memory_space<vmem>>, vector<16xf32>,
        tpu.vector_store %arg7[%swap3A_705, %swap3A_706, %swap3A_707], %gather3A_702 {strides = array<i32>} : memref<2x16x32xf32, #tpu.memory_space<vmem>>, vector<16xf32>,
        %swap3A_709 = arith.constant 1 : i32
        %swap3A_710 = arith.constant 1 : i32
        %swap3A_711 = arith.index_cast %swap3A_709 : i32 to index
        %swap3A_712 = arith.index_cast %swap3A_710 : i32 to index
        %swap3A_713 = arith.constant 16 : index
        %swap3A_714 = tpu.vector_load %arg7[%swap3A_711, %swap3A_712, %swap3A_713] {strides = array<i32>} : memref<2x16x32xf32, #tpu.memory_space<vmem>>, vector<16xf32>,
        tpu.vector_store %arg7[%swap3A_711, %swap3A_712, %swap3A_713], %broadcast_in_dim3A_3 {strides = array<i32>} : memref<2x16x32xf32, #tpu.memory_space<vmem>>, vector<16xf32>,
        %slice3A_715 = vector.extract_strided_slice %and3A_668 {offsets = [2], sizes = [1], strides = [1]} : vector<16xi32> to vector<1xi32>
        %squeeze3A_716 = vector.extract %slice3A_715[0] : i32 from vector<1xi32>
        %broadcast_in_dim3A_717 = vector.broadcast %squeeze3A_716 : i32 to vector<16xi32>
        %broadcast_in_dim3A_718 = arith.constant 2 : i32
        %broadcast_in_dim3A_719 = vector.broadcast %broadcast_in_dim3A_718 : i32 to vector<16xi32>
        %gather3A_720 = arith.constant 1 : i32
        %gather3A_721 = arith.constant 0 : i32
        %gather3A_722 = arith.constant 0 : i32
        %gather3A_723 = arith.constant 0 : i32
        %gather3A_724 = tpu.memref_slice %arg6[%gather3A_720, %gather3A_721, %gather3A_722, %gather3A_723] : memref<2x16x16x128xf32, #tpu.memory_space<vmem>> -> memref<1x16x16x128xf32, #tpu.memory_space<vmem>>
        %gather3A_725 = tpu.memref_squeeze %gather3A_724 : memref<1x16x16x128xf32, #tpu.memory_space<vmem>> -> memref<16x16x128xf32, #tpu.memory_space<vmem>>
        %gather3A_726 = tpu.vector_load_idx %gather3A_725[%broadcast_in_dim3A_719, %iota3A, %broadcast_in_dim3A_717] : memref<16x16x128xf32, #tpu.memory_space<vmem>>[vector<16xi32>, vector<16xi32>, vector<16xi32>], vector<16xf32>,
        %swap3A_727 = arith.constant 1 : i32
        %swap3A_728 = arith.constant 2 : i32
        %swap3A_729 = arith.index_cast %swap3A_727 : i32 to index
        %swap3A_730 = arith.index_cast %swap3A_728 : i32 to index
        %swap3A_731 = arith.constant 0 : index
        %swap3A_732 = tpu.vector_load %arg7[%swap3A_729, %swap3A_730, %swap3A_731] {strides = array<i32>} : memref<2x16x32xf32, #tpu.memory_space<vmem>>, vector<16xf32>,
        tpu.vector_store %arg7[%swap3A_729, %swap3A_730, %swap3A_731], %gather3A_726 {strides = array<i32>} : memref<2x16x32xf32, #tpu.memory_space<vmem>>, vector<16xf32>,
        %swap3A_733 = arith.constant 1 : i32
        %swap3A_734 = arith.constant 2 : i32
        %swap3A_735 = arith.index_cast %swap3A_733 : i32 to index
        %swap3A_736 = arith.index_cast %swap3A_734 : i32 to index
        %swap3A_737 = arith.constant 16 : index
        %swap3A_738 = tpu.vector_load %arg7[%swap3A_735, %swap3A_736, %swap3A_737] {strides = array<i32>} : memref<2x16x32xf32, #tpu.memory_space<vmem>>, vector<16xf32>,
        tpu.vector_store %arg7[%swap3A_735, %swap3A_736, %swap3A_737], %broadcast_in_dim3A_3 {strides = array<i32>} : memref<2x16x32xf32, #tpu.memory_space<vmem>>, vector<16xf32>,
        %slice3A_739 = vector.extract_strided_slice %and3A_668 {offsets = [3], sizes = [1], strides = [1]} : vector<16xi32> to vector<1xi32>
        %squeeze3A_740 = vector.extract %slice3A_739[0] : i32 from vector<1xi32>
        %broadcast_in_dim3A_741 = vector.broadcast %squeeze3A_740 : i32 to vector<16xi32>
        %broadcast_in_dim3A_742 = arith.constant 3 : i32
        %broadcast_in_dim3A_743 = vector.broadcast %broadcast_in_dim3A_742 : i32 to vector<16xi32>
        %gather3A_744 = arith.constant 1 : i32
        %gather3A_745 = arith.constant 0 : i32
        %gather3A_746 = arith.constant 0 : i32
        %gather3A_747 = arith.constant 0 : i32
        %gather3A_748 = tpu.memref_slice %arg6[%gather3A_744, %gather3A_745, %gather3A_746, %gather3A_747] : memref<2x16x16x128xf32, #tpu.memory_space<vmem>> -> memref<1x16x16x128xf32, #tpu.memory_space<vmem>>
        %gather3A_749 = tpu.memref_squeeze %gather3A_748 : memref<1x16x16x128xf32, #tpu.memory_space<vmem>> -> memref<16x16x128xf32, #tpu.memory_space<vmem>>
        %gather3A_750 = tpu.vector_load_idx %gather3A_749[%broadcast_in_dim3A_743, %iota3A, %broadcast_in_dim3A_741] : memref<16x16x128xf32, #tpu.memory_space<vmem>>[vector<16xi32>, vector<16xi32>, vector<16xi32>], vector<16xf32>,
        %swap3A_751 = arith.constant 1 : i32
        %swap3A_752 = arith.constant 3 : i32
        %swap3A_753 = arith.index_cast %swap3A_751 : i32 to index
        %swap3A_754 = arith.index_cast %swap3A_752 : i32 to index
        %swap3A_755 = arith.constant 0 : index
        %swap3A_756 = tpu.vector_load %arg7[%swap3A_753, %swap3A_754, %swap3A_755] {strides = array<i32>} : memref<2x16x32xf32, #tpu.memory_space<vmem>>, vector<16xf32>,
        tpu.vector_store %arg7[%swap3A_753, %swap3A_754, %swap3A_755], %gather3A_750 {strides = array<i32>} : memref<2x16x32xf32, #tpu.memory_space<vmem>>, vector<16xf32>,
        %swap3A_757 = arith.constant 1 : i32
        %swap3A_758 = arith.constant 3 : i32
        %swap3A_759 = arith.index_cast %swap3A_757 : i32 to index
        %swap3A_760 = arith.index_cast %swap3A_758 : i32 to index
        %swap3A_761 = arith.constant 16 : index
        %swap3A_762 = tpu.vector_load %arg7[%swap3A_759, %swap3A_760, %swap3A_761] {strides = array<i32>} : memref<2x16x32xf32, #tpu.memory_space<vmem>>, vector<16xf32>,
        tpu.vector_store %arg7[%swap3A_759, %swap3A_760, %swap3A_761], %broadcast_in_dim3A_3 {strides = array<i32>} : memref<2x16x32xf32, #tpu.memory_space<vmem>>, vector<16xf32>,
        %slice3A_763 = vector.extract_strided_slice %and3A_668 {offsets = [4], sizes = [1], strides = [1]} : vector<16xi32> to vector<1xi32>
        %squeeze3A_764 = vector.extract %slice3A_763[0] : i32 from vector<1xi32>
        %broadcast_in_dim3A_765 = vector.broadcast %squeeze3A_764 : i32 to vector<16xi32>
        %broadcast_in_dim3A_766 = arith.constant 4 : i32
        %broadcast_in_dim3A_767 = vector.broadcast %broadcast_in_dim3A_766 : i32 to vector<16xi32>
        %gather3A_768 = arith.constant 1 : i32
        %gather3A_769 = arith.constant 0 : i32
        %gather3A_770 = arith.constant 0 : i32
        %gather3A_771 = arith.constant 0 : i32
        %gather3A_772 = tpu.memref_slice %arg6[%gather3A_768, %gather3A_769, %gather3A_770, %gather3A_771] : memref<2x16x16x128xf32, #tpu.memory_space<vmem>> -> memref<1x16x16x128xf32, #tpu.memory_space<vmem>>
        %gather3A_773 = tpu.memref_squeeze %gather3A_772 : memref<1x16x16x128xf32, #tpu.memory_space<vmem>> -> memref<16x16x128xf32, #tpu.memory_space<vmem>>
        %gather3A_774 = tpu.vector_load_idx %gather3A_773[%broadcast_in_dim3A_767, %iota3A, %broadcast_in_dim3A_765] : memref<16x16x128xf32, #tpu.memory_space<vmem>>[vector<16xi32>, vector<16xi32>, vector<16xi32>], vector<16xf32>,
        %swap3A_775 = arith.constant 1 : i32
        %swap3A_776 = arith.constant 4 : i32
        %swap3A_777 = arith.index_cast %swap3A_775 : i32 to index
        %swap3A_778 = arith.index_cast %swap3A_776 : i32 to index
        %swap3A_779 = arith.constant 0 : index
        %swap3A_780 = tpu.vector_load %arg7[%swap3A_777, %swap3A_778, %swap3A_779] {strides = array<i32>} : memref<2x16x32xf32, #tpu.memory_space<vmem>>, vector<16xf32>,
        tpu.vector_store %arg7[%swap3A_777, %swap3A_778, %swap3A_779], %gather3A_774 {strides = array<i32>} : memref<2x16x32xf32, #tpu.memory_space<vmem>>, vector<16xf32>,
        %swap3A_781 = arith.constant 1 : i32
        %swap3A_782 = arith.constant 4 : i32
        %swap3A_783 = arith.index_cast %swap3A_781 : i32 to index
        %swap3A_784 = arith.index_cast %swap3A_782 : i32 to index
        %swap3A_785 = arith.constant 16 : index
        %swap3A_786 = tpu.vector_load %arg7[%swap3A_783, %swap3A_784, %swap3A_785] {strides = array<i32>} : memref<2x16x32xf32, #tpu.memory_space<vmem>>, vector<16xf32>,
        tpu.vector_store %arg7[%swap3A_783, %swap3A_784, %swap3A_785], %broadcast_in_dim3A_3 {strides = array<i32>} : memref<2x16x32xf32, #tpu.memory_space<vmem>>, vector<16xf32>,
        %slice3A_787 = vector.extract_strided_slice %and3A_668 {offsets = [5], sizes = [1], strides = [1]} : vector<16xi32> to vector<1xi32>
        %squeeze3A_788 = vector.extract %slice3A_787[0] : i32 from vector<1xi32>
        %broadcast_in_dim3A_789 = vector.broadcast %squeeze3A_788 : i32 to vector<16xi32>
        %broadcast_in_dim3A_790 = arith.constant 5 : i32
        %broadcast_in_dim3A_791 = vector.broadcast %broadcast_in_dim3A_790 : i32 to vector<16xi32>
        %gather3A_792 = arith.constant 1 : i32
        %gather3A_793 = arith.constant 0 : i32
        %gather3A_794 = arith.constant 0 : i32
        %gather3A_795 = arith.constant 0 : i32
        %gather3A_796 = tpu.memref_slice %arg6[%gather3A_792, %gather3A_793, %gather3A_794, %gather3A_795] : memref<2x16x16x128xf32, #tpu.memory_space<vmem>> -> memref<1x16x16x128xf32, #tpu.memory_space<vmem>>
        %gather3A_797 = tpu.memref_squeeze %gather3A_796 : memref<1x16x16x128xf32, #tpu.memory_space<vmem>> -> memref<16x16x128xf32, #tpu.memory_space<vmem>>
        %gather3A_798 = tpu.vector_load_idx %gather3A_797[%broadcast_in_dim3A_791, %iota3A, %broadcast_in_dim3A_789] : memref<16x16x128xf32, #tpu.memory_space<vmem>>[vector<16xi32>, vector<16xi32>, vector<16xi32>], vector<16xf32>,
        %swap3A_799 = arith.constant 1 : i32
        %swap3A_800 = arith.constant 5 : i32
        %swap3A_801 = arith.index_cast %swap3A_799 : i32 to index
        %swap3A_802 = arith.index_cast %swap3A_800 : i32 to index
        %swap3A_803 = arith.constant 0 : index
        %swap3A_804 = tpu.vector_load %arg7[%swap3A_801, %swap3A_802, %swap3A_803] {strides = array<i32>} : memref<2x16x32xf32, #tpu.memory_space<vmem>>, vector<16xf32>,
        tpu.vector_store %arg7[%swap3A_801, %swap3A_802, %swap3A_803], %gather3A_798 {strides = array<i32>} : memref<2x16x32xf32, #tpu.memory_space<vmem>>, vector<16xf32>,
        %swap3A_805 = arith.constant 1 : i32
        %swap3A_806 = arith.constant 5 : i32
        %swap3A_807 = arith.index_cast %swap3A_805 : i32 to index
        %swap3A_808 = arith.index_cast %swap3A_806 : i32 to index
        %swap3A_809 = arith.constant 16 : index
        %swap3A_810 = tpu.vector_load %arg7[%swap3A_807, %swap3A_808, %swap3A_809] {strides = array<i32>} : memref<2x16x32xf32, #tpu.memory_space<vmem>>, vector<16xf32>,
        tpu.vector_store %arg7[%swap3A_807, %swap3A_808, %swap3A_809], %broadcast_in_dim3A_3 {strides = array<i32>} : memref<2x16x32xf32, #tpu.memory_space<vmem>>, vector<16xf32>,
        %slice3A_811 = vector.extract_strided_slice %and3A_668 {offsets = [6], sizes = [1], strides = [1]} : vector<16xi32> to vector<1xi32>
        %squeeze3A_812 = vector.extract %slice3A_811[0] : i32 from vector<1xi32>
        %broadcast_in_dim3A_813 = vector.broadcast %squeeze3A_812 : i32 to vector<16xi32>
        %broadcast_in_dim3A_814 = arith.constant 6 : i32
        %broadcast_in_dim3A_815 = vector.broadcast %broadcast_in_dim3A_814 : i32 to vector<16xi32>
        %gather3A_816 = arith.constant 1 : i32
        %gather3A_817 = arith.constant 0 : i32
        %gather3A_818 = arith.constant 0 : i32
        %gather3A_819 = arith.constant 0 : i32
        %gather3A_820 = tpu.memref_slice %arg6[%gather3A_816, %gather3A_817, %gather3A_818, %gather3A_819] : memref<2x16x16x128xf32, #tpu.memory_space<vmem>> -> memref<1x16x16x128xf32, #tpu.memory_space<vmem>>
        %gather3A_821 = tpu.memref_squeeze %gather3A_820 : memref<1x16x16x128xf32, #tpu.memory_space<vmem>> -> memref<16x16x128xf32, #tpu.memory_space<vmem>>
        %gather3A_822 = tpu.vector_load_idx %gather3A_821[%broadcast_in_dim3A_815, %iota3A, %broadcast_in_dim3A_813] : memref<16x16x128xf32, #tpu.memory_space<vmem>>[vector<16xi32>, vector<16xi32>, vector<16xi32>], vector<16xf32>,
        %swap3A_823 = arith.constant 1 : i32
        %swap3A_824 = arith.constant 6 : i32
        %swap3A_825 = arith.index_cast %swap3A_823 : i32 to index
        %swap3A_826 = arith.index_cast %swap3A_824 : i32 to index
        %swap3A_827 = arith.constant 0 : index
        %swap3A_828 = tpu.vector_load %arg7[%swap3A_825, %swap3A_826, %swap3A_827] {strides = array<i32>} : memref<2x16x32xf32, #tpu.memory_space<vmem>>, vector<16xf32>,
        tpu.vector_store %arg7[%swap3A_825, %swap3A_826, %swap3A_827], %gather3A_822 {strides = array<i32>} : memref<2x16x32xf32, #tpu.memory_space<vmem>>, vector<16xf32>,
        %swap3A_829 = arith.constant 1 : i32
        %swap3A_830 = arith.constant 6 : i32
        %swap3A_831 = arith.index_cast %swap3A_829 : i32 to index
        %swap3A_832 = arith.index_cast %swap3A_830 : i32 to index
        %swap3A_833 = arith.constant 16 : index
        %swap3A_834 = tpu.vector_load %arg7[%swap3A_831, %swap3A_832, %swap3A_833] {strides = array<i32>} : memref<2x16x32xf32, #tpu.memory_space<vmem>>, vector<16xf32>,
        tpu.vector_store %arg7[%swap3A_831, %swap3A_832, %swap3A_833], %broadcast_in_dim3A_3 {strides = array<i32>} : memref<2x16x32xf32, #tpu.memory_space<vmem>>, vector<16xf32>,
        %slice3A_835 = vector.extract_strided_slice %and3A_668 {offsets = [7], sizes = [1], strides = [1]} : vector<16xi32> to vector<1xi32>
        %squeeze3A_836 = vector.extract %slice3A_835[0] : i32 from vector<1xi32>
        %broadcast_in_dim3A_837 = vector.broadcast %squeeze3A_836 : i32 to vector<16xi32>
        %broadcast_in_dim3A_838 = arith.constant 7 : i32
        %broadcast_in_dim3A_839 = vector.broadcast %broadcast_in_dim3A_838 : i32 to vector<16xi32>
        %gather3A_840 = arith.constant 1 : i32
        %gather3A_841 = arith.constant 0 : i32
        %gather3A_842 = arith.constant 0 : i32
        %gather3A_843 = arith.constant 0 : i32
        %gather3A_844 = tpu.memref_slice %arg6[%gather3A_840, %gather3A_841, %gather3A_842, %gather3A_843] : memref<2x16x16x128xf32, #tpu.memory_space<vmem>> -> memref<1x16x16x128xf32, #tpu.memory_space<vmem>>
        %gather3A_845 = tpu.memref_squeeze %gather3A_844 : memref<1x16x16x128xf32, #tpu.memory_space<vmem>> -> memref<16x16x128xf32, #tpu.memory_space<vmem>>
        %gather3A_846 = tpu.vector_load_idx %gather3A_845[%broadcast_in_dim3A_839, %iota3A, %broadcast_in_dim3A_837] : memref<16x16x128xf32, #tpu.memory_space<vmem>>[vector<16xi32>, vector<16xi32>, vector<16xi32>], vector<16xf32>,
        %swap3A_847 = arith.constant 1 : i32
        %swap3A_848 = arith.constant 7 : i32
        %swap3A_849 = arith.index_cast %swap3A_847 : i32 to index
        %swap3A_850 = arith.index_cast %swap3A_848 : i32 to index
        %swap3A_851 = arith.constant 0 : index
        %swap3A_852 = tpu.vector_load %arg7[%swap3A_849, %swap3A_850, %swap3A_851] {strides = array<i32>} : memref<2x16x32xf32, #tpu.memory_space<vmem>>, vector<16xf32>,
        tpu.vector_store %arg7[%swap3A_849, %swap3A_850, %swap3A_851], %gather3A_846 {strides = array<i32>} : memref<2x16x32xf32, #tpu.memory_space<vmem>>, vector<16xf32>,
        %swap3A_853 = arith.constant 1 : i32
        %swap3A_854 = arith.constant 7 : i32
        %swap3A_855 = arith.index_cast %swap3A_853 : i32 to index
        %swap3A_856 = arith.index_cast %swap3A_854 : i32 to index
        %swap3A_857 = arith.constant 16 : index
        %swap3A_858 = tpu.vector_load %arg7[%swap3A_855, %swap3A_856, %swap3A_857] {strides = array<i32>} : memref<2x16x32xf32, #tpu.memory_space<vmem>>, vector<16xf32>,
        tpu.vector_store %arg7[%swap3A_855, %swap3A_856, %swap3A_857], %broadcast_in_dim3A_3 {strides = array<i32>} : memref<2x16x32xf32, #tpu.memory_space<vmem>>, vector<16xf32>,
        %slice3A_859 = vector.extract_strided_slice %and3A_668 {offsets = [8], sizes = [1], strides = [1]} : vector<16xi32> to vector<1xi32>
        %squeeze3A_860 = vector.extract %slice3A_859[0] : i32 from vector<1xi32>
        %broadcast_in_dim3A_861 = vector.broadcast %squeeze3A_860 : i32 to vector<16xi32>
        %broadcast_in_dim3A_862 = arith.constant 8 : i32
        %broadcast_in_dim3A_863 = vector.broadcast %broadcast_in_dim3A_862 : i32 to vector<16xi32>
        %gather3A_864 = arith.constant 1 : i32
        %gather3A_865 = arith.constant 0 : i32
        %gather3A_866 = arith.constant 0 : i32
        %gather3A_867 = arith.constant 0 : i32
        %gather3A_868 = tpu.memref_slice %arg6[%gather3A_864, %gather3A_865, %gather3A_866, %gather3A_867] : memref<2x16x16x128xf32, #tpu.memory_space<vmem>> -> memref<1x16x16x128xf32, #tpu.memory_space<vmem>>
        %gather3A_869 = tpu.memref_squeeze %gather3A_868 : memref<1x16x16x128xf32, #tpu.memory_space<vmem>> -> memref<16x16x128xf32, #tpu.memory_space<vmem>>
        %gather3A_870 = tpu.vector_load_idx %gather3A_869[%broadcast_in_dim3A_863, %iota3A, %broadcast_in_dim3A_861] : memref<16x16x128xf32, #tpu.memory_space<vmem>>[vector<16xi32>, vector<16xi32>, vector<16xi32>], vector<16xf32>,
        %swap3A_871 = arith.constant 1 : i32
        %swap3A_872 = arith.constant 8 : i32
        %swap3A_873 = arith.index_cast %swap3A_871 : i32 to index
        %swap3A_874 = arith.index_cast %swap3A_872 : i32 to index
        %swap3A_875 = arith.constant 0 : index
        %swap3A_876 = tpu.vector_load %arg7[%swap3A_873, %swap3A_874, %swap3A_875] {strides = array<i32>} : memref<2x16x32xf32, #tpu.memory_space<vmem>>, vector<16xf32>,
        tpu.vector_store %arg7[%swap3A_873, %swap3A_874, %swap3A_875], %gather3A_870 {strides = array<i32>} : memref<2x16x32xf32, #tpu.memory_space<vmem>>, vector<16xf32>,
        %swap3A_877 = arith.constant 1 : i32
        %swap3A_878 = arith.constant 8 : i32
        %swap3A_879 = arith.index_cast %swap3A_877 : i32 to index
        %swap3A_880 = arith.index_cast %swap3A_878 : i32 to index
        %swap3A_881 = arith.constant 16 : index
        %swap3A_882 = tpu.vector_load %arg7[%swap3A_879, %swap3A_880, %swap3A_881] {strides = array<i32>} : memref<2x16x32xf32, #tpu.memory_space<vmem>>, vector<16xf32>,
        tpu.vector_store %arg7[%swap3A_879, %swap3A_880, %swap3A_881], %broadcast_in_dim3A_3 {strides = array<i32>} : memref<2x16x32xf32, #tpu.memory_space<vmem>>, vector<16xf32>,
        %slice3A_883 = vector.extract_strided_slice %and3A_668 {offsets = [9], sizes = [1], strides = [1]} : vector<16xi32> to vector<1xi32>
        %squeeze3A_884 = vector.extract %slice3A_883[0] : i32 from vector<1xi32>
        %broadcast_in_dim3A_885 = vector.broadcast %squeeze3A_884 : i32 to vector<16xi32>
        %broadcast_in_dim3A_886 = arith.constant 9 : i32
        %broadcast_in_dim3A_887 = vector.broadcast %broadcast_in_dim3A_886 : i32 to vector<16xi32>
        %gather3A_888 = arith.constant 1 : i32
        %gather3A_889 = arith.constant 0 : i32
        %gather3A_890 = arith.constant 0 : i32
        %gather3A_891 = arith.constant 0 : i32
        %gather3A_892 = tpu.memref_slice %arg6[%gather3A_888, %gather3A_889, %gather3A_890, %gather3A_891] : memref<2x16x16x128xf32, #tpu.memory_space<vmem>> -> memref<1x16x16x128xf32, #tpu.memory_space<vmem>>
        %gather3A_893 = tpu.memref_squeeze %gather3A_892 : memref<1x16x16x128xf32, #tpu.memory_space<vmem>> -> memref<16x16x128xf32, #tpu.memory_space<vmem>>
        %gather3A_894 = tpu.vector_load_idx %gather3A_893[%broadcast_in_dim3A_887, %iota3A, %broadcast_in_dim3A_885] : memref<16x16x128xf32, #tpu.memory_space<vmem>>[vector<16xi32>, vector<16xi32>, vector<16xi32>], vector<16xf32>,
        %swap3A_895 = arith.constant 1 : i32
        %swap3A_896 = arith.constant 9 : i32
        %swap3A_897 = arith.index_cast %swap3A_895 : i32 to index
        %swap3A_898 = arith.index_cast %swap3A_896 : i32 to index
        %swap3A_899 = arith.constant 0 : index
        %swap3A_900 = tpu.vector_load %arg7[%swap3A_897, %swap3A_898, %swap3A_899] {strides = array<i32>} : memref<2x16x32xf32, #tpu.memory_space<vmem>>, vector<16xf32>,
        tpu.vector_store %arg7[%swap3A_897, %swap3A_898, %swap3A_899], %gather3A_894 {strides = array<i32>} : memref<2x16x32xf32, #tpu.memory_space<vmem>>, vector<16xf32>,
        %swap3A_901 = arith.constant 1 : i32
        %swap3A_902 = arith.constant 9 : i32
        %swap3A_903 = arith.index_cast %swap3A_901 : i32 to index
        %swap3A_904 = arith.index_cast %swap3A_902 : i32 to index
        %swap3A_905 = arith.constant 16 : index
        %swap3A_906 = tpu.vector_load %arg7[%swap3A_903, %swap3A_904, %swap3A_905] {strides = array<i32>} : memref<2x16x32xf32, #tpu.memory_space<vmem>>, vector<16xf32>,
        tpu.vector_store %arg7[%swap3A_903, %swap3A_904, %swap3A_905], %broadcast_in_dim3A_3 {strides = array<i32>} : memref<2x16x32xf32, #tpu.memory_space<vmem>>, vector<16xf32>,
        %slice3A_907 = vector.extract_strided_slice %and3A_668 {offsets = [10], sizes = [1], strides = [1]} : vector<16xi32> to vector<1xi32>
        %squeeze3A_908 = vector.extract %slice3A_907[0] : i32 from vector<1xi32>
        %broadcast_in_dim3A_909 = vector.broadcast %squeeze3A_908 : i32 to vector<16xi32>
        %broadcast_in_dim3A_910 = arith.constant 10 : i32
        %broadcast_in_dim3A_911 = vector.broadcast %broadcast_in_dim3A_910 : i32 to vector<16xi32>
        %gather3A_912 = arith.constant 1 : i32
        %gather3A_913 = arith.constant 0 : i32
        %gather3A_914 = arith.constant 0 : i32
        %gather3A_915 = arith.constant 0 : i32
        %gather3A_916 = tpu.memref_slice %arg6[%gather3A_912, %gather3A_913, %gather3A_914, %gather3A_915] : memref<2x16x16x128xf32, #tpu.memory_space<vmem>> -> memref<1x16x16x128xf32, #tpu.memory_space<vmem>>
        %gather3A_917 = tpu.memref_squeeze %gather3A_916 : memref<1x16x16x128xf32, #tpu.memory_space<vmem>> -> memref<16x16x128xf32, #tpu.memory_space<vmem>>
        %gather3A_918 = tpu.vector_load_idx %gather3A_917[%broadcast_in_dim3A_911, %iota3A, %broadcast_in_dim3A_909] : memref<16x16x128xf32, #tpu.memory_space<vmem>>[vector<16xi32>, vector<16xi32>, vector<16xi32>], vector<16xf32>,
        %swap3A_919 = arith.constant 1 : i32
        %swap3A_920 = arith.constant 10 : i32
        %swap3A_921 = arith.index_cast %swap3A_919 : i32 to index
        %swap3A_922 = arith.index_cast %swap3A_920 : i32 to index
        %swap3A_923 = arith.constant 0 : index
        %swap3A_924 = tpu.vector_load %arg7[%swap3A_921, %swap3A_922, %swap3A_923] {strides = array<i32>} : memref<2x16x32xf32, #tpu.memory_space<vmem>>, vector<16xf32>,
        tpu.vector_store %arg7[%swap3A_921, %swap3A_922, %swap3A_923], %gather3A_918 {strides = array<i32>} : memref<2x16x32xf32, #tpu.memory_space<vmem>>, vector<16xf32>,
        %swap3A_925 = arith.constant 1 : i32
        %swap3A_926 = arith.constant 10 : i32
        %swap3A_927 = arith.index_cast %swap3A_925 : i32 to index
        %swap3A_928 = arith.index_cast %swap3A_926 : i32 to index
        %swap3A_929 = arith.constant 16 : index
        %swap3A_930 = tpu.vector_load %arg7[%swap3A_927, %swap3A_928, %swap3A_929] {strides = array<i32>} : memref<2x16x32xf32, #tpu.memory_space<vmem>>, vector<16xf32>,
        tpu.vector_store %arg7[%swap3A_927, %swap3A_928, %swap3A_929], %broadcast_in_dim3A_3 {strides = array<i32>} : memref<2x16x32xf32, #tpu.memory_space<vmem>>, vector<16xf32>,
        %slice3A_931 = vector.extract_strided_slice %and3A_668 {offsets = [11], sizes = [1], strides = [1]} : vector<16xi32> to vector<1xi32>
        %squeeze3A_932 = vector.extract %slice3A_931[0] : i32 from vector<1xi32>
        %broadcast_in_dim3A_933 = vector.broadcast %squeeze3A_932 : i32 to vector<16xi32>
        %broadcast_in_dim3A_934 = arith.constant 11 : i32
        %broadcast_in_dim3A_935 = vector.broadcast %broadcast_in_dim3A_934 : i32 to vector<16xi32>
        %gather3A_936 = arith.constant 1 : i32
        %gather3A_937 = arith.constant 0 : i32
        %gather3A_938 = arith.constant 0 : i32
        %gather3A_939 = arith.constant 0 : i32
        %gather3A_940 = tpu.memref_slice %arg6[%gather3A_936, %gather3A_937, %gather3A_938, %gather3A_939] : memref<2x16x16x128xf32, #tpu.memory_space<vmem>> -> memref<1x16x16x128xf32, #tpu.memory_space<vmem>>
        %gather3A_941 = tpu.memref_squeeze %gather3A_940 : memref<1x16x16x128xf32, #tpu.memory_space<vmem>> -> memref<16x16x128xf32, #tpu.memory_space<vmem>>
        %gather3A_942 = tpu.vector_load_idx %gather3A_941[%broadcast_in_dim3A_935, %iota3A, %broadcast_in_dim3A_933] : memref<16x16x128xf32, #tpu.memory_space<vmem>>[vector<16xi32>, vector<16xi32>, vector<16xi32>], vector<16xf32>,
        %swap3A_943 = arith.constant 1 : i32
        %swap3A_944 = arith.constant 11 : i32
        %swap3A_945 = arith.index_cast %swap3A_943 : i32 to index
        %swap3A_946 = arith.index_cast %swap3A_944 : i32 to index
        %swap3A_947 = arith.constant 0 : index
        %swap3A_948 = tpu.vector_load %arg7[%swap3A_945, %swap3A_946, %swap3A_947] {strides = array<i32>} : memref<2x16x32xf32, #tpu.memory_space<vmem>>, vector<16xf32>,
        tpu.vector_store %arg7[%swap3A_945, %swap3A_946, %swap3A_947], %gather3A_942 {strides = array<i32>} : memref<2x16x32xf32, #tpu.memory_space<vmem>>, vector<16xf32>,
        %swap3A_949 = arith.constant 1 : i32
        %swap3A_950 = arith.constant 11 : i32
        %swap3A_951 = arith.index_cast %swap3A_949 : i32 to index
        %swap3A_952 = arith.index_cast %swap3A_950 : i32 to index
        %swap3A_953 = arith.constant 16 : index
        %swap3A_954 = tpu.vector_load %arg7[%swap3A_951, %swap3A_952, %swap3A_953] {strides = array<i32>} : memref<2x16x32xf32, #tpu.memory_space<vmem>>, vector<16xf32>,
        tpu.vector_store %arg7[%swap3A_951, %swap3A_952, %swap3A_953], %broadcast_in_dim3A_3 {strides = array<i32>} : memref<2x16x32xf32, #tpu.memory_space<vmem>>, vector<16xf32>,
        %slice3A_955 = vector.extract_strided_slice %and3A_668 {offsets = [12], sizes = [1], strides = [1]} : vector<16xi32> to vector<1xi32>
        %squeeze3A_956 = vector.extract %slice3A_955[0] : i32 from vector<1xi32>
        %broadcast_in_dim3A_957 = vector.broadcast %squeeze3A_956 : i32 to vector<16xi32>
        %broadcast_in_dim3A_958 = arith.constant 12 : i32
        %broadcast_in_dim3A_959 = vector.broadcast %broadcast_in_dim3A_958 : i32 to vector<16xi32>
        %gather3A_960 = arith.constant 1 : i32
        %gather3A_961 = arith.constant 0 : i32
        %gather3A_962 = arith.constant 0 : i32
        %gather3A_963 = arith.constant 0 : i32
        %gather3A_964 = tpu.memref_slice %arg6[%gather3A_960, %gather3A_961, %gather3A_962, %gather3A_963] : memref<2x16x16x128xf32, #tpu.memory_space<vmem>> -> memref<1x16x16x128xf32, #tpu.memory_space<vmem>>
        %gather3A_965 = tpu.memref_squeeze %gather3A_964 : memref<1x16x16x128xf32, #tpu.memory_space<vmem>> -> memref<16x16x128xf32, #tpu.memory_space<vmem>>
        %gather3A_966 = tpu.vector_load_idx %gather3A_965[%broadcast_in_dim3A_959, %iota3A, %broadcast_in_dim3A_957] : memref<16x16x128xf32, #tpu.memory_space<vmem>>[vector<16xi32>, vector<16xi32>, vector<16xi32>], vector<16xf32>,
        %swap3A_967 = arith.constant 1 : i32
        %swap3A_968 = arith.constant 12 : i32
        %swap3A_969 = arith.index_cast %swap3A_967 : i32 to index
        %swap3A_970 = arith.index_cast %swap3A_968 : i32 to index
        %swap3A_971 = arith.constant 0 : index
        %swap3A_972 = tpu.vector_load %arg7[%swap3A_969, %swap3A_970, %swap3A_971] {strides = array<i32>} : memref<2x16x32xf32, #tpu.memory_space<vmem>>, vector<16xf32>,
        tpu.vector_store %arg7[%swap3A_969, %swap3A_970, %swap3A_971], %gather3A_966 {strides = array<i32>} : memref<2x16x32xf32, #tpu.memory_space<vmem>>, vector<16xf32>,
        %swap3A_973 = arith.constant 1 : i32
        %swap3A_974 = arith.constant 12 : i32
        %swap3A_975 = arith.index_cast %swap3A_973 : i32 to index
        %swap3A_976 = arith.index_cast %swap3A_974 : i32 to index
        %swap3A_977 = arith.constant 16 : index
        %swap3A_978 = tpu.vector_load %arg7[%swap3A_975, %swap3A_976, %swap3A_977] {strides = array<i32>} : memref<2x16x32xf32, #tpu.memory_space<vmem>>, vector<16xf32>,
        tpu.vector_store %arg7[%swap3A_975, %swap3A_976, %swap3A_977], %broadcast_in_dim3A_3 {strides = array<i32>} : memref<2x16x32xf32, #tpu.memory_space<vmem>>, vector<16xf32>,
        %slice3A_979 = vector.extract_strided_slice %and3A_668 {offsets = [13], sizes = [1], strides = [1]} : vector<16xi32> to vector<1xi32>
        %squeeze3A_980 = vector.extract %slice3A_979[0] : i32 from vector<1xi32>
        %broadcast_in_dim3A_981 = vector.broadcast %squeeze3A_980 : i32 to vector<16xi32>
        %broadcast_in_dim3A_982 = arith.constant 13 : i32
        %broadcast_in_dim3A_983 = vector.broadcast %broadcast_in_dim3A_982 : i32 to vector<16xi32>
        %gather3A_984 = arith.constant 1 : i32
        %gather3A_985 = arith.constant 0 : i32
        %gather3A_986 = arith.constant 0 : i32
        %gather3A_987 = arith.constant 0 : i32
        %gather3A_988 = tpu.memref_slice %arg6[%gather3A_984, %gather3A_985, %gather3A_986, %gather3A_987] : memref<2x16x16x128xf32, #tpu.memory_space<vmem>> -> memref<1x16x16x128xf32, #tpu.memory_space<vmem>>
        %gather3A_989 = tpu.memref_squeeze %gather3A_988 : memref<1x16x16x128xf32, #tpu.memory_space<vmem>> -> memref<16x16x128xf32, #tpu.memory_space<vmem>>
        %gather3A_990 = tpu.vector_load_idx %gather3A_989[%broadcast_in_dim3A_983, %iota3A, %broadcast_in_dim3A_981] : memref<16x16x128xf32, #tpu.memory_space<vmem>>[vector<16xi32>, vector<16xi32>, vector<16xi32>], vector<16xf32>,
        %swap3A_991 = arith.constant 1 : i32
        %swap3A_992 = arith.constant 13 : i32
        %swap3A_993 = arith.index_cast %swap3A_991 : i32 to index
        %swap3A_994 = arith.index_cast %swap3A_992 : i32 to index
        %swap3A_995 = arith.constant 0 : index
        %swap3A_996 = tpu.vector_load %arg7[%swap3A_993, %swap3A_994, %swap3A_995] {strides = array<i32>} : memref<2x16x32xf32, #tpu.memory_space<vmem>>, vector<16xf32>,
        tpu.vector_store %arg7[%swap3A_993, %swap3A_994, %swap3A_995], %gather3A_990 {strides = array<i32>} : memref<2x16x32xf32, #tpu.memory_space<vmem>>, vector<16xf32>,
        %swap3A_997 = arith.constant 1 : i32
        %swap3A_998 = arith.constant 13 : i32
        %swap3A_999 = arith.index_cast %swap3A_997 : i32 to index
        %swap3A_1000 = arith.index_cast %swap3A_998 : i32 to index
        %swap3A_1001 = arith.constant 16 : index
        %swap3A_1002 = tpu.vector_load %arg7[%swap3A_999, %swap3A_1000, %swap3A_1001] {strides = array<i32>} : memref<2x16x32xf32, #tpu.memory_space<vmem>>, vector<16xf32>,
        tpu.vector_store %arg7[%swap3A_999, %swap3A_1000, %swap3A_1001], %broadcast_in_dim3A_3 {strides = array<i32>} : memref<2x16x32xf32, #tpu.memory_space<vmem>>, vector<16xf32>,
        %slice3A_1003 = vector.extract_strided_slice %and3A_668 {offsets = [14], sizes = [1], strides = [1]} : vector<16xi32> to vector<1xi32>
        %squeeze3A_1004 = vector.extract %slice3A_1003[0] : i32 from vector<1xi32>
        %broadcast_in_dim3A_1005 = vector.broadcast %squeeze3A_1004 : i32 to vector<16xi32>
        %broadcast_in_dim3A_1006 = arith.constant 14 : i32
        %broadcast_in_dim3A_1007 = vector.broadcast %broadcast_in_dim3A_1006 : i32 to vector<16xi32>
        %gather3A_1008 = arith.constant 1 : i32
        %gather3A_1009 = arith.constant 0 : i32
        %gather3A_1010 = arith.constant 0 : i32
        %gather3A_1011 = arith.constant 0 : i32
        %gather3A_1012 = tpu.memref_slice %arg6[%gather3A_1008, %gather3A_1009, %gather3A_1010, %gather3A_1011] : memref<2x16x16x128xf32, #tpu.memory_space<vmem>> -> memref<1x16x16x128xf32, #tpu.memory_space<vmem>>
        %gather3A_1013 = tpu.memref_squeeze %gather3A_1012 : memref<1x16x16x128xf32, #tpu.memory_space<vmem>> -> memref<16x16x128xf32, #tpu.memory_space<vmem>>
        %gather3A_1014 = tpu.vector_load_idx %gather3A_1013[%broadcast_in_dim3A_1007, %iota3A, %broadcast_in_dim3A_1005] : memref<16x16x128xf32, #tpu.memory_space<vmem>>[vector<16xi32>, vector<16xi32>, vector<16xi32>], vector<16xf32>,
        %swap3A_1015 = arith.constant 1 : i32
        %swap3A_1016 = arith.constant 14 : i32
        %swap3A_1017 = arith.index_cast %swap3A_1015 : i32 to index
        %swap3A_1018 = arith.index_cast %swap3A_1016 : i32 to index
        %swap3A_1019 = arith.constant 0 : index
        %swap3A_1020 = tpu.vector_load %arg7[%swap3A_1017, %swap3A_1018, %swap3A_1019] {strides = array<i32>} : memref<2x16x32xf32, #tpu.memory_space<vmem>>, vector<16xf32>,
        tpu.vector_store %arg7[%swap3A_1017, %swap3A_1018, %swap3A_1019], %gather3A_1014 {strides = array<i32>} : memref<2x16x32xf32, #tpu.memory_space<vmem>>, vector<16xf32>,
        %swap3A_1021 = arith.constant 1 : i32
        %swap3A_1022 = arith.constant 14 : i32
        %swap3A_1023 = arith.index_cast %swap3A_1021 : i32 to index
        %swap3A_1024 = arith.index_cast %swap3A_1022 : i32 to index
        %swap3A_1025 = arith.constant 16 : index
        %swap3A_1026 = tpu.vector_load %arg7[%swap3A_1023, %swap3A_1024, %swap3A_1025] {strides = array<i32>} : memref<2x16x32xf32, #tpu.memory_space<vmem>>, vector<16xf32>,
        tpu.vector_store %arg7[%swap3A_1023, %swap3A_1024, %swap3A_1025], %broadcast_in_dim3A_3 {strides = array<i32>} : memref<2x16x32xf32, #tpu.memory_space<vmem>>, vector<16xf32>,
        %slice3A_1027 = vector.extract_strided_slice %and3A_668 {offsets = [15], sizes = [1], strides = [1]} : vector<16xi32> to vector<1xi32>
        %squeeze3A_1028 = vector.extract %slice3A_1027[0] : i32 from vector<1xi32>
        %broadcast_in_dim3A_1029 = vector.broadcast %squeeze3A_1028 : i32 to vector<16xi32>
        %broadcast_in_dim3A_1030 = arith.constant 15 : i32
        %broadcast_in_dim3A_1031 = vector.broadcast %broadcast_in_dim3A_1030 : i32 to vector<16xi32>
        %gather3A_1032 = arith.constant 1 : i32
        %gather3A_1033 = arith.constant 0 : i32
        %gather3A_1034 = arith.constant 0 : i32
        %gather3A_1035 = arith.constant 0 : i32
        %gather3A_1036 = tpu.memref_slice %arg6[%gather3A_1032, %gather3A_1033, %gather3A_1034, %gather3A_1035] : memref<2x16x16x128xf32, #tpu.memory_space<vmem>> -> memref<1x16x16x128xf32, #tpu.memory_space<vmem>>
        %gather3A_1037 = tpu.memref_squeeze %gather3A_1036 : memref<1x16x16x128xf32, #tpu.memory_space<vmem>> -> memref<16x16x128xf32, #tpu.memory_space<vmem>>
        %gather3A_1038 = tpu.vector_load_idx %gather3A_1037[%broadcast_in_dim3A_1031, %iota3A, %broadcast_in_dim3A_1029] : memref<16x16x128xf32, #tpu.memory_space<vmem>>[vector<16xi32>, vector<16xi32>, vector<16xi32>], vector<16xf32>,
        %swap3A_1039 = arith.constant 1 : i32
        %swap3A_1040 = arith.constant 15 : i32
        %swap3A_1041 = arith.index_cast %swap3A_1039 : i32 to index
        %swap3A_1042 = arith.index_cast %swap3A_1040 : i32 to index
        %swap3A_1043 = arith.constant 0 : index
        %swap3A_1044 = tpu.vector_load %arg7[%swap3A_1041, %swap3A_1042, %swap3A_1043] {strides = array<i32>} : memref<2x16x32xf32, #tpu.memory_space<vmem>>, vector<16xf32>,
        tpu.vector_store %arg7[%swap3A_1041, %swap3A_1042, %swap3A_1043], %gather3A_1038 {strides = array<i32>} : memref<2x16x32xf32, #tpu.memory_space<vmem>>, vector<16xf32>,
        %swap3A_1045 = arith.constant 1 : i32
        %swap3A_1046 = arith.constant 15 : i32
        %swap3A_1047 = arith.index_cast %swap3A_1045 : i32 to index
        %swap3A_1048 = arith.index_cast %swap3A_1046 : i32 to index
        %swap3A_1049 = arith.constant 16 : index
        %swap3A_1050 = tpu.vector_load %arg7[%swap3A_1047, %swap3A_1048, %swap3A_1049] {strides = array<i32>} : memref<2x16x32xf32, #tpu.memory_space<vmem>>, vector<16xf32>,
        tpu.vector_store %arg7[%swap3A_1047, %swap3A_1048, %swap3A_1049], %broadcast_in_dim3A_3 {strides = array<i32>} : memref<2x16x32xf32, #tpu.memory_space<vmem>>, vector<16xf32>,
        %add3A_1051 = arith.addi %mul3A_2, %mul3A_663 : i32
        %dma_start3A_1052 = arith.constant 1 : i32
        %dma_start3A_1053 = arith.constant 0 : i32
        %dma_start3A_1054 = arith.constant 0 : i32
        %dma_start3A_1055 = tpu.memref_slice %arg7[%dma_start3A_1052, %dma_start3A_1053, %dma_start3A_1054] : memref<2x16x32xf32, #tpu.memory_space<vmem>> -> memref<1x16x32xf32, #tpu.memory_space<vmem>>
        %dma_start3A_1056 = tpu.memref_squeeze %dma_start3A_1055 : memref<1x16x32xf32, #tpu.memory_space<vmem>> -> memref<16x32xf32, #tpu.memory_space<vmem>>
        %dma_start3A_1057 = arith.constant 0 : i32
        %dma_start3A_1058 = tpu.memref_slice %arg4[%add3A_1051, %dma_start3A_1057] : memref<16384x32xf32, #tpu.memory_space<hbm>> -> memref<16x32xf32, #tpu.memory_space<hbm>>
        %dma_start3A_1059 = arith.constant 0 : i32
        %dma_start3A_1060 = tpu.memref_slice %arg4[%add3A_1051, %dma_start3A_1059] : memref<16384x32xf32, #tpu.memory_space<hbm>> -> memref<16x32xf32, #tpu.memory_space<hbm>>
        %dma_start3A_1061 = arith.constant 0 : i32
        %dma_start3A_1062 = arith.constant 0 : i32
        %dma_start3A_1063 = tpu.memref_slice %arg7[%dma_start3A_1052, %dma_start3A_1061, %dma_start3A_1062] : memref<2x16x32xf32, #tpu.memory_space<vmem>> -> memref<1x16x32xf32, #tpu.memory_space<vmem>>
        %dma_start3A_1064 = tpu.memref_squeeze %dma_start3A_1063 : memref<1x16x32xf32, #tpu.memory_space<vmem>> -> memref<16x32xf32, #tpu.memory_space<vmem>>
        tpu.enqueue_dma source(%dma_start3A_1064 : memref<16x32xf32, #tpu.memory_space<vmem>>) target(%dma_start3A_1060 : memref<16x32xf32, #tpu.memory_space<hbm>>) target_semaphore(%arg11 : memref<!tpu.dma_semaphore, #tpu.memory_space<semaphore_mem>>)
      } else {
      }
    }
    %scan3A_338 = arith.constant 32 : i32
    %dma_wait3A = arith.constant 0 : i32
    %dma_wait3A_339 = arith.constant 0 : i32
    %dma_wait3A_340 = arith.constant 0 : i32
    %dma_wait3A_341 = tpu.memref_slice %arg7[%dma_wait3A, %dma_wait3A_339, %dma_wait3A_340] : memref<2x16x32xf32, #tpu.memory_space<vmem>> -> memref<1x16x32xf32, #tpu.memory_space<vmem>>
    %dma_wait3A_342 = tpu.memref_squeeze %dma_wait3A_341 : memref<1x16x32xf32, #tpu.memory_space<vmem>> -> memref<16x32xf32, #tpu.memory_space<vmem>>
    %dma_wait3A_343 = arith.constant 0 : i32
    %dma_wait3A_344 = tpu.memref_slice %arg4[%mul3A_2, %dma_wait3A_343] : memref<16384x32xf32, #tpu.memory_space<hbm>> -> memref<16x32xf32, #tpu.memory_space<hbm>>
    %dma_wait3A_345 = arith.constant 0 : i32
    %dma_wait3A_346 = arith.constant 0 : i32
    %dma_wait3A_347 = tpu.memref_slice %arg7[%dma_wait3A, %dma_wait3A_345, %dma_wait3A_346] : memref<2x16x32xf32, #tpu.memory_space<vmem>> -> memref<1x16x32xf32, #tpu.memory_space<vmem>>
    %dma_wait3A_348 = tpu.memref_squeeze %dma_wait3A_347 : memref<1x16x32xf32, #tpu.memory_space<vmem>> -> memref<16x32xf32, #tpu.memory_space<vmem>>
    %dma_wait3A_349 = arith.constant 0 : i32
    %dma_wait3A_350 = tpu.memref_slice %arg4[%mul3A_2, %dma_wait3A_349] : memref<16384x32xf32, #tpu.memory_space<hbm>> -> memref<16x32xf32, #tpu.memory_space<hbm>>
    tpu.wait_dma2 semaphore(%arg10 : memref<!tpu.dma_semaphore, #tpu.memory_space<semaphore_mem>>) src(%dma_wait3A_350 : memref<16x32xf32, #tpu.memory_space<hbm>>) dst(%dma_wait3A_348 : memref<16x32xf32, #tpu.memory_space<vmem>>)
    %dma_wait3A_351 = arith.constant 0 : i32
    %dma_wait3A_352 = arith.constant 0 : i32
    %dma_wait3A_353 = arith.constant 0 : i32
    %dma_wait3A_354 = tpu.memref_slice %arg7[%dma_wait3A_351, %dma_wait3A_352, %dma_wait3A_353] : memref<2x16x32xf32, #tpu.memory_space<vmem>> -> memref<1x16x32xf32, #tpu.memory_space<vmem>>
    %dma_wait3A_355 = tpu.memref_squeeze %dma_wait3A_354 : memref<1x16x32xf32, #tpu.memory_space<vmem>> -> memref<16x32xf32, #tpu.memory_space<vmem>>
    %dma_wait3A_356 = arith.constant 0 : i32
    %dma_wait3A_357 = tpu.memref_slice %arg4[%mul3A_2, %dma_wait3A_356] : memref<16384x32xf32, #tpu.memory_space<hbm>> -> memref<16x32xf32, #tpu.memory_space<hbm>>
    %dma_wait3A_358 = arith.constant 0 : i32
    %dma_wait3A_359 = arith.constant 0 : i32
    %dma_wait3A_360 = tpu.memref_slice %arg7[%dma_wait3A_351, %dma_wait3A_358, %dma_wait3A_359] : memref<2x16x32xf32, #tpu.memory_space<vmem>> -> memref<1x16x32xf32, #tpu.memory_space<vmem>>
    %dma_wait3A_361 = tpu.memref_squeeze %dma_wait3A_360 : memref<1x16x32xf32, #tpu.memory_space<vmem>> -> memref<16x32xf32, #tpu.memory_space<vmem>>
    %dma_wait3A_362 = arith.constant 0 : i32
    %dma_wait3A_363 = tpu.memref_slice %arg4[%mul3A_2, %dma_wait3A_362] : memref<16384x32xf32, #tpu.memory_space<hbm>> -> memref<16x32xf32, #tpu.memory_space<hbm>>
    tpu.wait_dma2 semaphore(%arg11 : memref<!tpu.dma_semaphore, #tpu.memory_space<semaphore_mem>>) src(%dma_wait3A_363 : memref<16x32xf32, #tpu.memory_space<hbm>>) dst(%dma_wait3A_361 : memref<16x32xf32, #tpu.memory_space<vmem>>)
    return
  }
}

</mosaic_0001>

<sc_bundles>
// kernel: kernel.3.cloned.1.call-start
scs
__scs_entry_jumppad:
0x0: {  	(pc) =	sbr.rel $0x88, $3  }
0x1: {  	(tag) =	ssettag $0x0;
	lr =	simm.s32 $0x1  }
0x2: {  	[smem:$0x3F9F] =	sst lr;
	_ =	strace $0xD0000000  }
0x3: {  	_ = 	snop  }
0x4: {  	_ = 	snop  }
0x5: {  	_ = 	snop  }
0x6: {  	_ = 	snop  }
0x7: {  	_ = 	snop  }
__scs_overlays_trampoline_lowered:
0x8: {  	[smem:$0x3FAE] =	sst s0  }
0x9: {  	[smem:$0x3FAF] =	sst s1  }
0xa: {  	[smem:$0x3FB0] =	sst s2  }
0xb: {  	[smem:$0x3FB1] =	sst s3  }
0xc: {  	[smem:$0x3FB2] =	sst s4  }
0xd: {  	[smem:$0x3FB3] =	sst s5  }
0xe: {  	[smem:$0x3FB4] =	sst s6  }
0xf: {  	[smem:$0x3FB5] =	sst s7  }
0x10: {  	[smem:$0x3FB6] =	sst s8  }
0x11: {  	[smem:$0x3FB7] =	sst s9;
	s0 =	simm.s32 @!p0 $0x0  }
0x12: {  	s1 =	sld [smem:$0x3F9D];
	s0 =	simm.s32 @p0 $0x1  }
0x13: {  	[smem:$0x3FB8] =	sst s0;
	s0 =	simm.s32 @!p1 $0x0  }
0x14: {  	s2 =	sld [smem:$0x3F9C];
	s0 =	simm.s32 @p1 $0x1  }
0x15: {  	[smem:$0x3FB9] =	sst s0;
	s0 =	simm.s32 @!p2 $0x0  }
0x16: {  	s3 =	sld [smem:$0x3FDB];
	s0 =	simm.s32 @p2 $0x1  }
0x17: {  	s4 =	simm.s32 $0x1BF5;
	[smem:$0x3FBB] =	sst s0  }
0x18: {  	s0 =	sld [smem:$0x3F9E];
	_ =	swait.ge [sflag:s4], $0x0  }
0x19: {  	s7 =	sld [smem:$0x3F9F]  }
0x1a: {  	s8 =	sadd.s32 $0xFFFFE003, lr  }
0x1b: {  	s9 =	sadd.s32 $0xFFFFFEF7, lr;
	s5 =	simm.s32 $0xFFFFFFFF;
	p2 =	slt.u32 s8, $0xFFFFF086  }
0x1c: {  	p1 =	slt.u32 s9, $0xF7A;
	s5 =	simm.s32 @!p2 $0x0  }
0x1d: {  	s5 =	simm.s32 @p1 $0x1;
	p0 =	seq.s32 s7, s2  }
0x1e: {  	s7 =	smul.u32 @!p0 $0xF7A, s2;
	p2 =	seq.s32 @!p0 s5, $0x0  }
0x1f: {  	s9 =	smul.u32 $0xF7A, s1;
	s8 =	simm.s32 @!p0 $0x1BF5;
	p2 =	por !p2, p0  }
0x20: {  	[sflag:s8] =	ssyncset.s32 @!p0 $0xFFFFF086;
	s6 =	sadd.s32 @!p0 s3, s7;
	s7 =	simm.s32 @!p0 $0x108  }
0x21: {  	s3 =	sadd.s32 s3, s9;
	s6 =	sadd.s32 @!p0 $0x88, s6;
	s7 =	simm.s32 @p2 $0x1082  }
0x22: {  	[simem:s7], [sflag:s8] =	dma.local @!p0 [hbm:s6], $0xF7A  }
0x23: {  	s9 =	sor.u32 $0xD0000000, s2;
	s6 =	simm.s32 $0x108;
	_ =	swait.ge @!p0 [sflag:s8], $0x0  }
0x24: {  	s3 =	sadd.s32 $0x88, s3;
	s6 =	simm.s32 @!p1 $0x1082;
	[sflag:s4] =	ssyncset.s32 $0xFFFFF086  }
0x25: {  	[simem:s6], [sflag:s4] =	dma.local [hbm:s3], $0xF7A  }
0x26: {  	[smem:$0x3F9F] =	sst s1;
	(tag) =	ssettag s2;
	_ =	strace s9  }
0x27: {  	s1 =	sld [smem:$0x3FAF]  }
0x28: {  	s2 =	sld [smem:$0x3FB0]  }
0x29: {  	s4 =	sld [smem:$0x3FB2]  }
0x2a: {  	p0 =	seq.s32 s5, $0x0;
	s5 =	sld [smem:$0x3FB3]  }
0x2b: {  	s6 =	sld [smem:$0x3FB4]  }
0x2c: {  	s7 =	sld [smem:$0x3FB5]  }
0x2d: {  	s3 =	simm.s32 $0x108;
	s8 =	sld [smem:$0x3FB6]  }
0x2e: {  	s3 =	simm.s32 @!p0 $0x1082;
	s9 =	sld [smem:$0x3FB7]  }
0x2f: {  	lr =	sadd.s32 s0, s3;
	s0 =	sld [smem:$0x3FAE]  }
0x30: {  	s3 =	sld [smem:$0x3FB1]  }
0x31: {  	[smem:$0x3FBA] =	sst s10  }
0x32: {  	s10 =	sld [smem:$0x3FB8];
	_ =	sdelay $0x3  }
0x33: {  	p0 =	seq.s32 s10, $0x1;
	s10 =	sld [smem:$0x3FBA];
	_ =	sdelay $0x3  }
0x34: {  	[smem:$0x3FBA] =	sst s10  }
0x35: {  	s10 =	sld [smem:$0x3FB9];
	_ =	sdelay $0x3  }
0x36: {  	p1 =	seq.s32 s10, $0x1;
	s10 =	sld [smem:$0x3FBA];
	_ =	sdelay $0x3  }
0x37: {  	[smem:$0x3FBA] =	sst s10  }
0x38: {  	s10 =	sld [smem:$0x3FBB]  }
0x39: {  	_ = 	snop;
	(pc) =	sbr.ind lr, $3  }
0x3a: {  	_ = 	snop  }
0x3b: {  	_ = 	snop  }
0x3c: {  	p2 =	seq.s32 s10, $0x1;
	s10 =	sld [smem:$0x3FBA]  }
0x3d: {  	_ =	shalt  }
0x3e: {  	_ =	shalt  }
0x3f: {  	_ =	shalt  }
0x40: {  	_ =	shalt  }
0x41: {  	_ =	shalt  }
0x42: {  	_ =	shalt  }
0x43: {  	_ =	shalt  }
0x44: {  	_ =	shalt  }
0x45: {  	_ =	shalt  }
0x46: {  	_ =	shalt  }
0x47: {  	_ =	shalt  }
0x48: {  	_ =	shalt  }
0x49: {  	_ =	shalt  }
0x4a: {  	_ =	shalt  }
0x4b: {  	_ =	shalt  }
0x4c: {  	_ =	shalt  }
0x4d: {  	_ =	shalt  }
0x4e: {  	_ =	shalt  }
0x4f: {  	_ =	shalt  }
0x50: {  	_ =	shalt  }
0x51: {  	_ =	shalt  }
0x52: {  	_ =	shalt  }
0x53: {  	_ =	shalt  }
0x54: {  	_ =	shalt  }
0x55: {  	_ =	shalt  }
0x56: {  	_ =	shalt  }
0x57: {  	_ =	shalt  }
0x58: {  	_ =	shalt  }
0x59: {  	_ =	shalt  }
0x5a: {  	_ =	shalt  }
0x5b: {  	_ =	shalt  }
0x5c: {  	_ =	shalt  }
0x5d: {  	_ =	shalt  }
0x5e: {  	_ =	shalt  }
0x5f: {  	_ =	shalt  }
0x60: {  	_ =	shalt  }
0x61: {  	_ =	shalt  }
0x62: {  	_ =	shalt  }
0x63: {  	_ =	shalt  }
0x64: {  	_ =	shalt  }
0x65: {  	_ =	shalt  }
0x66: {  	_ =	shalt  }
0x67: {  	_ =	shalt  }
0x68: {  	_ =	shalt  }
0x69: {  	_ =	shalt  }
0x6a: {  	_ =	shalt  }
0x6b: {  	_ =	shalt  }
0x6c: {  	_ =	shalt  }
0x6d: {  	_ =	shalt  }
0x6e: {  	_ =	shalt  }
0x6f: {  	_ =	shalt  }
0x70: {  	_ =	shalt  }
0x71: {  	_ =	shalt  }
0x72: {  	_ =	shalt  }
0x73: {  	_ =	shalt  }
0x74: {  	_ =	shalt  }
0x75: {  	_ =	shalt  }
0x76: {  	_ =	shalt  }
0x77: {  	_ =	shalt  }
0x78: {  	_ =	shalt  }
0x79: {  	_ =	shalt  }
0x7a: {  	_ =	shalt  }
0x7b: {  	_ =	shalt  }
0x7c: {  	_ =	shalt  }
0x7d: {  	_ =	shalt  }
0x7e: {  	_ =	shalt  }
0x7f: {  	_ =	shalt  }
0x80: {  	_ =	shalt  }
0x81: {  	_ =	shalt  }
0x82: {  	_ =	shalt  }
0x83: {  	_ =	shalt  }
0x84: {  	_ =	shalt  }
0x85: {  	_ =	shalt  }
0x86: {  	_ =	shalt  }
0x87: {  	_ =	shalt  }
.Lfunc_end0:
.L_simem_size_0:
called_computation_lowered:
.L_overlay_start_0:
0x88: {  	s2 =	sld [smem:$0x3FD9]  }
0x89: {  	s3 =	sld [smem:$0x3FFE];
	_ =	sdelay $0x1  }
0x8a: {  	s1 =	srdreg.scid  }
0x8b: {  	s0 =	sand.u32 $0x1, s1  }
0x8c: {  	s17 =	sshll.u32 s0, $0xA;
	s2 =	sadd.s32 s3, s2  }
0x8d: {  	s2 =	sadd.s32 s2, s17  }
0x8e: {  	[smem:$0x3FC6] =	sst s2  }
0x8f: {  	_ = 	snop  }
0x90: {  	s2 =	sld [smem:$0x3FC9]  }
0x91: {  	s18 =	sld [smem:$0x3FC8];
	(tm) =	ssettm $0x1  }
0x92: {  	s4 =	sld [smem:$0x3FFB];
	_ =	sdelay $0x3  }
0x93: {  	_ =	strace s4  }
0x94: {  	s4 =	sld [smem:$0x3FFC];
	_ =	sdelay $0x3  }
0x95: {  	_ =	strace s4  }
0x96: {  	s4 =	sld [smem:$0x3FFD];
	_ =	sdelay $0x3  }
0x97: {  	_ =	strace s4  }
0x98: {  	_ =	strace $0x8FFFFFFF  }
0x99: {  	s19 =	sld [smem:$0x3FDB];
	_ =	sdelay $0x1  }
0x9a: {  	s5 =	simm.s32 $_scs_section_size  }
0x9b: {  	s6 =	simm.s32 $_size__tile_overlayer_lowered;
	s7 =	simm.s32 $_tile_overlayer_lowered  }
0x9c: {  	s22 =	simm.s32 $0x1BFF;
	s21 =	sshll.u32 s7, $0x1;
	s4 =	sadd.s32 s5, s19  }
0x9d: {  	s8 =	simm.s32 $0x0;
	s20 =	sshll.u32 s6, $0x1;
	s6 =	sadd.s32 s21, s4  }
0x9e: {  	[timem:s8], [sflag:s22] =	dma.local [hbm:s6], s20  }
0x9f: {  	_ =	swait.ge [sflag:s22], s20  }
0xa0: {  	s5 =	ssub.s32 $0x0, s20;
	[sflag:s22] =	ssyncset.done $0x0  }
0xa1: {  	[sflag:s22] =	ssyncadd.s32 s5;
	_ =	sdelay $0x1  }
0xa2: {  	s23 =	simm.s32 $0x1B8B  }
0xa3: {  	_ =	swait.ge [sflag:s23], $0x1  }
0xa4: {  	[sflag:s23] =	ssyncset.done $0x0  }
0xa5: {  	s25 =	simm.s32 $0x1B8E;
	s24 =	sld [smem:$0x3FFE];
	[sflag:s23] =	ssyncadd.s32 $0xFFFFFFFF  }
0xa6: {  	s26 =	simm.s32 $execute0_lowered;
	[smem:$0x3FD2] =	sst s25  }
0xa7: {  	s6 =	sshll.u32 s26, $0x1;
	_ =	strace $0x80000046;
	[dreg:$0x1] =	wrdreg $0xFFFFFFFF  }
0xa8: {  	s28 =	simm.s32 $_size_execute0_lowered;
	s4 =	sadd.s32 s4, s6;
	[dreg:$0x0] =	wrdreg $0x0  }
0xa9: {  	s6 =	sshll.u32 s28, $0x1;
	[dreg:$0x2] =	wrdreg s4  }
0xaa: {  	[dreg:$0x3] =	wrdreg s6  }
0xab: {  	[dreg:$0x4] =	wrdreg $0xC0  }
0xac: {  	_ =	task [dreg:s8], $0x5FFFF  }
0xad: {  	[dreg:$0x1] =	wrdreg $0xFFFFFFFF  }
0xae: {  	[dreg:$0x0] =	wrdreg $0x60  }
0xaf: {  	[dreg:$0x2] =	wrdreg s2  }
0xb0: {  	[dreg:$0x3] =	wrdreg s18  }
0xb1: {  	[dreg:$0x4] =	wrdreg s24  }
0xb2: {  	[dreg:$0x5] =	wrdreg $0x9  }
0xb3: {  	_ =	task.clear_ibuf [dreg:s8], $0x6FFFF;
	_ =	strace $0x90000046  }
0xb4: {  	s29 =	simm.s32 $0x9;
	_ =	strace $0x80000048  }
0xb5: {  	_ =	swait.ge [sflag:s29], $0x1  }
0xb6: {  	[sflag:s29] =	ssyncadd.s32 $0xFFFFFFFF  }
0xb7: {  	_ =	strace $0x90000048  }
0xb8: {  	_ =	sfence  }
0xb9: {  	s30 =	sld [smem:$0x0];
	_ =	sdelay $0x2  }
0xba: {  	s31 =	sshll.u32 s1, $0xD;
	s1 =	sshrl.u32 s1, $0x2  }
0xbb: {  	s3 =	sand.u32 $0x4000, s31;
	s1 =	sadd.s32 s1, s30  }
0xbc: {  	s0 =	sor.u32 s3, s0;
	s1 =	sshll.u32 s1, $0x11  }
0xbd: {  	s0 =	sor.u32 s1, s0  }
0xbe: {  	s0 =	sadd.s32 $0x8F2B, s0  }
0xbf: {  	[sflag:s0] =	ssyncadd.remote.s32 $0x1  }
0xc0: {  	_ =	sfence.sel $0xFFFF  }
0xc1: {  	[dreg:$0x0] =	wrdreg $0xFFFFFFFF;
	(pc) =	sbr.abs _section_cstart, $3  }
0xc2: {  	[dreg:$0x1] =	wrdreg $0xFFFFFFFF  }
0xc3: {  	_ =	task.clear_ibuf [dreg:s8], $0x2FFFF;
	_ =	strace $0x9FFFFFFF  }
0xc4: {  	(tm) =	ssettm $0x7FFFFFFF  }
0xc5: {  	_ =	shalt  }
tec
execute0_lowered:
.L_overlay_start_1:
0x0: {  	(tag) =	ssettag $0x1  }
0x1: {  	s0 =	rddreg [dreg:$0x0]  }
0x2: {  	s2 =	rddreg [dreg:$0x1]  }
0x3: {  	s1 =	rddreg [dreg:$0x2]  }
0x4: {  	s3 =	simm.s32 $0x0;
	s6 =	stileid.u32;
	s5 =	srdreg.scid  }
0x5: {  	s9 =	simm.s32 $0x7A1400;
	s10 =	simm.s32 $0x200;
	s11 =	simm.s32 $0xA00  }
0x6: {  	s12 =	simm.s32 $0x1200;
	s13 =	simm.s32 $0x1A00;
	s14 =	simm.s32 $0x2200  }
0x7: {  	s15 =	simm.s32 $0x2A00;
	s16 =	simm.s32 $0x3200;
	s17 =	simm.s32 $0x3A00  }
0x8: {  	s18 =	simm.s32 $0x4200;
	s19 =	simm.s32 $0x4A00;
	s20 =	simm.s32 $0x5200  }
0x9: {  	s21 =	simm.s32 $0x5A00;
	s22 =	simm.s32 $0x6200;
	s23 =	simm.s32 $0x6A00  }
0xa: {  	s24 =	simm.s32 $0x7200;
	s25 =	simm.s32 $0x7A00;
	s26 =	simm.s32 $0x8200  }
0xb: {  	s28 =	simm.s32 $0x0;
	[smem:$0x7FF] =	sst s3;
	s4 =	sshll.u32 s6, $0xE  }
0xc: {  	v0 =	vlaneseq.u32;
	s29 =	sand.u32 $0x1, s5;
	s6 =	sshll.u32 s6, $0xA;
	_ =	strace $0x80000047  }
0xd: {  	v0 =	vmul.u32 $0x80, v0;
	s1 =	sadd.s32 s4, s1;
	s5 =	ssub.s32 $0x2, s29;
	s7 =	sshll.u32 s29, $0x9  }
0xe: {  	v1 =	vimm.f32 $0.0e+00;
	s4 =	sshll.u32 s29, $0xD;
	s8 =	sshrl.u32 s5, $0x1;
	s6 =	sor.u32 s7, s6  }
.Ltmp0:
0xf: {  	s1 =	sadd.s32 s4, s1;
	v2 =	vor.u32 $0x800, v0;
	v3 =	vor.u32 $0x1000, v0;
	v4 =	vor.u32 $0x1800, v0;
	s4 =	simm.s32 $0x10200;
	(pc) =	sbr.rel .LBB2_1-.Ltmp0, $4  }
0x10: {  	v5 =	vor.u32 $0x2000, v0;
	v6 =	vor.u32 $0x2800, v0;
	v7 =	vor.u32 $0x3000, v0;
	s5 =	ssub.s32 s5, s8;
	s6 =	sshrl.u32 s6, $0x3;
	s31 =	sadd.s32 $0x400, s1  }
0x11: {  	v8 =	vor.u32 $0x3800, v0;
	v9 =	vor.u32 $0x4000, v0;
	v10 =	vor.u32 $0x4800, v0;
	s8 =	simm.s32 $0x400;
	s0 =	sadd.s32 s0, s6;
	[dreg:$0x6] =	wrdreg s31  }
0x12: {  	v11 =	vor.u32 $0x5000, v0;
	v12 =	vor.u32 $0x5800, v0;
	v13 =	vor.u32 $0x6000, v0;
	s1 =	simm.s32 $0x1;
	s30 =	smax.u32 s5, $0x1;
	[dreg:$0x4] =	wrdreg s0  }
0x13: {  	v14 =	vor.u32 $0x6800, v0;
	v15 =	vor.u32 $0x7000, v0;
	v16 =	vor.u32 $0x7800, v0;
	s5 =	simm.s32 $0x2;
	s6 =	simm.s32 $0x10A00;
	[dreg:$0x5] =	wrdreg s30  }
.LBB2_11:
0x14: {  	s0 =	simm.s32 $0x3  }
0x15: {  	_ =	swait.ge [sflag:s0], $0x800  }
0x16: {  	[sflag:s0] =	ssyncset.done $0x0  }
0x17: {  	s31 =	simm.s32 $0x4;
	[sflag:s0] =	ssyncadd.s32 $0xFFFFF800  }
0x18: {  	_ =	swait.ge [sflag:s31], $0x800  }
0x19: {  	s28 =	rddreg [dreg:$0x7]  }
0x1a: {  	s7 =	rddreg [dreg:$0x5];
	s28 =	sadd.s32 $0x1, s28  }
0x1b: {  	p0 =	sne.s32 s28, s7  }
.Ltmp1:
0x1c: {  	_ = 	snop;
	(pc) =	sbr.rel @!p0 .LBB2_12-.Ltmp1, $3  }
0x1d: {  	_ =	sdelay $0x1  }
0x1e: {  	[sflag:s31] =	ssyncset.done $0x0  }
0x1f: {  	[sflag:s31] =	ssyncadd.s32 $0xFFFFF800  }
.LBB2_1:
0x20: {  	[dreg:$0x7] =	wrdreg s28  }
0x21: {  	s7 =	rddreg [dreg:$0x4];
	s30 =	simm.s32 $0x5  }
0x22: {  	[tilespmem:s3], [sflag:$0x5] =	stream.linear.gather [hbm4b:s7+s3], $0x200, $0x38;
	[tilespmem:$0x11200] =	vst v63  }
0x23: {  	_ =	swait.ge [sflag:s30], $0x200  }
0x24: {  	[sflag:s30] =	ssyncset.done $0x0  }
0x25: {  	[sflag:s30] =	ssyncadd.s32 $0xFFFFFE00  }
0x26: {  	v17 =	vld [tilespmem:$0x0];
	_ =	sdelay $0x4  }
0x27: {  	(v2sf) =	vpush v17, $0x0  }
0x28: {  	(v2sf) =	vpush v17, $0x1;
	_ =	sdelay $0x5  }
0x29: {  	(v2sf) =	vpush v17, $0x2;
	_ =	sdelay $0x1  }
0x2a: {  	(v2sf) =	vpush v17, $0x3;
	_ =	sdelay $0x5  }
0x2b: {  	s31 =	spop (v2sf);
	(v2sf) =	vpush v17, $0x4  }
0x2c: {  	s0 =	spop (v2sf);
	(v2sf) =	vpush v17, $0x5;
	_ =	sdelay $0x4  }
0x2d: {  	s7 =	sand.u32 $0xFFFFF80, s31  }
0x2e: {  	s7 =	sadd.s32 s2, s7;
	s30 =	spop (v2sf);
	(v2sf) =	vpush v17, $0x6  }
0x2f: {  	[tilespmem:s10], [sflag:$0x1] =	stream.strided.gather [hbm4b:s7+s8], $0x800, s9, s8, $0x38;
	[tilespmem:$0x11200] =	vst v63  }
0x30: {  	s7 =	sand.u32 $0xFFFFF80, s0;
	s31 =	spop (v2sf);
	(v2sf) =	vpush v17, $0x7  }
0x31: {  	s7 =	sadd.s32 s2, s7  }
0x32: {  	[tilespmem:s11], [sflag:$0x1] =	stream.strided.gather [hbm4b:s7+s8], $0x800, s9, s8, $0x38;
	[tilespmem:$0x11200] =	vst v63  }
0x33: {  	s7 =	sand.u32 $0xFFFFF80, s30  }
0x34: {  	s7 =	sadd.s32 s2, s7  }
0x35: {  	[tilespmem:s12], [sflag:$0x1] =	stream.strided.gather [hbm4b:s7+s8], $0x800, s9, s8, $0x38;
	[tilespmem:$0x11200] =	vst v63  }
0x36: {  	s7 =	sand.u32 $0xFFFFF80, s31;
	s0 =	spop (v2sf);
	(v2sf) =	vpush v17, $0x8  }
0x37: {  	s7 =	sadd.s32 s2, s7;
	s30 =	spop (v2sf);
	(v2sf) =	vpush v17, $0x9  }
0x38: {  	[tilespmem:s13], [sflag:$0x1] =	stream.strided.gather [hbm4b:s7+s8], $0x800, s9, s8, $0x38;
	[tilespmem:$0x11200] =	vst v63  }
0x39: {  	s7 =	sand.u32 $0xFFFFF80, s0  }
0x3a: {  	s7 =	sadd.s32 s2, s7  }
0x3b: {  	[tilespmem:s14], [sflag:$0x1] =	stream.strided.gather [hbm4b:s7+s8], $0x800, s9, s8, $0x38;
	[tilespmem:$0x11200] =	vst v63  }
0x3c: {  	(v2sf) =	vpush v17, $0xA;
	s7 =	sand.u32 $0xFFFFF80, s30  }
0x3d: {  	s31 =	spop (v2sf);
	s7 =	sadd.s32 s2, s7  }
0x3e: {  	(v2sf) =	vpush v17, $0xB;
	[tilespmem:s15], [sflag:$0x1] =	stream.strided.gather [hbm4b:s7+s8], $0x800, s9, s8, $0x38;
	[tilespmem:$0x11200] =	vst v63  }
0x3f: {  	s0 =	spop (v2sf);
	(v2sf) =	vpush v17, $0xC;
	s7 =	sand.u32 $0xFFFFF80, s31  }
0x40: {  	s7 =	sadd.s32 s2, s7  }
0x41: {  	[tilespmem:s16], [sflag:$0x1] =	stream.strided.gather [hbm4b:s7+s8], $0x800, s9, s8, $0x38;
	[tilespmem:$0x11200] =	vst v63  }
0x42: {  	s7 =	sand.u32 $0xFFFFF80, s0  }
0x43: {  	s7 =	sadd.s32 s2, s7  }
0x44: {  	[tilespmem:s17], [sflag:$0x1] =	stream.strided.gather [hbm4b:s7+s8], $0x800, s9, s8, $0x38;
	[tilespmem:$0x11200] =	vst v63  }
0x45: {  	s30 =	spop (v2sf);
	(v2sf) =	vpush v17, $0xD  }
0x46: {  	s31 =	spop (v2sf);
	(v2sf) =	vpush v17, $0xE  }
0x47: {  	s7 =	sand.u32 $0xFFFFF80, s30  }
0x48: {  	s7 =	sadd.s32 s2, s7  }
0x49: {  	[tilespmem:s18], [sflag:$0x1] =	stream.strided.gather [hbm4b:s7+s8], $0x800, s9, s8, $0x38;
	[tilespmem:$0x11200] =	vst v63  }
0x4a: {  	s7 =	sand.u32 $0xFFFFF80, s31  }
0x4b: {  	s0 =	spop (v2sf);
	(v2sf) =	vpush v17, $0xF;
	s7 =	sadd.s32 s2, s7  }
0x4c: {  	[tilespmem:s19], [sflag:$0x1] =	stream.strided.gather [hbm4b:s7+s8], $0x800, s9, s8, $0x38;
	[tilespmem:$0x11200] =	vst v63  }
0x4d: {  	s28 =	spop (v2sf);
	s7 =	sand.u32 $0xFFFFF80, s0  }
0x4e: {  	s30 =	sand.u32 $0xFFFFF80, s28;
	s28 =	spop (v2sf);
	s7 =	sadd.s32 s2, s7  }
0x4f: {  	[tilespmem:s20], [sflag:$0x1] =	stream.strided.gather [hbm4b:s7+s8], $0x800, s9, s8, $0x38;
	[tilespmem:$0x11200] =	vst v63  }
0x50: {  	s31 =	sand.u32 $0xFFFFF80, s28;
	s7 =	sadd.s32 s2, s30  }
0x51: {  	[tilespmem:s21], [sflag:$0x1] =	stream.strided.gather [hbm4b:s7+s8], $0x800, s9, s8, $0x38;
	[tilespmem:$0x11200] =	vst v63  }
0x52: {  	s7 =	sadd.s32 s2, s31  }
0x53: {  	[tilespmem:s22], [sflag:$0x1] =	stream.strided.gather [hbm4b:s7+s8], $0x800, s9, s8, $0x38;
	[tilespmem:$0x11200] =	vst v63  }
0x54: {  	s28 =	spop (v2sf)  }
0x55: {  	s0 =	sand.u32 $0xFFFFF80, s28;
	s28 =	spop (v2sf)  }
0x56: {  	s7 =	sadd.s32 s2, s0;
	s30 =	sand.u32 $0xFFFFF80, s28  }
0x57: {  	[tilespmem:s23], [sflag:$0x1] =	stream.strided.gather [hbm4b:s7+s8], $0x800, s9, s8, $0x38;
	[tilespmem:$0x11200] =	vst v63  }
0x58: {  	s7 =	sadd.s32 s2, s30  }
0x59: {  	[tilespmem:s24], [sflag:$0x1] =	stream.strided.gather [hbm4b:s7+s8], $0x800, s9, s8, $0x38;
	[tilespmem:$0x11200] =	vst v63  }
.Ltmp2:
0x5a: {  	s31 =	spop (v2sf);
	(pc) =	sbr.rel .LBB2_2-.Ltmp2, $4  }
0x5b: {  	s7 =	sand.u32 $0xFFFFF80, s31  }
0x5c: {  	s7 =	sadd.s32 s2, s7  }
0x5d: {  	[tilespmem:s25], [sflag:$0x1] =	stream.strided.gather [hbm4b:s7+s8], $0x800, s9, s8, $0x38;
	[tilespmem:$0x11200] =	vst v63  }
0x5e: {  	s29 =	simm.s32 $0x0;
	s28 =	rddreg [dreg:$0x6];
	s7 =	simm.s32 $0x10  }
.LBB2_10:
0x5f: {  	s29 =	sadd.s32 $0x1, s29  }
0x60: {  	p0 =	sne.s32 s29, $0x20  }
.Ltmp3:
0x61: {  	_ = 	snop;
	(pc) =	sbr.rel @!p0 .LBB2_11-.Ltmp3, $2  }
0x62: {  	_ =	sdelay $0x2  }
0x63: {  	s28 =	sadd.s32 $0x100, s28;
	s7 =	sadd.s32 $0x10, s7  }
.LBB2_2:
0x64: {  	s30 =	sand.u32 $0x1, s29  }
0x65: {  	p0 =	seq.s32 s30, $0x1  }
.Ltmp4:
0x66: {  	_ = 	snop;
	(pc) =	sbr.rel @p0 .LBB2_4-.Ltmp4, $1  }
0x67: {  	_ =	sdelay $0x3  }
0x68: {  	v17 =	vld [tilespmem:s7+$0x0];
	_ =	sdelay $0x4  }
0x69: {  	(v2sf) =	vpush v17, $0x0;
	_ =	sdelay $0x1  }
0x6a: {  	(v2sf) =	vpush v17, $0x1;
	_ =	sdelay $0x4  }
0x6b: {  	(v2sf) =	vpush v17, $0x2;
	_ =	sdelay $0x3  }
0x6c: {  	(v2sf) =	vpush v17, $0x3;
	_ =	sdelay $0x3  }
0x6d: {  	s31 =	spop (v2sf);
	(v2sf) =	vpush v17, $0x4  }
0x6e: {  	s31 =	sand.u32 $0xFFFFF80, s31  }
0x6f: {  	s0 =	spop (v2sf);
	s31 =	sadd.s32 s2, s31  }
0x70: {  	[tilespmem:s26], [sflag:$0x2] =	stream.strided.gather [hbm4b:s31+s8], $0x800, s9, s8, $0x38;
	[tilespmem:$0x11200] =	vst v63  }
0x71: {  	(v2sf) =	vpush v17, $0x5;
	s31 =	sand.u32 $0xFFFFF80, s0  }
0x72: {  	s0 =	simm.s32 $0x8A00;
	s31 =	sadd.s32 s2, s31  }
0x73: {  	[tilespmem:s0], [sflag:$0x2] =	stream.strided.gather [hbm4b:s31+s8], $0x800, s9, s8, $0x38;
	[tilespmem:$0x11200] =	vst v63  }
0x74: {  	s0 =	spop (v2sf)  }
0x75: {  	(v2sf) =	vpush v17, $0x6;
	s31 =	sand.u32 $0xFFFFF80, s0  }
0x76: {  	s0 =	simm.s32 $0x9200;
	s31 =	sadd.s32 s2, s31  }
0x77: {  	[tilespmem:s0], [sflag:$0x2] =	stream.strided.gather [hbm4b:s31+s8], $0x800, s9, s8, $0x38;
	[tilespmem:$0x11200] =	vst v63  }
0x78: {  	s0 =	spop (v2sf)  }
0x79: {  	(v2sf) =	vpush v17, $0x7;
	s31 =	sand.u32 $0xFFFFF80, s0  }
0x7a: {  	s0 =	simm.s32 $0x9A00;
	s31 =	sadd.s32 s2, s31  }
0x7b: {  	[tilespmem:s0], [sflag:$0x2] =	stream.strided.gather [hbm4b:s31+s8], $0x800, s9, s8, $0x38;
	[tilespmem:$0x11200] =	vst v63  }
0x7c: {  	s0 =	spop (v2sf)  }
0x7d: {  	(v2sf) =	vpush v17, $0x8;
	s31 =	sand.u32 $0xFFFFF80, s0  }
0x7e: {  	s0 =	simm.s32 $0xA200;
	s31 =	sadd.s32 s2, s31  }
0x7f: {  	[tilespmem:s0], [sflag:$0x2] =	stream.strided.gather [hbm4b:s31+s8], $0x800, s9, s8, $0x38;
	[tilespmem:$0x11200] =	vst v63  }
0x80: {  	s0 =	spop (v2sf)  }
0x81: {  	(v2sf) =	vpush v17, $0x9;
	s31 =	sand.u32 $0xFFFFF80, s0  }
0x82: {  	s0 =	simm.s32 $0xAA00;
	s31 =	sadd.s32 s2, s31  }
0x83: {  	[tilespmem:s0], [sflag:$0x2] =	stream.strided.gather [hbm4b:s31+s8], $0x800, s9, s8, $0x38;
	[tilespmem:$0x11200] =	vst v63  }
0x84: {  	s0 =	spop (v2sf)  }
0x85: {  	(v2sf) =	vpush v17, $0xA;
	s31 =	sand.u32 $0xFFFFF80, s0  }
0x86: {  	s0 =	simm.s32 $0xB200;
	s31 =	sadd.s32 s2, s31  }
0x87: {  	[tilespmem:s0], [sflag:$0x2] =	stream.strided.gather [hbm4b:s31+s8], $0x800, s9, s8, $0x38;
	[tilespmem:$0x11200] =	vst v63  }
0x88: {  	s0 =	spop (v2sf)  }
0x89: {  	(v2sf) =	vpush v17, $0xB;
	s31 =	sand.u32 $0xFFFFF80, s0  }
0x8a: {  	s0 =	simm.s32 $0xBA00;
	s31 =	sadd.s32 s2, s31  }
0x8b: {  	[tilespmem:s0], [sflag:$0x2] =	stream.strided.gather [hbm4b:s31+s8], $0x800, s9, s8, $0x38;
	[tilespmem:$0x11200] =	vst v63  }
0x8c: {  	s0 =	spop (v2sf)  }
0x8d: {  	(v2sf) =	vpush v17, $0xC;
	s31 =	sand.u32 $0xFFFFF80, s0  }
0x8e: {  	s0 =	simm.s32 $0xC200;
	s31 =	sadd.s32 s2, s31  }
0x8f: {  	[tilespmem:s0], [sflag:$0x2] =	stream.strided.gather [hbm4b:s31+s8], $0x800, s9, s8, $0x38;
	[tilespmem:$0x11200] =	vst v63  }
0x90: {  	s0 =	spop (v2sf)  }
0x91: {  	(v2sf) =	vpush v17, $0xD;
	s31 =	sand.u32 $0xFFFFF80, s0  }
0x92: {  	s0 =	simm.s32 $0xCA00;
	s31 =	sadd.s32 s2, s31  }
0x93: {  	[tilespmem:s0], [sflag:$0x2] =	stream.strided.gather [hbm4b:s31+s8], $0x800, s9, s8, $0x38;
	[tilespmem:$0x11200] =	vst v63  }
0x94: {  	s0 =	spop (v2sf)  }
0x95: {  	(v2sf) =	vpush v17, $0xE;
	s31 =	sand.u32 $0xFFFFF80, s0  }
0x96: {  	s0 =	simm.s32 $0xD200;
	s31 =	sadd.s32 s2, s31  }
0x97: {  	[tilespmem:s0], [sflag:$0x2] =	stream.strided.gather [hbm4b:s31+s8], $0x800, s9, s8, $0x38;
	[tilespmem:$0x11200] =	vst v63  }
0x98: {  	s0 =	spop (v2sf)  }
0x99: {  	(v2sf) =	vpush v17, $0xF;
	s31 =	sand.u32 $0xFFFFF80, s0  }
0x9a: {  	s0 =	simm.s32 $0xDA00;
	s31 =	sadd.s32 s2, s31  }
0x9b: {  	[tilespmem:s0], [sflag:$0x2] =	stream.strided.gather [hbm4b:s31+s8], $0x800, s9, s8, $0x38;
	[tilespmem:$0x11200] =	vst v63  }
0x9c: {  	s0 =	spop (v2sf)  }
0x9d: {  	s31 =	sand.u32 $0xFFFFF80, s0  }
0x9e: {  	s0 =	simm.s32 $0xE200;
	s31 =	sadd.s32 s2, s31  }
0x9f: {  	[tilespmem:s0], [sflag:$0x2] =	stream.strided.gather [hbm4b:s31+s8], $0x800, s9, s8, $0x38;
	[tilespmem:$0x11200] =	vst v63  }
0xa0: {  	s0 =	spop (v2sf)  }
0xa1: {  	s31 =	sand.u32 $0xFFFFF80, s0  }
0xa2: {  	s0 =	simm.s32 $0xEA00;
	s31 =	sadd.s32 s2, s31  }
0xa3: {  	[tilespmem:s0], [sflag:$0x2] =	stream.strided.gather [hbm4b:s31+s8], $0x800, s9, s8, $0x38;
	[tilespmem:$0x11200] =	vst v63  }
0xa4: {  	s0 =	spop (v2sf)  }
0xa5: {  	s31 =	sand.u32 $0xFFFFF80, s0  }
0xa6: {  	s0 =	simm.s32 $0xF200;
	s31 =	sadd.s32 s2, s31  }
0xa7: {  	[tilespmem:s0], [sflag:$0x2] =	stream.strided.gather [hbm4b:s31+s8], $0x800, s9, s8, $0x38;
	[tilespmem:$0x11200] =	vst v63  }
0xa8: {  	s0 =	spop (v2sf)  }
0xa9: {  	s31 =	sand.u32 $0xFFFFF80, s0  }
0xaa: {  	s0 =	simm.s32 $0xFA00;
	s31 =	sadd.s32 s2, s31  }
0xab: {  	[tilespmem:s0], [sflag:$0x2] =	stream.strided.gather [hbm4b:s31+s8], $0x800, s9, s8, $0x38;
	[tilespmem:$0x11200] =	vst v63  }
.LBB2_4:
0xac: {  	p1 =	seq.s32 s29, $0x1F  }
0xad: {  	p1 =	por p1, !p0  }
.Ltmp5:
0xae: {  	_ = 	snop;
	(pc) =	sbr.rel @p1 .LBB2_6-.Ltmp5, $1  }
0xaf: {  	_ =	sdelay $0x3  }
0xb0: {  	v17 =	vld [tilespmem:s7+$0x0];
	_ =	sdelay $0x4  }
0xb1: {  	(v2sf) =	vpush v17, $0x0;
	_ =	sdelay $0x1  }
0xb2: {  	(v2sf) =	vpush v17, $0x1;
	_ =	sdelay $0x2  }
0xb3: {  	(v2sf) =	vpush v17, $0x2;
	_ =	sdelay $0x2  }
0xb4: {  	(v2sf) =	vpush v17, $0x3;
	_ =	sdelay $0x6  }
0xb5: {  	s31 =	spop (v2sf);
	(v2sf) =	vpush v17, $0x4;
	_ =	sdelay $0x1  }
0xb6: {  	s31 =	sand.u32 $0xFFFFF80, s31;
	s0 =	spop (v2sf);
	(v2sf) =	vpush v17, $0x5  }
0xb7: {  	s31 =	sadd.s32 s2, s31  }
0xb8: {  	[tilespmem:s10], [sflag:$0x1] =	stream.strided.gather [hbm4b:s31+s8], $0x800, s9, s8, $0x38;
	[tilespmem:$0x11200] =	vst v63  }
0xb9: {  	s31 =	sand.u32 $0xFFFFF80, s0;
	s0 =	spop (v2sf);
	(v2sf) =	vpush v17, $0x6  }
0xba: {  	s31 =	sadd.s32 s2, s31  }
0xbb: {  	[tilespmem:s11], [sflag:$0x1] =	stream.strided.gather [hbm4b:s31+s8], $0x800, s9, s8, $0x38;
	[tilespmem:$0x11200] =	vst v63  }
0xbc: {  	s31 =	sand.u32 $0xFFFFF80, s0;
	s0 =	spop (v2sf);
	(v2sf) =	vpush v17, $0x7;
	_ =	sdelay $0x3  }
0xbd: {  	s31 =	sadd.s32 s2, s31  }
0xbe: {  	[tilespmem:s12], [sflag:$0x1] =	stream.strided.gather [hbm4b:s31+s8], $0x800, s9, s8, $0x38;
	[tilespmem:$0x11200] =	vst v63  }
0xbf: {  	s31 =	sand.u32 $0xFFFFF80, s0  }
0xc0: {  	s31 =	sadd.s32 s2, s31;
	s0 =	spop (v2sf);
	(v2sf) =	vpush v17, $0x8  }
0xc1: {  	[tilespmem:s13], [sflag:$0x1] =	stream.strided.gather [hbm4b:s31+s8], $0x800, s9, s8, $0x38;
	[tilespmem:$0x11200] =	vst v63  }
0xc2: {  	s31 =	sand.u32 $0xFFFFF80, s0;
	s0 =	spop (v2sf);
	(v2sf) =	vpush v17, $0x9  }
0xc3: {  	s31 =	sadd.s32 s2, s31  }
0xc4: {  	[tilespmem:s14], [sflag:$0x1] =	stream.strided.gather [hbm4b:s31+s8], $0x800, s9, s8, $0x38;
	[tilespmem:$0x11200] =	vst v63  }
0xc5: {  	s31 =	sand.u32 $0xFFFFF80, s0;
	s0 =	spop (v2sf);
	(v2sf) =	vpush v17, $0xA  }
0xc6: {  	s31 =	sadd.s32 s2, s31  }
0xc7: {  	[tilespmem:s15], [sflag:$0x1] =	stream.strided.gather [hbm4b:s31+s8], $0x800, s9, s8, $0x38;
	[tilespmem:$0x11200] =	vst v63  }
0xc8: {  	s31 =	sand.u32 $0xFFFFF80, s0;
	s0 =	spop (v2sf);
	(v2sf) =	vpush v17, $0xB;
	_ =	sdelay $0x3  }
0xc9: {  	s31 =	sadd.s32 s2, s31  }
0xca: {  	[tilespmem:s16], [sflag:$0x1] =	stream.strided.gather [hbm4b:s31+s8], $0x800, s9, s8, $0x38;
	[tilespmem:$0x11200] =	vst v63  }
0xcb: {  	s31 =	sand.u32 $0xFFFFF80, s0  }
0xcc: {  	s31 =	sadd.s32 s2, s31;
	s0 =	spop (v2sf);
	(v2sf) =	vpush v17, $0xC  }
0xcd: {  	[tilespmem:s17], [sflag:$0x1] =	stream.strided.gather [hbm4b:s31+s8], $0x800, s9, s8, $0x38;
	[tilespmem:$0x11200] =	vst v63  }
0xce: {  	s31 =	sand.u32 $0xFFFFF80, s0;
	s0 =	spop (v2sf);
	(v2sf) =	vpush v17, $0xD  }
0xcf: {  	s31 =	sadd.s32 s2, s31  }
0xd0: {  	[tilespmem:s18], [sflag:$0x1] =	stream.strided.gather [hbm4b:s31+s8], $0x800, s9, s8, $0x38;
	[tilespmem:$0x11200] =	vst v63  }
0xd1: {  	s31 =	sand.u32 $0xFFFFF80, s0;
	s0 =	spop (v2sf);
	(v2sf) =	vpush v17, $0xE  }
0xd2: {  	s31 =	sadd.s32 s2, s31  }
0xd3: {  	[tilespmem:s19], [sflag:$0x1] =	stream.strided.gather [hbm4b:s31+s8], $0x800, s9, s8, $0x38;
	[tilespmem:$0x11200] =	vst v63  }
0xd4: {  	s31 =	sand.u32 $0xFFFFF80, s0;
	s0 =	spop (v2sf);
	(v2sf) =	vpush v17, $0xF;
	_ =	sdelay $0x1  }
0xd5: {  	s31 =	sadd.s32 s2, s31  }
0xd6: {  	[tilespmem:s20], [sflag:$0x1] =	stream.strided.gather [hbm4b:s31+s8], $0x800, s9, s8, $0x38;
	[tilespmem:$0x11200] =	vst v63  }
0xd7: {  	s31 =	sand.u32 $0xFFFFF80, s0  }
0xd8: {  	s31 =	sadd.s32 s2, s31  }
0xd9: {  	[tilespmem:s21], [sflag:$0x1] =	stream.strided.gather [hbm4b:s31+s8], $0x800, s9, s8, $0x38;
	[tilespmem:$0x11200] =	vst v63  }
0xda: {  	s0 =	spop (v2sf)  }
0xdb: {  	s31 =	sand.u32 $0xFFFFF80, s0  }
0xdc: {  	s0 =	spop (v2sf);
	s31 =	sadd.s32 s2, s31  }
0xdd: {  	[tilespmem:s22], [sflag:$0x1] =	stream.strided.gather [hbm4b:s31+s8], $0x800, s9, s8, $0x38;
	[tilespmem:$0x11200] =	vst v63  }
0xde: {  	s31 =	sand.u32 $0xFFFFF80, s0  }
0xdf: {  	s0 =	spop (v2sf);
	s31 =	sadd.s32 s2, s31  }
0xe0: {  	[tilespmem:s23], [sflag:$0x1] =	stream.strided.gather [hbm4b:s31+s8], $0x800, s9, s8, $0x38;
	[tilespmem:$0x11200] =	vst v63  }
0xe1: {  	s31 =	sand.u32 $0xFFFFF80, s0  }
0xe2: {  	s0 =	spop (v2sf);
	s31 =	sadd.s32 s2, s31  }
0xe3: {  	[tilespmem:s24], [sflag:$0x1] =	stream.strided.gather [hbm4b:s31+s8], $0x800, s9, s8, $0x38;
	[tilespmem:$0x11200] =	vst v63  }
0xe4: {  	s31 =	sand.u32 $0xFFFFF80, s0  }
0xe5: {  	s31 =	sadd.s32 s2, s31  }
0xe6: {  	[tilespmem:s25], [sflag:$0x1] =	stream.strided.gather [hbm4b:s31+s8], $0x800, s9, s8, $0x38;
	[tilespmem:$0x11200] =	vst v63  }
.LBB2_6:
0xe7: {  	p1 =	slt.u32 s29, $0x2  }
0xe8: {  	p2 =	sne.s32 @!p1 s30, $0x0  }
0xe9: {  	p2 =	por p2, p1  }
0xea: {  	s31 =	simm.s32 @!p2 $0x3  }
0xeb: {  	_ =	swait.ge @!p2 [sflag:s31], $0x800  }
0xec: {  	[sflag:s31] =	ssyncset.done @!p2 $0x0  }
0xed: {  	p3 =	por !p0, !p0;
	[sflag:s31] =	ssyncadd.s32 @!p2 $0xFFFFF800;
	p2 =	sne.s32 s30, $0x0  }
.Ltmp6:
0xee: {  	p1 =	por p1, p3;
	(pc) =	sbr.rel @p2 .LBB2_8-.Ltmp6, $4  }
0xef: {  	s31 =	simm.s32 @!p1 $0x4  }
0xf0: {  	_ =	swait.ge @!p1 [sflag:s31], $0x800  }
0xf1: {  	[sflag:s31] =	ssyncset.done @!p1 $0x0  }
0xf2: {  	[sflag:s31] =	ssyncadd.s32 @!p1 $0xFFFFF800  }
0xf3: {  	_ =	swait.ge [sflag:s1], $0x800  }
0xf4: {  	[sflag:s1] =	ssyncset.done $0x0  }
0xf5: {  	[sflag:s1] =	ssyncadd.s32 $0xFFFFF800  }
0xf6: {  	_ =	swait.ge [sflag:s1], $0x800  }
0xf7: {  	[sflag:s1] =	ssyncset.done $0x0  }
0xf8: {  	[sflag:s1] =	ssyncadd.s32 $0xFFFFF800  }
0xf9: {  	_ =	swait.ge [sflag:s1], $0x800  }
0xfa: {  	[sflag:s1] =	ssyncset.done $0x0  }
0xfb: {  	[sflag:s1] =	ssyncadd.s32 $0xFFFFF800  }
0xfc: {  	_ =	swait.ge [sflag:s1], $0x800  }
0xfd: {  	[sflag:s1] =	ssyncset.done $0x0  }
0xfe: {  	[sflag:s1] =	ssyncadd.s32 $0xFFFFF800  }
0xff: {  	_ =	swait.ge [sflag:s1], $0x800  }
0x100: {  	[sflag:s1] =	ssyncset.done $0x0  }
0x101: {  	[sflag:s1] =	ssyncadd.s32 $0xFFFFF800  }
0x102: {  	_ =	swait.ge [sflag:s1], $0x800  }
0x103: {  	[sflag:s1] =	ssyncset.done $0x0  }
0x104: {  	[sflag:s1] =	ssyncadd.s32 $0xFFFFF800  }
0x105: {  	_ =	swait.ge [sflag:s1], $0x800  }
0x106: {  	[sflag:s1] =	ssyncset.done $0x0  }
0x107: {  	[sflag:s1] =	ssyncadd.s32 $0xFFFFF800  }
0x108: {  	_ =	swait.ge [sflag:s1], $0x800  }
0x109: {  	[sflag:s1] =	ssyncset.done $0x0  }
0x10a: {  	[sflag:s1] =	ssyncadd.s32 $0xFFFFF800  }
0x10b: {  	_ =	swait.ge [sflag:s1], $0x800  }
0x10c: {  	[sflag:s1] =	ssyncset.done $0x0  }
0x10d: {  	[sflag:s1] =	ssyncadd.s32 $0xFFFFF800  }
0x10e: {  	_ =	swait.ge [sflag:s1], $0x800  }
0x10f: {  	[sflag:s1] =	ssyncset.done $0x0  }
0x110: {  	[sflag:s1] =	ssyncadd.s32 $0xFFFFF800  }
0x111: {  	_ =	swait.ge [sflag:s1], $0x800  }
0x112: {  	[sflag:s1] =	ssyncset.done $0x0  }
0x113: {  	[sflag:s1] =	ssyncadd.s32 $0xFFFFF800  }
0x114: {  	_ =	swait.ge [sflag:s1], $0x800  }
0x115: {  	[sflag:s1] =	ssyncset.done $0x0  }
0x116: {  	[sflag:s1] =	ssyncadd.s32 $0xFFFFF800  }
0x117: {  	_ =	swait.ge [sflag:s1], $0x800  }
0x118: {  	[sflag:s1] =	ssyncset.done $0x0  }
0x119: {  	[sflag:s1] =	ssyncadd.s32 $0xFFFFF800  }
0x11a: {  	_ =	swait.ge [sflag:s1], $0x800  }
0x11b: {  	[sflag:s1] =	ssyncset.done $0x0  }
0x11c: {  	[sflag:s1] =	ssyncadd.s32 $0xFFFFF800  }
0x11d: {  	_ =	swait.ge [sflag:s1], $0x800  }
0x11e: {  	[sflag:s1] =	ssyncset.done $0x0  }
0x11f: {  	[sflag:s1] =	ssyncadd.s32 $0xFFFFF800  }
0x120: {  	_ =	swait.ge [sflag:s1], $0x800  }
0x121: {  	[sflag:s1] =	ssyncset.done $0x0  }
0x122: {  	[sflag:s1] =	ssyncadd.s32 $0xFFFFF800  }
0x123: {  	v17 =	vld [tilespmem:s7+$0xFFFFFFF0];
	_ =	sdelay $0x4  }
0x124: {  	v17 =	vand.u32 $0x7F, v17  }
0x125: {  	v18 =	vbroadcast v17, $0x0;
	_ =	sdelay $0x1  }
0x126: {  	v18 =	vor.u32 v0, v18;
	_ =	sdelay $0x3  }
0x127: {  	v19 =	vbroadcast v17, $0x1  }
0x128: {  	v18 =	vld.idx.msk [tilespmem:v18+s10+$0x0], $0xffff  }
0x129: {  	v19 =	vor.u32 v2, v19;
	_ =	sdelay $0x2  }
0x12a: {  	[tilespmem:$0x10210] =	vst v1  }
0x12b: {  	[tilespmem:$0x10200] =	vst v18  }
0x12c: {  	v18 =	vld.idx.msk [tilespmem:v19+s10+$0x0], $0xffff;
	v19 =	vbroadcast v17, $0x2;
	_ =	sdelay $0x1  }
0x12d: {  	v19 =	vor.u32 v3, v19;
	_ =	sdelay $0x2  }
0x12e: {  	[tilespmem:$0x10290] =	vst v1  }
0x12f: {  	[tilespmem:$0x10280] =	vst v18  }
0x130: {  	v18 =	vld.idx.msk [tilespmem:v19+s10+$0x0], $0xffff;
	v19 =	vbroadcast v17, $0x3;
	_ =	sdelay $0x1  }
0x131: {  	v19 =	vor.u32 v4, v19;
	_ =	sdelay $0x2  }
0x132: {  	[tilespmem:$0x10310] =	vst v1  }
0x133: {  	[tilespmem:$0x10300] =	vst v18  }
0x134: {  	v18 =	vld.idx.msk [tilespmem:v19+s10+$0x0], $0xffff;
	v19 =	vbroadcast v17, $0x4;
	_ =	sdelay $0x1  }
0x135: {  	v19 =	vor.u32 v5, v19;
	_ =	sdelay $0x2  }
0x136: {  	[tilespmem:$0x10390] =	vst v1  }
0x137: {  	[tilespmem:$0x10380] =	vst v18  }
0x138: {  	v18 =	vld.idx.msk [tilespmem:v19+s10+$0x0], $0xffff;
	v19 =	vbroadcast v17, $0x5;
	_ =	sdelay $0x1  }
0x139: {  	v19 =	vor.u32 v6, v19;
	_ =	sdelay $0x2  }
0x13a: {  	[tilespmem:$0x10410] =	vst v1  }
0x13b: {  	[tilespmem:$0x10400] =	vst v18  }
0x13c: {  	v18 =	vld.idx.msk [tilespmem:v19+s10+$0x0], $0xffff;
	v19 =	vbroadcast v17, $0x6;
	_ =	sdelay $0x1  }
0x13d: {  	v19 =	vor.u32 v7, v19;
	_ =	sdelay $0x2  }
0x13e: {  	[tilespmem:$0x10490] =	vst v1  }
0x13f: {  	[tilespmem:$0x10480] =	vst v18  }
0x140: {  	v18 =	vld.idx.msk [tilespmem:v19+s10+$0x0], $0xffff;
	v19 =	vbroadcast v17, $0x7;
	_ =	sdelay $0x1  }
0x141: {  	v19 =	vor.u32 v8, v19;
	_ =	sdelay $0x2  }
0x142: {  	[tilespmem:$0x10510] =	vst v1  }
0x143: {  	[tilespmem:$0x10500] =	vst v18  }
0x144: {  	v18 =	vld.idx.msk [tilespmem:v19+s10+$0x0], $0xffff;
	v19 =	vbroadcast v17, $0x8;
	_ =	sdelay $0x1  }
0x145: {  	v19 =	vor.u32 v9, v19;
	_ =	sdelay $0x2  }
0x146: {  	[tilespmem:$0x10590] =	vst v1  }
0x147: {  	[tilespmem:$0x10580] =	vst v18  }
0x148: {  	v18 =	vld.idx.msk [tilespmem:v19+s10+$0x0], $0xffff;
	v19 =	vbroadcast v17, $0x9;
	_ =	sdelay $0x1  }
0x149: {  	v19 =	vor.u32 v10, v19;
	_ =	sdelay $0x2  }
0x14a: {  	[tilespmem:$0x10610] =	vst v1  }
0x14b: {  	[tilespmem:$0x10600] =	vst v18  }
0x14c: {  	v18 =	vld.idx.msk [tilespmem:v19+s10+$0x0], $0xffff;
	v19 =	vbroadcast v17, $0xA;
	_ =	sdelay $0x1  }
0x14d: {  	v19 =	vor.u32 v11, v19;
	_ =	sdelay $0x2  }
0x14e: {  	[tilespmem:$0x10690] =	vst v1  }
0x14f: {  	[tilespmem:$0x10680] =	vst v18  }
0x150: {  	v18 =	vld.idx.msk [tilespmem:v19+s10+$0x0], $0xffff;
	v19 =	vbroadcast v17, $0xB;
	_ =	sdelay $0x1  }
0x151: {  	v19 =	vor.u32 v12, v19;
	_ =	sdelay $0x2  }
0x152: {  	[tilespmem:$0x10710] =	vst v1  }
0x153: {  	[tilespmem:$0x10700] =	vst v18  }
0x154: {  	v18 =	vld.idx.msk [tilespmem:v19+s10+$0x0], $0xffff;
	v19 =	vbroadcast v17, $0xC;
	_ =	sdelay $0x1  }
0x155: {  	v19 =	vor.u32 v13, v19;
	_ =	sdelay $0x2  }
0x156: {  	[tilespmem:$0x10790] =	vst v1  }
0x157: {  	[tilespmem:$0x10780] =	vst v18  }
0x158: {  	v18 =	vld.idx.msk [tilespmem:v19+s10+$0x0], $0xffff;
	v19 =	vbroadcast v17, $0xD;
	_ =	sdelay $0x1  }
0x159: {  	v19 =	vor.u32 v14, v19;
	_ =	sdelay $0x2  }
0x15a: {  	[tilespmem:$0x10810] =	vst v1  }
0x15b: {  	[tilespmem:$0x10800] =	vst v18  }
0x15c: {  	v18 =	vld.idx.msk [tilespmem:v19+s10+$0x0], $0xffff;
	v19 =	vbroadcast v17, $0xE;
	_ =	sdelay $0x1  }
0x15d: {  	v19 =	vor.u32 v15, v19;
	_ =	sdelay $0x2  }
0x15e: {  	[tilespmem:$0x10890] =	vst v1  }
0x15f: {  	v17 =	vbroadcast v17, $0xF;
	[tilespmem:$0x10880] =	vst v18  }
0x160: {  	v18 =	vld.idx.msk [tilespmem:v19+s10+$0x0], $0xffff  }
0x161: {  	v17 =	vor.u32 v16, v17;
	_ =	sdelay $0x2  }
0x162: {  	[tilespmem:$0x10910] =	vst v1  }
0x163: {  	[tilespmem:$0x10900] =	vst v18  }
0x164: {  	v17 =	vld.idx.msk [tilespmem:v17+s10+$0x0], $0xffff;
	_ =	sdelay $0x3  }
0x165: {  	[tilespmem:$0x10990] =	vst v1  }
0x166: {  	[tilespmem:$0x10980] =	vst v17  }
0x167: {  	[hbm4b:s28+s3] =	stream.linear.scatter [tilespmem:s4], [sflag:$0x3], $0x800, $0x38;
	[tilespmem:$0x11200] =	vst v63  }
.LBB2_8:
.Ltmp7:
0x168: {  	(pc) =	sbr.rel @!p0 .LBB2_10-.Ltmp7, $1  }
0x169: {  	_ =	sdelay $0x3  }
0x16a: {  	_ =	swait.ge [sflag:s5], $0x800  }
0x16b: {  	[sflag:s5] =	ssyncset.done $0x0  }
0x16c: {  	[sflag:s5] =	ssyncadd.s32 $0xFFFFF800  }
0x16d: {  	_ =	swait.ge [sflag:s5], $0x800  }
0x16e: {  	[sflag:s5] =	ssyncset.done $0x0  }
0x16f: {  	[sflag:s5] =	ssyncadd.s32 $0xFFFFF800  }
0x170: {  	_ =	swait.ge [sflag:s5], $0x800  }
0x171: {  	[sflag:s5] =	ssyncset.done $0x0  }
0x172: {  	[sflag:s5] =	ssyncadd.s32 $0xFFFFF800  }
0x173: {  	_ =	swait.ge [sflag:s5], $0x800  }
0x174: {  	[sflag:s5] =	ssyncset.done $0x0  }
0x175: {  	[sflag:s5] =	ssyncadd.s32 $0xFFFFF800  }
0x176: {  	_ =	swait.ge [sflag:s5], $0x800  }
0x177: {  	[sflag:s5] =	ssyncset.done $0x0  }
0x178: {  	[sflag:s5] =	ssyncadd.s32 $0xFFFFF800  }
0x179: {  	_ =	swait.ge [sflag:s5], $0x800  }
0x17a: {  	[sflag:s5] =	ssyncset.done $0x0  }
0x17b: {  	[sflag:s5] =	ssyncadd.s32 $0xFFFFF800  }
0x17c: {  	_ =	swait.ge [sflag:s5], $0x800  }
0x17d: {  	[sflag:s5] =	ssyncset.done $0x0  }
0x17e: {  	[sflag:s5] =	ssyncadd.s32 $0xFFFFF800  }
0x17f: {  	_ =	swait.ge [sflag:s5], $0x800  }
0x180: {  	[sflag:s5] =	ssyncset.done $0x0  }
0x181: {  	[sflag:s5] =	ssyncadd.s32 $0xFFFFF800  }
0x182: {  	_ =	swait.ge [sflag:s5], $0x800  }
0x183: {  	[sflag:s5] =	ssyncset.done $0x0  }
0x184: {  	[sflag:s5] =	ssyncadd.s32 $0xFFFFF800  }
0x185: {  	_ =	swait.ge [sflag:s5], $0x800  }
0x186: {  	[sflag:s5] =	ssyncset.done $0x0  }
0x187: {  	[sflag:s5] =	ssyncadd.s32 $0xFFFFF800  }
0x188: {  	_ =	swait.ge [sflag:s5], $0x800  }
0x189: {  	[sflag:s5] =	ssyncset.done $0x0  }
0x18a: {  	[sflag:s5] =	ssyncadd.s32 $0xFFFFF800  }
0x18b: {  	_ =	swait.ge [sflag:s5], $0x800  }
0x18c: {  	[sflag:s5] =	ssyncset.done $0x0  }
0x18d: {  	[sflag:s5] =	ssyncadd.s32 $0xFFFFF800  }
0x18e: {  	_ =	swait.ge [sflag:s5], $0x800  }
0x18f: {  	[sflag:s5] =	ssyncset.done $0x0  }
0x190: {  	[sflag:s5] =	ssyncadd.s32 $0xFFFFF800  }
0x191: {  	_ =	swait.ge [sflag:s5], $0x800  }
0x192: {  	[sflag:s5] =	ssyncset.done $0x0  }
0x193: {  	[sflag:s5] =	ssyncadd.s32 $0xFFFFF800  }
0x194: {  	_ =	swait.ge [sflag:s5], $0x800  }
0x195: {  	[sflag:s5] =	ssyncset.done $0x0  }
0x196: {  	[sflag:s5] =	ssyncadd.s32 $0xFFFFF800  }
0x197: {  	_ =	swait.ge [sflag:s5], $0x800  }
0x198: {  	[sflag:s5] =	ssyncset.done $0x0  }
0x199: {  	[sflag:s5] =	ssyncadd.s32 $0xFFFFF800  }
0x19a: {  	v17 =	vld [tilespmem:s7+$0xFFFFFFF0];
	_ =	sdelay $0x4  }
0x19b: {  	v17 =	vand.u32 $0x7F, v17  }
0x19c: {  	v18 =	vbroadcast v17, $0x0;
	_ =	sdelay $0x1  }
0x19d: {  	v18 =	vor.u32 v0, v18;
	_ =	sdelay $0x3  }
0x19e: {  	v19 =	vbroadcast v17, $0x1  }
0x19f: {  	v18 =	vld.idx.msk [tilespmem:v18+s26+$0x0], $0xffff  }
0x1a0: {  	v19 =	vor.u32 v2, v19;
	_ =	sdelay $0x2  }
0x1a1: {  	[tilespmem:$0x10A10] =	vst v1  }
0x1a2: {  	[tilespmem:$0x10A00] =	vst v18  }
0x1a3: {  	v18 =	vld.idx.msk [tilespmem:v19+s26+$0x0], $0xffff;
	v19 =	vbroadcast v17, $0x2;
	_ =	sdelay $0x1  }
0x1a4: {  	v19 =	vor.u32 v3, v19;
	_ =	sdelay $0x2  }
0x1a5: {  	[tilespmem:$0x10A90] =	vst v1  }
0x1a6: {  	[tilespmem:$0x10A80] =	vst v18  }
0x1a7: {  	v18 =	vld.idx.msk [tilespmem:v19+s26+$0x0], $0xffff;
	v19 =	vbroadcast v17, $0x3;
	_ =	sdelay $0x1  }
0x1a8: {  	v19 =	vor.u32 v4, v19;
	_ =	sdelay $0x2  }
0x1a9: {  	[tilespmem:$0x10B10] =	vst v1  }
0x1aa: {  	[tilespmem:$0x10B00] =	vst v18  }
0x1ab: {  	v18 =	vld.idx.msk [tilespmem:v19+s26+$0x0], $0xffff;
	v19 =	vbroadcast v17, $0x4;
	_ =	sdelay $0x1  }
0x1ac: {  	v19 =	vor.u32 v5, v19;
	_ =	sdelay $0x2  }
0x1ad: {  	[tilespmem:$0x10B90] =	vst v1  }
0x1ae: {  	[tilespmem:$0x10B80] =	vst v18  }
0x1af: {  	v18 =	vld.idx.msk [tilespmem:v19+s26+$0x0], $0xffff;
	v19 =	vbroadcast v17, $0x5;
	_ =	sdelay $0x1  }
0x1b0: {  	v19 =	vor.u32 v6, v19;
	_ =	sdelay $0x2  }
0x1b1: {  	[tilespmem:$0x10C10] =	vst v1  }
0x1b2: {  	[tilespmem:$0x10C00] =	vst v18  }
0x1b3: {  	v18 =	vld.idx.msk [tilespmem:v19+s26+$0x0], $0xffff;
	v19 =	vbroadcast v17, $0x6;
	_ =	sdelay $0x1  }
0x1b4: {  	v19 =	vor.u32 v7, v19;
	_ =	sdelay $0x2  }
0x1b5: {  	[tilespmem:$0x10C90] =	vst v1  }
0x1b6: {  	[tilespmem:$0x10C80] =	vst v18  }
0x1b7: {  	v18 =	vld.idx.msk [tilespmem:v19+s26+$0x0], $0xffff;
	v19 =	vbroadcast v17, $0x7;
	_ =	sdelay $0x1  }
0x1b8: {  	v19 =	vor.u32 v8, v19;
	_ =	sdelay $0x2  }
0x1b9: {  	[tilespmem:$0x10D10] =	vst v1  }
0x1ba: {  	[tilespmem:$0x10D00] =	vst v18  }
0x1bb: {  	v18 =	vld.idx.msk [tilespmem:v19+s26+$0x0], $0xffff;
	v19 =	vbroadcast v17, $0x8;
	_ =	sdelay $0x1  }
0x1bc: {  	v19 =	vor.u32 v9, v19;
	_ =	sdelay $0x2  }
0x1bd: {  	[tilespmem:$0x10D90] =	vst v1  }
0x1be: {  	[tilespmem:$0x10D80] =	vst v18  }
0x1bf: {  	v18 =	vld.idx.msk [tilespmem:v19+s26+$0x0], $0xffff;
	v19 =	vbroadcast v17, $0x9;
	_ =	sdelay $0x1  }
0x1c0: {  	v19 =	vor.u32 v10, v19;
	_ =	sdelay $0x2  }
0x1c1: {  	[tilespmem:$0x10E10] =	vst v1  }
0x1c2: {  	[tilespmem:$0x10E00] =	vst v18  }
0x1c3: {  	v18 =	vld.idx.msk [tilespmem:v19+s26+$0x0], $0xffff;
	v19 =	vbroadcast v17, $0xA;
	_ =	sdelay $0x1  }
0x1c4: {  	v19 =	vor.u32 v11, v19;
	_ =	sdelay $0x2  }
0x1c5: {  	[tilespmem:$0x10E90] =	vst v1  }
0x1c6: {  	[tilespmem:$0x10E80] =	vst v18  }
0x1c7: {  	v18 =	vld.idx.msk [tilespmem:v19+s26+$0x0], $0xffff;
	v19 =	vbroadcast v17, $0xB;
	_ =	sdelay $0x1  }
0x1c8: {  	v19 =	vor.u32 v12, v19;
	_ =	sdelay $0x2  }
0x1c9: {  	[tilespmem:$0x10F10] =	vst v1  }
0x1ca: {  	[tilespmem:$0x10F00] =	vst v18  }
0x1cb: {  	v18 =	vld.idx.msk [tilespmem:v19+s26+$0x0], $0xffff;
	v19 =	vbroadcast v17, $0xC;
	_ =	sdelay $0x1  }
0x1cc: {  	v19 =	vor.u32 v13, v19;
	_ =	sdelay $0x2  }
0x1cd: {  	[tilespmem:$0x10F90] =	vst v1  }
0x1ce: {  	[tilespmem:$0x10F80] =	vst v18  }
0x1cf: {  	v18 =	vld.idx.msk [tilespmem:v19+s26+$0x0], $0xffff;
	v19 =	vbroadcast v17, $0xD;
	_ =	sdelay $0x1  }
0x1d0: {  	v19 =	vor.u32 v14, v19;
	_ =	sdelay $0x2  }
0x1d1: {  	[tilespmem:$0x11010] =	vst v1  }
0x1d2: {  	[tilespmem:$0x11000] =	vst v18  }
0x1d3: {  	v18 =	vld.idx.msk [tilespmem:v19+s26+$0x0], $0xffff;
	v19 =	vbroadcast v17, $0xE;
	_ =	sdelay $0x1  }
0x1d4: {  	v19 =	vor.u32 v15, v19;
	_ =	sdelay $0x2  }
0x1d5: {  	[tilespmem:$0x11090] =	vst v1  }
0x1d6: {  	v17 =	vbroadcast v17, $0xF;
	[tilespmem:$0x11080] =	vst v18  }
0x1d7: {  	v18 =	vld.idx.msk [tilespmem:v19+s26+$0x0], $0xffff  }
0x1d8: {  	v17 =	vor.u32 v16, v17;
	_ =	sdelay $0x2  }
0x1d9: {  	[tilespmem:$0x11110] =	vst v1  }
0x1da: {  	[tilespmem:$0x11100] =	vst v18  }
0x1db: {  	v17 =	vld.idx.msk [tilespmem:v17+s26+$0x0], $0xffff;
	_ =	sdelay $0x1  }
.Ltmp8:
0x1dc: {  	_ = 	snop;
	(pc) =	sbr.rel .LBB2_10-.Ltmp8, $4  }
0x1dd: {  	_ = 	snop  }
0x1de: {  	[tilespmem:$0x11190] =	vst v1  }
0x1df: {  	[tilespmem:$0x11180] =	vst v17  }
0x1e0: {  	[hbm4b:s28+s3] =	stream.linear.scatter [tilespmem:s6], [sflag:$0x4], $0x800, $0x38;
	[tilespmem:$0x11200] =	vst v63  }
.LBB2_12:
0x1e1: {  	_ =	sfence.sel $0x180000  }
0x1e2: {  	[bflag:$0x0] =	sbarrier.arrive $0xFFFF  }
0x1e3: {  	_ =	strace $0x90000047  }
0x1e4: {  	s0 =	stileid.u32;
	[bflag:$0x2] =	sbarrier.arrive $0xFFFF  }
0x1e5: {  	p0 =	sne.s32 s0, $0x0;
	s0 =	rddreg [dreg:$0x3]  }
0x1e6: {  	s0 =	sadd.s32 @!p0 $0x100000, s0  }
0x1e7: {  	[sflag:s0] =	ssyncadd.tile.s32 @!p0 $0x1;
	_ =	shalt  }
.Lfunc_end2:
_tile_overlayer_lowered:
.L_overlay_start_2:
0x1e8: {  	(tag) =	ssettag $0x2  }
0x1e9: {  	s0 =	rddreg [dreg:$0x0];
	s2 =	stileid.u32  }
0x1ea: {  	s1 =	rddreg [dreg:$0x1];
	p0 =	sne.s32 s2, $0x0  }
0x1eb: {  	s3 =	rddreg [dreg:$0x2];
	[bflag:$0x3] =	sbarrier.arrive $0xFFFF;
	s2 =	simm.s32 @!p0 $0x1C05  }
0x1ec: {  	[timem:s3], [sflag:s2] =	dma.local @!p0 [hbm:s0], s1  }
0x1ed: {  	s0 =	simm.s32 @!p0 $0x5  }
0x1ee: {  	_ =	swait.ge @!p0 [sflag:s0], s1  }
0x1ef: {  	s1 =	ssub.s32 @!p0 $0x0, s1;
	[sflag:s0] =	ssyncset.done @!p0 $0x0  }
0x1f0: {  	[sflag:s0] =	ssyncadd.s32 @!p0 s1  }
0x1f1: {  	[bflag:$0x3] =	sbarrier.arrive $0xFFFF  }
0x1f2: {  	_ =	shalt  }

</sc_bundles>
